<compile_context>
chip_gen: v7x
topology: tpu7x:2x2x1
jax: 0.10.2.dev20260603
libtpu: 0.0.44.dev20260713+nightly
codegen_flags: <defaults>
</compile_context>

<pallas_src>
import functools

import jax
import jax.numpy as jnp
from jax import lax
from jax.experimental import pallas as pl
from jax.experimental.pallas import tpu as pltpu
from jax.experimental.pallas import tpu_sc as plsc

_THRESHOLD = 0.5
_MARGIN = 1.0
_EPS = 1e-6
_B = 4
_C = 256
_HF = 128
_WF = 128
_HW = _HF * _WF
_K = 20
_NOC = 16
_NBIN = _K * _C + 16


def _prep_body(oo_ref, lab_ref, idx_ref, cnt_ref, carry_ref):
    r = pl.program_id(1)
    oo = oo_ref[0]
    lab = lab_ref[0]
    thr = jnp.where(oo < _THRESHOLD, 0.0, oo)
    mx = jnp.max(thr, axis=0)
    cidx = lax.broadcasted_iota(jnp.int32, (_NOC, 128, 512), 0)
    cand = jnp.where(thr == mx[None, :, :], cidx, jnp.int32(127))
    arg = jnp.min(cand, axis=0)
    pseudo_full = jnp.where(lab == 0, arg, lab)

    c0 = lax.broadcasted_iota(jnp.int32, (512, 128), 0)
    c1 = lax.broadcasted_iota(jnp.int32, (512, 128), 1)
    scol = (c0 == c1 * 4).astype(jnp.float32)
    s0 = lax.broadcasted_iota(jnp.int32, (32, 128), 0)
    s1 = lax.broadcasted_iota(jnp.int32, (32, 128), 1)
    srow = (s1 == s0 * 4).astype(jnp.float32)
    colsub = lax.dot(pseudo_full.astype(jnp.float32), scol,
                     preferred_element_type=jnp.float32)
    pseudo = lax.dot(srow, colsub,
                     preferred_element_type=jnp.float32).astype(jnp.int32)

    kiota = lax.broadcasted_iota(jnp.int32, (_K, 32, _WF), 0)
    ohb = pseudo[None, :, :] == kiota + 1
    ohf = ohb.astype(jnp.float32)

    r0 = lax.broadcasted_iota(jnp.int32, (_WF, _WF), 0)
    r1 = lax.broadcasted_iota(jnp.int32, (_WF, _WF), 1)
    upper_incl = (r0 <= r1).astype(jnp.float32)
    t0 = lax.broadcasted_iota(jnp.int32, (32, 32), 0)
    t1 = lax.broadcasted_iota(jnp.int32, (32, 32), 1)
    lower_strict = (t0 < t1).astype(jnp.float32)

    incum = lax.dot(ohf.reshape(_K * 32, _WF), upper_incl,
                    preferred_element_type=jnp.float32).reshape(_K, 32, _WF)
    rowtot = incum[:, :, _WF - 1]
    expref = lax.dot(rowtot, lower_strict,
                     preferred_element_type=jnp.float32)

    @pl.when(r == 0)
    def _init():
        carry_ref[...] = jnp.zeros((_K, 1), jnp.float32)

    carry = carry_ref[...]
    rank = (carry[:, :, None] + expref[:, :, None]
            + incum).astype(jnp.int32) - 1
    binv = rank & (_C - 1)
    sel = jnp.sum(jnp.where(ohb, kiota * _C + binv, 0), axis=0)
    dlane = lax.broadcasted_iota(jnp.int32, (32, _WF), 1) & 15
    idx_ref[0] = jnp.where(pseudo > 0, sel, _K * _C + dlane)

    newcarry = carry + jnp.sum(rowtot, axis=1, keepdims=True)
    carry_ref[...] = newcarry
    cnt_ref[0] = newcarry.astype(jnp.int32)


def _prep(outputs_old, labels):
    return pl.pallas_call(
        _prep_body,
        grid=(_B, 4),
        in_specs=[
            pl.BlockSpec((1, _NOC, 128, 512), lambda b, r: (b, 0, r, 0)),
            pl.BlockSpec((1, 128, 512), lambda b, r: (b, r, 0)),
        ],
        out_specs=[
            pl.BlockSpec((1, 32, _WF), lambda b, r: (b, r, 0)),
            pl.BlockSpec((1, _K, 1), lambda b, r: (b, 0, 0)),
        ],
        out_shape=[
            jax.ShapeDtypeStruct((_B, _HF, _WF), jnp.int32),
            jax.ShapeDtypeStruct((_B, _K, 1), jnp.int32),
        ],
        scratch_shapes=[pltpu.VMEM((_K, 1), jnp.float32)],
    )(outputs_old, labels)


def _sc_scatter(fo, f, idx):
    mesh = plsc.VectorSubcoreMesh(core_axis_name="c", subcore_axis_name="s")

    @functools.partial(
        pl.kernel,
        out_type=jax.ShapeDtypeStruct((2, _B, _C, _NBIN), jnp.float32),
        mesh=mesh,
        scratch_types=(
            [pltpu.VMEM((_HW,), jnp.int32)]
            + [pltpu.VMEM((_HW // 2,), jnp.float32) for _ in range(8)]
            + [pltpu.VMEM((_NBIN,), jnp.float32) for _ in range(8)]
            + [pltpu.SemaphoreType.DMA, pltpu.SemaphoreType.DMA]
        ),
        compiler_params=pltpu.CompilerParams(needs_layout_passes=False),
    )
    def run(fo_hbm, f_hbm, idx_hbm, out_hbm, idx_v,
            b00, b01, b10, b11, b20, b21, b30, b31,
            a00, a01, a02, a03, a10, a11, a12, a13, sem, osem):
        HWH = _HW // 2
        wid = lax.axis_index("s") * 2 + lax.axis_index("c")
        b = wid // 8
        slot = wid % 8
        c0 = slot * 32
        pltpu.sync_copy(idx_hbm.at[b], idx_v)
        cbuf = [[b00, b01], [b10, b11], [b20, b21], [b30, b31]]
        acc = [[a00, a01, a02, a03], [a10, a11, a12, a13]]

        def srcs(c, h):
            d = pl.ds(h * HWH, HWH)
            return [fo_hbm.at[b, c, d], fo_hbm.at[b, c + 1, d],
                    f_hbm.at[b, c, d], f_hbm.at[b, c + 1, d]]

        def dsts(c):
            return [out_hbm.at[0, b, c], out_hbm.at[0, b, c + 1],
                    out_hbm.at[1, b, c], out_hbm.at[1, b, c + 1]]

        for s, src in enumerate(srcs(c0, 0)):
            pltpu.async_copy(src, cbuf[s][0], sem)

        def pair_pair(t, carry):
            for pp in range(2):
                p = t * 2 + pp
                c = c0 + p * 2
                ac = acc[pp]

                @pl.when(p >= 2)
                def _drain_prev():
                    for s, dst in enumerate(dsts(c - 4)):
                        pltpu.make_async_copy(ac[s], dst, osem).wait()

                @plsc.parallel_loop(0, _NBIN, step=16, unroll=3)
                def _zero(i):
                    z = jnp.zeros((16,), jnp.float32)
                    for s in range(4):
                        ac[s][pl.ds(i, 16)] = z

                for h in range(2):
                    for s, src in enumerate(srcs(c, h)):
                        pltpu.make_async_copy(src, cbuf[s][h], sem).wait()
                    if h == 0:
                        for s, src in enumerate(srcs(c, 1)):
                            pltpu.async_copy(src, cbuf[s][1], sem)
                    else:
                        @pl.when(p < 15)
                        def _prefetch_next_pair():
                            for s, src in enumerate(srcs(c + 2, 0)):
                                pltpu.async_copy(src, cbuf[s][0], sem)

                    base = h * HWH

                    @plsc.parallel_loop(0, HWH, step=16, unroll=8)
                    def _scatter(i):
                        ix = idx_v[pl.ds(base + i, 16)]
                        for s in range(4):
                            plsc.addupdate_scatter(
                                ac[s], [ix], cbuf[s][h][pl.ds(i, 16)])

                for s, dst in enumerate(dsts(c)):
                    pltpu.async_copy(ac[s], dst, osem)
            return carry

        lax.fori_loop(0, _C // 32, pair_pair, 0)
        for pp in range(2):
            c = c0 + 28 + pp * 2
            for s, dst in enumerate(dsts(c)):
                pltpu.make_async_copy(acc[pp][s], dst, osem).wait()

    return run(fo, f, idx)


def _roll_last(x, s):
    return jnp.concatenate([x[:, -s:], x[:, :-s]], axis=1)


def _fold_body(a2_ref, cnt_ref, eo_ref, en_ref):
    i = pl.program_id(0)
    accs = [jnp.zeros((1, _C), jnp.float32), jnp.zeros((1, _C), jnp.float32)]
    ci = lax.broadcasted_iota(jnp.int32, (_C, _C), 0)
    mi = lax.broadcasted_iota(jnp.int32, (_C, _C), 1)
    total = jnp.int32(0)
    for b in range(_B):
        n_b = cnt_ref[b, i, 0]
        total = total + n_b
        s = n_b & (_C - 1)
        q = jnp.where(((ci * s) & (_C - 1)) == mi, 1.0, 0.0)
        for arr in range(2):
            a = a2_ref[arr, b]
            g = lax.dot_general(a, q, (((0,), (0,)), ((), ())),
                                preferred_element_type=jnp.float32)
            m = _C // 2
            while m >= 1:
                g = g[:m] + _roll_last(g[m:2 * m], m)
                m //= 2
            accs[arr] = accs[arr] + g
    den = jnp.maximum(total, 1).astype(jnp.float32)
    eo_ref[0] = accs[0] / den
    en_ref[0] = accs[1] / den


def _fold(a2, cnt):
    return pl.pallas_call(
        _fold_body,
        grid=(_K,),
        in_specs=[
            pl.BlockSpec((2, _B, _C, _C), lambda i: (0, 0, 0, i)),
            pl.BlockSpec(memory_space=pltpu.MemorySpace.SMEM),
        ],
        out_specs=[
            pl.BlockSpec((1, 1, _C), lambda i: (i, 0, 0)),
            pl.BlockSpec((1, 1, _C), lambda i: (i, 0, 0)),
        ],
        out_shape=[
            jax.ShapeDtypeStruct((_K, 1, _C), jnp.float32),
            jax.ShapeDtypeStruct((_K, 1, _C), jnp.float32),
        ],
    )(a2, cnt)


def _loss_body(eo_ref, en_ref, cnt_ref, out_ref):
    eo = eo_ref[:, 0, :]
    en = en_ref[:, 0, :]
    d_ap = jnp.sqrt(jnp.sum((en - eo + _EPS) ** 2, axis=1, keepdims=True))
    diff = en[:, None, :] - en[None, :, :] + _EPS
    d_an = jnp.sqrt(jnp.sum(diff ** 2, axis=2))
    ntot = jnp.sum(cnt_ref[...], axis=0)
    presf = (ntot > 0).astype(jnp.float32)
    pair = lax.dot_general(presf, presf, (((1,), (1,)), ((), ())),
                           preferred_element_type=jnp.float32)
    e0 = lax.broadcasted_iota(jnp.int32, (_K, _K), 0)
    e1 = lax.broadcasted_iota(jnp.int32, (_K, _K), 1)
    pair = pair * jnp.where(e0 == e1, 0.0, 1.0)
    terms = jnp.maximum(d_ap - d_an + _MARGIN, 0.0)
    loss_total = jnp.sum(terms * pair)
    n_f = jnp.sum(presf)
    loss = jnp.where(n_f > 1.5,
                     loss_total / n_f / jnp.maximum(n_f - 1.0, 1.0),
                     jnp.float32(0.0))
    out_ref[...] = loss.reshape(1, 1)


def _loss(eo, en, cnt):
    return pl.pallas_call(
        _loss_body,
        in_specs=[
            pl.BlockSpec((_K, 1, _C), lambda: (0, 0, 0)),
            pl.BlockSpec((_K, 1, _C), lambda: (0, 0, 0)),
            pl.BlockSpec((_B, _K, 1), lambda: (0, 0, 0)),
        ],
        out_specs=pl.BlockSpec((1, 1), lambda: (0, 0)),
        out_shape=jax.ShapeDtypeStruct((1, 1), jnp.float32),
    )(eo, en, cnt)


def kernel(labels, features_old, features, outputs_old, outputs, prototypes,
           num_class, num_old_class, num_new_class, epoch, train_step,
           len_epoch):
    idx3, cnt = _prep(outputs_old, labels)
    idx = idx3.reshape(_B, _HW)
    fo = features_old.reshape(_B, _C, _HW)
    f = features.reshape(_B, _C, _HW)
    a2 = _sc_scatter(fo, f, idx)
    eo, en = _fold(a2, cnt)
    loss = _loss(eo, en, cnt)
    return loss.reshape(())

# --- scband reference (transcript-rebuilt; emitter-appended) ---
"""Pipeline reference for scband-idec-contrastive-loss-33414845562970 (READ-ONLY COPY).

The authoritative reference and input builder live on the scoring server;
editing this copy changes nothing except your own understanding.
"""

import jax, jax.numpy as jnp
import numpy as np

THRESHOLD = 0.5
MARGIN = 1.0
EPS = 1e-06


def _pairwise_dist(a, b):
    # torch F.pairwise_distance with p=2, eps=1e-6: ||a - b + eps||_2
    return jnp.sqrt(jnp.sum((a - b + EPS) ** 2))


def setup_inputs(seed: int = 0):
    key = jax.random.key(seed)
    B, C, Hf, Wf = 4, 256, 128, 128
    Hi, Wi = 512, 512
    num_class, num_old_class, num_new_class = 21, 16, 5
    ks = [jax.random.fold_in(key, i) for i in range(6)]
    labels = jax.random.randint(ks[0], (B, Hi, Wi), 0, num_class).astype(jnp.int32)
    features_old = jax.random.normal(ks[1], (B, C, Hf, Wf), jnp.float32)
    features = jax.random.normal(ks[2], (B, C, Hf, Wf), jnp.float32)
    outputs_old = jax.random.normal(ks[3], (B, num_old_class, Hi, Wi), jnp.float32)
    outputs = jax.random.normal(ks[4], (B, num_class, Hi, Wi), jnp.float32)
    prototypes = jax.random.normal(ks[5], (num_class, C), jnp.float32)
    return {
        "labels": labels,
        "features_old": features_old,
        "features": features,
        "outputs_old": outputs_old,
        "outputs": outputs,
        "prototypes": prototypes,
        "num_class": num_class,
        "num_old_class": num_old_class,
        "num_new_class": num_new_class,
        "epoch": 0,
        "train_step": 0,
        "len_epoch": 100,
    }


def _pseudo_label(labels, outputs_old, Hf, Wf):
    # nearest-neighbor downsample indices (torch F.interpolate mode='nearest': floor(i*scale))
    Hi, Wi = labels.shape[1], labels.shape[2]
    ri = (np.arange(Hf) * (Hi / Hf)).astype(np.int64)
    ci = (np.arange(Wf) * (Wi / Wf)).astype(np.int64)
    labels_down = labels[:, ri][:, :, ci].astype(jnp.int32)
    labels_bgr_mask = (labels_down == 0).astype(jnp.int32)
    oo = jnp.where(outputs_old < THRESHOLD, jnp.float32(0.0), outputs_old)
    oo_arg = jnp.argmax(oo, axis=1)
    oo_down = oo_arg[:, ri][:, :, ci].astype(jnp.int32)
    pseudo_label_old_down = oo_down * labels_bgr_mask
    pseudo = labels_down + pseudo_label_old_down
    return pseudo


def reference(labels, features_old, features, outputs_old, outputs, prototypes, num_class, num_old_class, num_new_class, epoch, train_step, len_epoch):
    B, C, Hf, Wf = features.shape
    NC = prototypes.shape[0]
    pseudo = _pseudo_label(labels, outputs_old, Hf, Wf)
    HW = Hf * Wf
    f_flat = features.reshape(B, C, HW)
    fo_flat = features_old.reshape(B, C, HW)
    pm = pseudo.reshape(B, HW)
    c_idx = jnp.arange(C, dtype=jnp.int32)[None, :, None]
    emb_old_rows = []
    emb_new_rows = []
    present = []
    for i in range(1, NC):
        m = pm == i
        mi = m.astype(jnp.int32)
        n_b = jnp.sum(mi, axis=1)
        N = jnp.sum(n_b)
        t = jnp.cumsum(mi, axis=1) - 1
        col = (c_idx * n_b[:, None, None] + t[:, None, :]) % C
        w = m[:, None, :]
        sum_old = jnp.zeros((C,), jnp.float32).at[col.reshape(-1)].add(
            jnp.where(w, fo_flat, jnp.float32(0.0)).reshape(-1)
        )
        sum_new = jnp.zeros((C,), jnp.float32).at[col.reshape(-1)].add(
            jnp.where(w, f_flat, jnp.float32(0.0)).reshape(-1)
        )
        denom = jnp.maximum(N, 1).astype(jnp.float32)
        emb_old_rows.append(sum_old / denom)
        emb_new_rows.append(sum_new / denom)
        present.append(N > 0)
    emb_old_arr = jnp.stack(emb_old_rows)
    emb_new_arr = jnp.stack(emb_new_rows)
    pres = jnp.stack(present)
    d_ap = jnp.sqrt(jnp.sum((emb_new_arr - emb_old_arr + EPS) ** 2, axis=1))
    d_an = jnp.sqrt(jnp.sum((emb_new_arr[:, None, :] - emb_new_arr[None, :, :] + EPS) ** 2, axis=2))
    K = NC - 1
    pair_mask = pres[:, None] & pres[None, :] & (~jnp.eye(K, dtype=bool))
    terms = jnp.maximum(d_ap[:, None] - d_an + MARGIN, 0.0)
    loss_total = jnp.sum(jnp.where(pair_mask, terms, jnp.float32(0.0)))
    n_cl = jnp.sum(pres.astype(jnp.int32))
    n_f = n_cl.astype(jnp.float32)
    loss = jnp.where(
        n_cl > 1,
        loss_total / n_f / jnp.maximum(n_f - 1.0, 1.0),
        jnp.float32(0.0),
    )
    return loss

if __name__ == "__main__":
    import jax
    _d = setup_inputs()
    print(jax.jit(kernel)(*tuple(_d.values())))

</pallas_src>

<mosaic_0001>
#map = affine_map<(d0, d1) -> (0, 0, 0)>
#map1 = affine_map<(d0, d1) -> (0, 0)>
#map2 = affine_map<(d0, d1) -> (0, 0, 0, 0)>
module attributes {stable_mosaic.version = 14 : i64} {
  func.func @run(%arg0: i32, %arg1: i32, %arg2: memref<4x256x16384xf32, #tpu.memory_space<hbm>>, %arg3: memref<4x256x16384xf32, #tpu.memory_space<hbm>>, %arg4: memref<4x16384xi32, #tpu.memory_space<hbm>>, %arg5: memref<2x4x256x5136xf32, #tpu.memory_space<hbm>>, %arg6: memref<16384xi32, #tpu.memory_space<vmem>>, %arg7: memref<8192xf32, #tpu.memory_space<vmem>>, %arg8: memref<8192xf32, #tpu.memory_space<vmem>>, %arg9: memref<8192xf32, #tpu.memory_space<vmem>>, %arg10: memref<8192xf32, #tpu.memory_space<vmem>>, %arg11: memref<8192xf32, #tpu.memory_space<vmem>>, %arg12: memref<8192xf32, #tpu.memory_space<vmem>>, %arg13: memref<8192xf32, #tpu.memory_space<vmem>>, %arg14: memref<8192xf32, #tpu.memory_space<vmem>>, %arg15: memref<5136xf32, #tpu.memory_space<vmem>>, %arg16: memref<5136xf32, #tpu.memory_space<vmem>>, %arg17: memref<5136xf32, #tpu.memory_space<vmem>>, %arg18: memref<5136xf32, #tpu.memory_space<vmem>>, %arg19: memref<5136xf32, #tpu.memory_space<vmem>>, %arg20: memref<5136xf32, #tpu.memory_space<vmem>>, %arg21: memref<5136xf32, #tpu.memory_space<vmem>>, %arg22: memref<5136xf32, #tpu.memory_space<vmem>>, %arg23: memref<!tpu.dma_semaphore, #tpu.memory_space<semaphore_mem>>, %arg24: memref<!tpu.dma_semaphore, #tpu.memory_space<semaphore_mem>>) attributes {dimension_semantics = [#tpu.dimension_semantics<core_parallel>, #tpu.dimension_semantics<subcore_parallel>], iteration_bounds = array<i64: 2, 16>, scalar_prefetch = 0 : i64, scratch_operands = 19 : i64, tpu.core_type = #tpu.core_type<sc_vector_subcore>, window_params = [{transform_indices = #map}, {transform_indices = #map}, {transform_indices = #map1}, {transform_indices = #map2}]} {
    %mul3A = arith.constant 2 : i32
    %mul3A_0 = arith.muli %arg1, %mul3A : i32
    %add3A = arith.addi %mul3A_0, %arg0 : i32
    %jit3A = arith.constant 8 : i32
    %div3A = arith.divsi %add3A, %jit3A : i32
    %sign3A = arith.constant 0 : i32
    %sign3A_1 = arith.cmpi sgt, %add3A, %sign3A : i32
    %sign3A_2 = arith.extui %sign3A_1 : i1 to i32
    %sign3A_3 = arith.constant 0 : i32
    %sign3A_4 = arith.cmpi slt, %add3A, %sign3A_3 : i32
    %sign3A_5 = arith.extui %sign3A_4 : i1 to i32
    %sign3A_6 = arith.subi %sign3A_2, %sign3A_5 : i32
    %sign3A_7 = arith.constant 0 : i32
    %sign3A_8 = arith.cmpi sgt, %jit3A, %sign3A_7 : i32
    %sign3A_9 = arith.extui %sign3A_8 : i1 to i32
    %sign3A_10 = arith.constant 0 : i32
    %sign3A_11 = arith.cmpi slt, %jit3A, %sign3A_10 : i32
    %sign3A_12 = arith.extui %sign3A_11 : i1 to i32
    %sign3A_13 = arith.subi %sign3A_9, %sign3A_12 : i32
    %ne3A = arith.cmpi ne, %sign3A_6, %sign3A_13 : i32
    %rem3A = arith.remsi %add3A, %jit3A : i32
    %ne3A_14 = arith.constant 0 : i32
    %ne3A_15 = arith.cmpi ne, %rem3A, %ne3A_14 : i32
    %and3A = arith.andi %ne3A, %ne3A_15 : i1
    %sub3A = arith.constant 1 : i32
    %sub3A_16 = arith.subi %div3A, %sub3A : i32
    %select_n3A = arith.select %and3A, %sub3A_16, %div3A : i32
    %jit3A_17 = arith.constant 8 : i32
    %eq3A = arith.constant 0 : i32
    %eq3A_18 = arith.cmpi eq, %jit3A_17, %eq3A : i32
    %jit3A_19 = arith.constant 1 : i32
    %select_n3A_20 = arith.select %eq3A_18, %jit3A_19, %jit3A_17 : i32
    %rem3A_21 = arith.remsi %add3A, %select_n3A_20 : i32
    %ne3A_22 = arith.constant 0 : i32
    %ne3A_23 = arith.cmpi ne, %rem3A_21, %ne3A_22 : i32
    %lt3A = arith.constant 0 : i32
    %lt3A_24 = arith.cmpi slt, %rem3A_21, %lt3A : i32
    %lt3A_25 = arith.constant 0 : i32
    %lt3A_26 = arith.cmpi slt, %select_n3A_20, %lt3A_25 : i32
    %ne3A_27 = arith.xori %lt3A_24, %lt3A_26 : i1
    %and3A_28 = arith.andi %ne3A_27, %ne3A_23 : i1
    %add3A_29 = arith.addi %rem3A_21, %select_n3A_20 : i32
    %select_n3A_30 = arith.select %and3A_28, %add3A_29, %rem3A_21 : i32
    %mul3A_31 = arith.constant 32 : i32
    %mul3A_32 = arith.muli %select_n3A_30, %mul3A_31 : i32
    "tpu.region"() ({
      %run_scoped3A = tpu.sem_alloc : memref<!tpu.dma_semaphore, #tpu.memory_space<semaphore_mem>>
      %dma_start3A_136 = arith.constant 0 : i32
      %dma_start3A_137 = tpu.memref_slice %arg4[%select_n3A, %dma_start3A_136] : memref<4x16384xi32, #tpu.memory_space<hbm>> -> memref<1x16384xi32, #tpu.memory_space<hbm>>
      %dma_start3A_138 = tpu.memref_squeeze %dma_start3A_137 : memref<1x16384xi32, #tpu.memory_space<hbm>> -> memref<16384xi32, #tpu.memory_space<hbm>>
      %dma_start3A_139 = arith.constant 0 : i32
      %dma_start3A_140 = tpu.memref_slice %arg4[%select_n3A, %dma_start3A_139] : memref<4x16384xi32, #tpu.memory_space<hbm>> -> memref<1x16384xi32, #tpu.memory_space<hbm>>
      %dma_start3A_141 = tpu.memref_squeeze %dma_start3A_140 : memref<1x16384xi32, #tpu.memory_space<hbm>> -> memref<16384xi32, #tpu.memory_space<hbm>>
      tpu.enqueue_dma source(%dma_start3A_141 : memref<16384xi32, #tpu.memory_space<hbm>>) target(%arg6 : memref<16384xi32, #tpu.memory_space<vmem>>) target_semaphore(%run_scoped3A : memref<!tpu.dma_semaphore, #tpu.memory_space<semaphore_mem>>)
      %dma_wait3A_142 = arith.constant 0 : i32
      %dma_wait3A_143 = tpu.memref_slice %arg4[%select_n3A, %dma_wait3A_142] : memref<4x16384xi32, #tpu.memory_space<hbm>> -> memref<1x16384xi32, #tpu.memory_space<hbm>>
      %dma_wait3A_144 = tpu.memref_squeeze %dma_wait3A_143 : memref<1x16384xi32, #tpu.memory_space<hbm>> -> memref<16384xi32, #tpu.memory_space<hbm>>
      %dma_wait3A_145 = arith.constant 0 : i32
      %dma_wait3A_146 = tpu.memref_slice %arg4[%select_n3A, %dma_wait3A_145] : memref<4x16384xi32, #tpu.memory_space<hbm>> -> memref<1x16384xi32, #tpu.memory_space<hbm>>
      %dma_wait3A_147 = tpu.memref_squeeze %dma_wait3A_146 : memref<1x16384xi32, #tpu.memory_space<hbm>> -> memref<16384xi32, #tpu.memory_space<hbm>>
      tpu.wait_dma2 semaphore(%run_scoped3A : memref<!tpu.dma_semaphore, #tpu.memory_space<semaphore_mem>>) src(%dma_wait3A_147 : memref<16384xi32, #tpu.memory_space<hbm>>) dst(%arg6 : memref<16384xi32, #tpu.memory_space<vmem>>)
      tpu.yield
    }) : () -> ()
    %add3A_33 = arith.constant 1 : i32
    %add3A_34 = arith.addi %mul3A_32, %add3A_33 : i32
    %add3A_35 = arith.constant 1 : i32
    %add3A_36 = arith.addi %mul3A_32, %add3A_35 : i32
    %dma_start3A = arith.constant 0 : i32
    %dma_start3A_37 = tpu.memref_slice %arg2[%select_n3A, %mul3A_32, %dma_start3A] : memref<4x256x16384xf32, #tpu.memory_space<hbm>> -> memref<1x1x8192xf32, #tpu.memory_space<hbm>>
    %dma_start3A_38 = tpu.memref_squeeze %dma_start3A_37 : memref<1x1x8192xf32, #tpu.memory_space<hbm>> -> memref<8192xf32, #tpu.memory_space<hbm>>
    %dma_start3A_39 = arith.constant 0 : i32
    %dma_start3A_40 = tpu.memref_slice %arg2[%select_n3A, %mul3A_32, %dma_start3A_39] : memref<4x256x16384xf32, #tpu.memory_space<hbm>> -> memref<1x1x8192xf32, #tpu.memory_space<hbm>>
    %dma_start3A_41 = tpu.memref_squeeze %dma_start3A_40 : memref<1x1x8192xf32, #tpu.memory_space<hbm>> -> memref<8192xf32, #tpu.memory_space<hbm>>
    tpu.enqueue_dma source(%dma_start3A_41 : memref<8192xf32, #tpu.memory_space<hbm>>) target(%arg7 : memref<8192xf32, #tpu.memory_space<vmem>>) target_semaphore(%arg23 : memref<!tpu.dma_semaphore, #tpu.memory_space<semaphore_mem>>)
    %dma_start3A_42 = arith.constant 0 : i32
    %dma_start3A_43 = tpu.memref_slice %arg2[%select_n3A, %add3A_34, %dma_start3A_42] : memref<4x256x16384xf32, #tpu.memory_space<hbm>> -> memref<1x1x8192xf32, #tpu.memory_space<hbm>>
    %dma_start3A_44 = tpu.memref_squeeze %dma_start3A_43 : memref<1x1x8192xf32, #tpu.memory_space<hbm>> -> memref<8192xf32, #tpu.memory_space<hbm>>
    %dma_start3A_45 = arith.constant 0 : i32
    %dma_start3A_46 = tpu.memref_slice %arg2[%select_n3A, %add3A_34, %dma_start3A_45] : memref<4x256x16384xf32, #tpu.memory_space<hbm>> -> memref<1x1x8192xf32, #tpu.memory_space<hbm>>
    %dma_start3A_47 = tpu.memref_squeeze %dma_start3A_46 : memref<1x1x8192xf32, #tpu.memory_space<hbm>> -> memref<8192xf32, #tpu.memory_space<hbm>>
    tpu.enqueue_dma source(%dma_start3A_47 : memref<8192xf32, #tpu.memory_space<hbm>>) target(%arg9 : memref<8192xf32, #tpu.memory_space<vmem>>) target_semaphore(%arg23 : memref<!tpu.dma_semaphore, #tpu.memory_space<semaphore_mem>>)
    %dma_start3A_48 = arith.constant 0 : i32
    %dma_start3A_49 = tpu.memref_slice %arg3[%select_n3A, %mul3A_32, %dma_start3A_48] : memref<4x256x16384xf32, #tpu.memory_space<hbm>> -> memref<1x1x8192xf32, #tpu.memory_space<hbm>>
    %dma_start3A_50 = tpu.memref_squeeze %dma_start3A_49 : memref<1x1x8192xf32, #tpu.memory_space<hbm>> -> memref<8192xf32, #tpu.memory_space<hbm>>
    %dma_start3A_51 = arith.constant 0 : i32
    %dma_start3A_52 = tpu.memref_slice %arg3[%select_n3A, %mul3A_32, %dma_start3A_51] : memref<4x256x16384xf32, #tpu.memory_space<hbm>> -> memref<1x1x8192xf32, #tpu.memory_space<hbm>>
    %dma_start3A_53 = tpu.memref_squeeze %dma_start3A_52 : memref<1x1x8192xf32, #tpu.memory_space<hbm>> -> memref<8192xf32, #tpu.memory_space<hbm>>
    tpu.enqueue_dma source(%dma_start3A_53 : memref<8192xf32, #tpu.memory_space<hbm>>) target(%arg11 : memref<8192xf32, #tpu.memory_space<vmem>>) target_semaphore(%arg23 : memref<!tpu.dma_semaphore, #tpu.memory_space<semaphore_mem>>)
    %dma_start3A_54 = arith.constant 0 : i32
    %dma_start3A_55 = tpu.memref_slice %arg3[%select_n3A, %add3A_36, %dma_start3A_54] : memref<4x256x16384xf32, #tpu.memory_space<hbm>> -> memref<1x1x8192xf32, #tpu.memory_space<hbm>>
    %dma_start3A_56 = tpu.memref_squeeze %dma_start3A_55 : memref<1x1x8192xf32, #tpu.memory_space<hbm>> -> memref<8192xf32, #tpu.memory_space<hbm>>
    %dma_start3A_57 = arith.constant 0 : i32
    %dma_start3A_58 = tpu.memref_slice %arg3[%select_n3A, %add3A_36, %dma_start3A_57] : memref<4x256x16384xf32, #tpu.memory_space<hbm>> -> memref<1x1x8192xf32, #tpu.memory_space<hbm>>
    %dma_start3A_59 = tpu.memref_squeeze %dma_start3A_58 : memref<1x1x8192xf32, #tpu.memory_space<hbm>> -> memref<8192xf32, #tpu.memory_space<hbm>>
    tpu.enqueue_dma source(%dma_start3A_59 : memref<8192xf32, #tpu.memory_space<hbm>>) target(%arg13 : memref<8192xf32, #tpu.memory_space<vmem>>) target_semaphore(%arg23 : memref<!tpu.dma_semaphore, #tpu.memory_space<semaphore_mem>>)
    %scan3A = arith.constant 0 : i32
    %scan3A_60 = arith.constant 0 : i32
    %scan3A_61 = arith.constant 8 : i32
    %scan3A_62 = arith.addi %scan3A_60, %scan3A_61 : i32
    %scan3A_63 = arith.constant 1 : i32
    scf.for %scan3A_136 = %scan3A_60 to %scan3A_62 step %scan3A_63  : i32 {
      %mul3A_137 = arith.constant 2 : i32
      %mul3A_138 = arith.muli %scan3A_136, %mul3A_137 : i32
      %add3A_139 = arith.constant 0 : i32
      %add3A_140 = arith.addi %mul3A_138, %add3A_139 : i32
      %mul3A_141 = arith.constant 2 : i32
      %mul3A_142 = arith.muli %add3A_140, %mul3A_141 : i32
      %add3A_143 = arith.addi %mul3A_32, %mul3A_142 : i32
      %ge3A = arith.constant 2 : i32
      %ge3A_144 = arith.cmpi sge, %add3A_140, %ge3A : i32
      %convert_element_type3A = arith.extui %ge3A_144 : i1 to i32
      %cond3A = arith.constant 0 : i32
      %cond3A_145 = arith.cmpi ne, %convert_element_type3A, %cond3A : i32
      scf.if %cond3A_145 {
        %sub3A_417 = arith.constant 4 : i32
        %sub3A_418 = arith.subi %add3A_143, %sub3A_417 : i32
        %add3A_419 = arith.constant 1 : i32
        %add3A_420 = arith.addi %sub3A_418, %add3A_419 : i32
        %add3A_421 = arith.constant 1 : i32
        %add3A_422 = arith.addi %sub3A_418, %add3A_421 : i32
        %dma_wait3A_423 = arith.constant 0 : i32
        %dma_wait3A_424 = arith.constant 0 : i32
        %dma_wait3A_425 = tpu.memref_slice %arg5[%dma_wait3A_423, %select_n3A, %sub3A_418, %dma_wait3A_424] : memref<2x4x256x5136xf32, #tpu.memory_space<hbm>> -> memref<1x1x1x5136xf32, #tpu.memory_space<hbm>>
        %dma_wait3A_426 = tpu.memref_squeeze %dma_wait3A_425 : memref<1x1x1x5136xf32, #tpu.memory_space<hbm>> -> memref<5136xf32, #tpu.memory_space<hbm>>
        %dma_wait3A_427 = arith.constant 0 : i32
        %dma_wait3A_428 = tpu.memref_slice %arg5[%dma_wait3A_423, %select_n3A, %sub3A_418, %dma_wait3A_427] : memref<2x4x256x5136xf32, #tpu.memory_space<hbm>> -> memref<1x1x1x5136xf32, #tpu.memory_space<hbm>>
        %dma_wait3A_429 = tpu.memref_squeeze %dma_wait3A_428 : memref<1x1x1x5136xf32, #tpu.memory_space<hbm>> -> memref<5136xf32, #tpu.memory_space<hbm>>
        tpu.wait_dma2 semaphore(%arg24 : memref<!tpu.dma_semaphore, #tpu.memory_space<semaphore_mem>>) src(%arg15 : memref<5136xf32, #tpu.memory_space<vmem>>) dst(%dma_wait3A_429 : memref<5136xf32, #tpu.memory_space<hbm>>)
        %dma_wait3A_430 = arith.constant 0 : i32
        %dma_wait3A_431 = arith.constant 0 : i32
        %dma_wait3A_432 = tpu.memref_slice %arg5[%dma_wait3A_430, %select_n3A, %add3A_420, %dma_wait3A_431] : memref<2x4x256x5136xf32, #tpu.memory_space<hbm>> -> memref<1x1x1x5136xf32, #tpu.memory_space<hbm>>
        %dma_wait3A_433 = tpu.memref_squeeze %dma_wait3A_432 : memref<1x1x1x5136xf32, #tpu.memory_space<hbm>> -> memref<5136xf32, #tpu.memory_space<hbm>>
        %dma_wait3A_434 = arith.constant 0 : i32
        %dma_wait3A_435 = tpu.memref_slice %arg5[%dma_wait3A_430, %select_n3A, %add3A_420, %dma_wait3A_434] : memref<2x4x256x5136xf32, #tpu.memory_space<hbm>> -> memref<1x1x1x5136xf32, #tpu.memory_space<hbm>>
        %dma_wait3A_436 = tpu.memref_squeeze %dma_wait3A_435 : memref<1x1x1x5136xf32, #tpu.memory_space<hbm>> -> memref<5136xf32, #tpu.memory_space<hbm>>
        tpu.wait_dma2 semaphore(%arg24 : memref<!tpu.dma_semaphore, #tpu.memory_space<semaphore_mem>>) src(%arg16 : memref<5136xf32, #tpu.memory_space<vmem>>) dst(%dma_wait3A_436 : memref<5136xf32, #tpu.memory_space<hbm>>)
        %dma_wait3A_437 = arith.constant 1 : i32
        %dma_wait3A_438 = arith.constant 0 : i32
        %dma_wait3A_439 = tpu.memref_slice %arg5[%dma_wait3A_437, %select_n3A, %sub3A_418, %dma_wait3A_438] : memref<2x4x256x5136xf32, #tpu.memory_space<hbm>> -> memref<1x1x1x5136xf32, #tpu.memory_space<hbm>>
        %dma_wait3A_440 = tpu.memref_squeeze %dma_wait3A_439 : memref<1x1x1x5136xf32, #tpu.memory_space<hbm>> -> memref<5136xf32, #tpu.memory_space<hbm>>
        %dma_wait3A_441 = arith.constant 0 : i32
        %dma_wait3A_442 = tpu.memref_slice %arg5[%dma_wait3A_437, %select_n3A, %sub3A_418, %dma_wait3A_441] : memref<2x4x256x5136xf32, #tpu.memory_space<hbm>> -> memref<1x1x1x5136xf32, #tpu.memory_space<hbm>>
        %dma_wait3A_443 = tpu.memref_squeeze %dma_wait3A_442 : memref<1x1x1x5136xf32, #tpu.memory_space<hbm>> -> memref<5136xf32, #tpu.memory_space<hbm>>
        tpu.wait_dma2 semaphore(%arg24 : memref<!tpu.dma_semaphore, #tpu.memory_space<semaphore_mem>>) src(%arg17 : memref<5136xf32, #tpu.memory_space<vmem>>) dst(%dma_wait3A_443 : memref<5136xf32, #tpu.memory_space<hbm>>)
        %dma_wait3A_444 = arith.constant 1 : i32
        %dma_wait3A_445 = arith.constant 0 : i32
        %dma_wait3A_446 = tpu.memref_slice %arg5[%dma_wait3A_444, %select_n3A, %add3A_422, %dma_wait3A_445] : memref<2x4x256x5136xf32, #tpu.memory_space<hbm>> -> memref<1x1x1x5136xf32, #tpu.memory_space<hbm>>
        %dma_wait3A_447 = tpu.memref_squeeze %dma_wait3A_446 : memref<1x1x1x5136xf32, #tpu.memory_space<hbm>> -> memref<5136xf32, #tpu.memory_space<hbm>>
        %dma_wait3A_448 = arith.constant 0 : i32
        %dma_wait3A_449 = tpu.memref_slice %arg5[%dma_wait3A_444, %select_n3A, %add3A_422, %dma_wait3A_448] : memref<2x4x256x5136xf32, #tpu.memory_space<hbm>> -> memref<1x1x1x5136xf32, #tpu.memory_space<hbm>>
        %dma_wait3A_450 = tpu.memref_squeeze %dma_wait3A_449 : memref<1x1x1x5136xf32, #tpu.memory_space<hbm>> -> memref<5136xf32, #tpu.memory_space<hbm>>
        tpu.wait_dma2 semaphore(%arg24 : memref<!tpu.dma_semaphore, #tpu.memory_space<semaphore_mem>>) src(%arg18 : memref<5136xf32, #tpu.memory_space<vmem>>) dst(%dma_wait3A_450 : memref<5136xf32, #tpu.memory_space<hbm>>)
      } else {
      }
      %parallel_loop3A = arith.constant 0 : i32
      %parallel_loop3A_146 = arith.constant 5136 : i32
      %parallel_loop3A_147 = arith.constant 16 : i32
      scf.for %parallel_loop3A_417 = %parallel_loop3A to %parallel_loop3A_146 step %parallel_loop3A_147  : i32 {
        %parallel_loop3A_418 = arith.constant 0.000000e+00 : f32
        %parallel_loop3A_419 = vector.broadcast %parallel_loop3A_418 : f32 to vector<16xf32>
        %parallel_loop3A_420 = arith.index_cast %parallel_loop3A_417 : i32 to index
        %parallel_loop3A_421 = tpu.vector_load %arg15[%parallel_loop3A_420] {strides = array<i32>} : memref<5136xf32, #tpu.memory_space<vmem>>, vector<16xf32>,
        tpu.vector_store %arg15[%parallel_loop3A_420], %parallel_loop3A_419 {strides = array<i32>} : memref<5136xf32, #tpu.memory_space<vmem>>, vector<16xf32>,
        %parallel_loop3A_422 = arith.index_cast %parallel_loop3A_417 : i32 to index
        %parallel_loop3A_423 = tpu.vector_load %arg16[%parallel_loop3A_422] {strides = array<i32>} : memref<5136xf32, #tpu.memory_space<vmem>>, vector<16xf32>,
        tpu.vector_store %arg16[%parallel_loop3A_422], %parallel_loop3A_419 {strides = array<i32>} : memref<5136xf32, #tpu.memory_space<vmem>>, vector<16xf32>,
        %parallel_loop3A_424 = arith.index_cast %parallel_loop3A_417 : i32 to index
        %parallel_loop3A_425 = tpu.vector_load %arg17[%parallel_loop3A_424] {strides = array<i32>} : memref<5136xf32, #tpu.memory_space<vmem>>, vector<16xf32>,
        tpu.vector_store %arg17[%parallel_loop3A_424], %parallel_loop3A_419 {strides = array<i32>} : memref<5136xf32, #tpu.memory_space<vmem>>, vector<16xf32>,
        %parallel_loop3A_426 = arith.index_cast %parallel_loop3A_417 : i32 to index
        %parallel_loop3A_427 = tpu.vector_load %arg18[%parallel_loop3A_426] {strides = array<i32>} : memref<5136xf32, #tpu.memory_space<vmem>>, vector<16xf32>,
        tpu.vector_store %arg18[%parallel_loop3A_426], %parallel_loop3A_419 {strides = array<i32>} : memref<5136xf32, #tpu.memory_space<vmem>>, vector<16xf32>,
      } {sc.loop_unroll_factor = 3 : i64, sc.parallel_access}
      %add3A_148 = arith.constant 1 : i32
      %add3A_149 = arith.addi %add3A_143, %add3A_148 : i32
      %add3A_150 = arith.constant 1 : i32
      %add3A_151 = arith.addi %add3A_143, %add3A_150 : i32
      %dma_wait3A_152 = arith.constant 0 : i32
      %dma_wait3A_153 = tpu.memref_slice %arg2[%select_n3A, %add3A_143, %dma_wait3A_152] : memref<4x256x16384xf32, #tpu.memory_space<hbm>> -> memref<1x1x8192xf32, #tpu.memory_space<hbm>>
      %dma_wait3A_154 = tpu.memref_squeeze %dma_wait3A_153 : memref<1x1x8192xf32, #tpu.memory_space<hbm>> -> memref<8192xf32, #tpu.memory_space<hbm>>
      %dma_wait3A_155 = arith.constant 0 : i32
      %dma_wait3A_156 = tpu.memref_slice %arg2[%select_n3A, %add3A_143, %dma_wait3A_155] : memref<4x256x16384xf32, #tpu.memory_space<hbm>> -> memref<1x1x8192xf32, #tpu.memory_space<hbm>>
      %dma_wait3A_157 = tpu.memref_squeeze %dma_wait3A_156 : memref<1x1x8192xf32, #tpu.memory_space<hbm>> -> memref<8192xf32, #tpu.memory_space<hbm>>
      tpu.wait_dma2 semaphore(%arg23 : memref<!tpu.dma_semaphore, #tpu.memory_space<semaphore_mem>>) src(%dma_wait3A_157 : memref<8192xf32, #tpu.memory_space<hbm>>) dst(%arg7 : memref<8192xf32, #tpu.memory_space<vmem>>)
      %dma_wait3A_158 = arith.constant 0 : i32
      %dma_wait3A_159 = tpu.memref_slice %arg2[%select_n3A, %add3A_149, %dma_wait3A_158] : memref<4x256x16384xf32, #tpu.memory_space<hbm>> -> memref<1x1x8192xf32, #tpu.memory_space<hbm>>
      %dma_wait3A_160 = tpu.memref_squeeze %dma_wait3A_159 : memref<1x1x8192xf32, #tpu.memory_space<hbm>> -> memref<8192xf32, #tpu.memory_space<hbm>>
      %dma_wait3A_161 = arith.constant 0 : i32
      %dma_wait3A_162 = tpu.memref_slice %arg2[%select_n3A, %add3A_149, %dma_wait3A_161] : memref<4x256x16384xf32, #tpu.memory_space<hbm>> -> memref<1x1x8192xf32, #tpu.memory_space<hbm>>
      %dma_wait3A_163 = tpu.memref_squeeze %dma_wait3A_162 : memref<1x1x8192xf32, #tpu.memory_space<hbm>> -> memref<8192xf32, #tpu.memory_space<hbm>>
      tpu.wait_dma2 semaphore(%arg23 : memref<!tpu.dma_semaphore, #tpu.memory_space<semaphore_mem>>) src(%dma_wait3A_163 : memref<8192xf32, #tpu.memory_space<hbm>>) dst(%arg9 : memref<8192xf32, #tpu.memory_space<vmem>>)
      %dma_wait3A_164 = arith.constant 0 : i32
      %dma_wait3A_165 = tpu.memref_slice %arg3[%select_n3A, %add3A_143, %dma_wait3A_164] : memref<4x256x16384xf32, #tpu.memory_space<hbm>> -> memref<1x1x8192xf32, #tpu.memory_space<hbm>>
      %dma_wait3A_166 = tpu.memref_squeeze %dma_wait3A_165 : memref<1x1x8192xf32, #tpu.memory_space<hbm>> -> memref<8192xf32, #tpu.memory_space<hbm>>
      %dma_wait3A_167 = arith.constant 0 : i32
      %dma_wait3A_168 = tpu.memref_slice %arg3[%select_n3A, %add3A_143, %dma_wait3A_167] : memref<4x256x16384xf32, #tpu.memory_space<hbm>> -> memref<1x1x8192xf32, #tpu.memory_space<hbm>>
      %dma_wait3A_169 = tpu.memref_squeeze %dma_wait3A_168 : memref<1x1x8192xf32, #tpu.memory_space<hbm>> -> memref<8192xf32, #tpu.memory_space<hbm>>
      tpu.wait_dma2 semaphore(%arg23 : memref<!tpu.dma_semaphore, #tpu.memory_space<semaphore_mem>>) src(%dma_wait3A_169 : memref<8192xf32, #tpu.memory_space<hbm>>) dst(%arg11 : memref<8192xf32, #tpu.memory_space<vmem>>)
      %dma_wait3A_170 = arith.constant 0 : i32
      %dma_wait3A_171 = tpu.memref_slice %arg3[%select_n3A, %add3A_151, %dma_wait3A_170] : memref<4x256x16384xf32, #tpu.memory_space<hbm>> -> memref<1x1x8192xf32, #tpu.memory_space<hbm>>
      %dma_wait3A_172 = tpu.memref_squeeze %dma_wait3A_171 : memref<1x1x8192xf32, #tpu.memory_space<hbm>> -> memref<8192xf32, #tpu.memory_space<hbm>>
      %dma_wait3A_173 = arith.constant 0 : i32
      %dma_wait3A_174 = tpu.memref_slice %arg3[%select_n3A, %add3A_151, %dma_wait3A_173] : memref<4x256x16384xf32, #tpu.memory_space<hbm>> -> memref<1x1x8192xf32, #tpu.memory_space<hbm>>
      %dma_wait3A_175 = tpu.memref_squeeze %dma_wait3A_174 : memref<1x1x8192xf32, #tpu.memory_space<hbm>> -> memref<8192xf32, #tpu.memory_space<hbm>>
      tpu.wait_dma2 semaphore(%arg23 : memref<!tpu.dma_semaphore, #tpu.memory_space<semaphore_mem>>) src(%dma_wait3A_175 : memref<8192xf32, #tpu.memory_space<hbm>>) dst(%arg13 : memref<8192xf32, #tpu.memory_space<vmem>>)
      %add3A_176 = arith.constant 1 : i32
      %add3A_177 = arith.addi %add3A_143, %add3A_176 : i32
      %add3A_178 = arith.constant 1 : i32
      %add3A_179 = arith.addi %add3A_143, %add3A_178 : i32
      %dma_start3A_180 = arith.constant 8192 : i32
      %dma_start3A_181 = tpu.memref_slice %arg2[%select_n3A, %add3A_143, %dma_start3A_180] : memref<4x256x16384xf32, #tpu.memory_space<hbm>> -> memref<1x1x8192xf32, #tpu.memory_space<hbm>>
      %dma_start3A_182 = tpu.memref_squeeze %dma_start3A_181 : memref<1x1x8192xf32, #tpu.memory_space<hbm>> -> memref<8192xf32, #tpu.memory_space<hbm>>
      %dma_start3A_183 = arith.constant 8192 : i32
      %dma_start3A_184 = tpu.memref_slice %arg2[%select_n3A, %add3A_143, %dma_start3A_183] : memref<4x256x16384xf32, #tpu.memory_space<hbm>> -> memref<1x1x8192xf32, #tpu.memory_space<hbm>>
      %dma_start3A_185 = tpu.memref_squeeze %dma_start3A_184 : memref<1x1x8192xf32, #tpu.memory_space<hbm>> -> memref<8192xf32, #tpu.memory_space<hbm>>
      tpu.enqueue_dma source(%dma_start3A_185 : memref<8192xf32, #tpu.memory_space<hbm>>) target(%arg8 : memref<8192xf32, #tpu.memory_space<vmem>>) target_semaphore(%arg23 : memref<!tpu.dma_semaphore, #tpu.memory_space<semaphore_mem>>)
      %dma_start3A_186 = arith.constant 8192 : i32
      %dma_start3A_187 = tpu.memref_slice %arg2[%select_n3A, %add3A_177, %dma_start3A_186] : memref<4x256x16384xf32, #tpu.memory_space<hbm>> -> memref<1x1x8192xf32, #tpu.memory_space<hbm>>
      %dma_start3A_188 = tpu.memref_squeeze %dma_start3A_187 : memref<1x1x8192xf32, #tpu.memory_space<hbm>> -> memref<8192xf32, #tpu.memory_space<hbm>>
      %dma_start3A_189 = arith.constant 8192 : i32
      %dma_start3A_190 = tpu.memref_slice %arg2[%select_n3A, %add3A_177, %dma_start3A_189] : memref<4x256x16384xf32, #tpu.memory_space<hbm>> -> memref<1x1x8192xf32, #tpu.memory_space<hbm>>
      %dma_start3A_191 = tpu.memref_squeeze %dma_start3A_190 : memref<1x1x8192xf32, #tpu.memory_space<hbm>> -> memref<8192xf32, #tpu.memory_space<hbm>>
      tpu.enqueue_dma source(%dma_start3A_191 : memref<8192xf32, #tpu.memory_space<hbm>>) target(%arg10 : memref<8192xf32, #tpu.memory_space<vmem>>) target_semaphore(%arg23 : memref<!tpu.dma_semaphore, #tpu.memory_space<semaphore_mem>>)
      %dma_start3A_192 = arith.constant 8192 : i32
      %dma_start3A_193 = tpu.memref_slice %arg3[%select_n3A, %add3A_143, %dma_start3A_192] : memref<4x256x16384xf32, #tpu.memory_space<hbm>> -> memref<1x1x8192xf32, #tpu.memory_space<hbm>>
      %dma_start3A_194 = tpu.memref_squeeze %dma_start3A_193 : memref<1x1x8192xf32, #tpu.memory_space<hbm>> -> memref<8192xf32, #tpu.memory_space<hbm>>
      %dma_start3A_195 = arith.constant 8192 : i32
      %dma_start3A_196 = tpu.memref_slice %arg3[%select_n3A, %add3A_143, %dma_start3A_195] : memref<4x256x16384xf32, #tpu.memory_space<hbm>> -> memref<1x1x8192xf32, #tpu.memory_space<hbm>>
      %dma_start3A_197 = tpu.memref_squeeze %dma_start3A_196 : memref<1x1x8192xf32, #tpu.memory_space<hbm>> -> memref<8192xf32, #tpu.memory_space<hbm>>
      tpu.enqueue_dma source(%dma_start3A_197 : memref<8192xf32, #tpu.memory_space<hbm>>) target(%arg12 : memref<8192xf32, #tpu.memory_space<vmem>>) target_semaphore(%arg23 : memref<!tpu.dma_semaphore, #tpu.memory_space<semaphore_mem>>)
      %dma_start3A_198 = arith.constant 8192 : i32
      %dma_start3A_199 = tpu.memref_slice %arg3[%select_n3A, %add3A_179, %dma_start3A_198] : memref<4x256x16384xf32, #tpu.memory_space<hbm>> -> memref<1x1x8192xf32, #tpu.memory_space<hbm>>
      %dma_start3A_200 = tpu.memref_squeeze %dma_start3A_199 : memref<1x1x8192xf32, #tpu.memory_space<hbm>> -> memref<8192xf32, #tpu.memory_space<hbm>>
      %dma_start3A_201 = arith.constant 8192 : i32
      %dma_start3A_202 = tpu.memref_slice %arg3[%select_n3A, %add3A_179, %dma_start3A_201] : memref<4x256x16384xf32, #tpu.memory_space<hbm>> -> memref<1x1x8192xf32, #tpu.memory_space<hbm>>
      %dma_start3A_203 = tpu.memref_squeeze %dma_start3A_202 : memref<1x1x8192xf32, #tpu.memory_space<hbm>> -> memref<8192xf32, #tpu.memory_space<hbm>>
      tpu.enqueue_dma source(%dma_start3A_203 : memref<8192xf32, #tpu.memory_space<hbm>>) target(%arg14 : memref<8192xf32, #tpu.memory_space<vmem>>) target_semaphore(%arg23 : memref<!tpu.dma_semaphore, #tpu.memory_space<semaphore_mem>>)
      %parallel_loop3A_204 = arith.constant 0 : i32
      %parallel_loop3A_205 = arith.constant 8192 : i32
      %parallel_loop3A_206 = arith.constant 16 : i32
      scf.for %parallel_loop3A_417 = %parallel_loop3A_204 to %parallel_loop3A_205 step %parallel_loop3A_206  : i32 {
        %parallel_loop3A_418 = arith.constant 0 : i32
        %parallel_loop3A_419 = arith.addi %parallel_loop3A_418, %parallel_loop3A_417 : i32
        %parallel_loop3A_420 = arith.index_cast %parallel_loop3A_419 : i32 to index
        %parallel_loop3A_421 = tpu.vector_load %arg6[%parallel_loop3A_420] {strides = array<i32>} : memref<16384xi32, #tpu.memory_space<vmem>>, vector<16xi32>,
        %parallel_loop3A_422 = arith.index_cast %parallel_loop3A_417 : i32 to index
        %parallel_loop3A_423 = tpu.vector_load %arg7[%parallel_loop3A_422] {strides = array<i32>} : memref<8192xf32, #tpu.memory_space<vmem>>, vector<16xf32>,
        tpu.vector_store_idx %arg15[%parallel_loop3A_421], %parallel_loop3A_423 {add = true} : memref<5136xf32, #tpu.memory_space<vmem>>[vector<16xi32>], vector<16xf32>,
        %parallel_loop3A_424 = arith.index_cast %parallel_loop3A_417 : i32 to index
        %parallel_loop3A_425 = tpu.vector_load %arg9[%parallel_loop3A_424] {strides = array<i32>} : memref<8192xf32, #tpu.memory_space<vmem>>, vector<16xf32>,
        tpu.vector_store_idx %arg16[%parallel_loop3A_421], %parallel_loop3A_425 {add = true} : memref<5136xf32, #tpu.memory_space<vmem>>[vector<16xi32>], vector<16xf32>,
        %parallel_loop3A_426 = arith.index_cast %parallel_loop3A_417 : i32 to index
        %parallel_loop3A_427 = tpu.vector_load %arg11[%parallel_loop3A_426] {strides = array<i32>} : memref<8192xf32, #tpu.memory_space<vmem>>, vector<16xf32>,
        tpu.vector_store_idx %arg17[%parallel_loop3A_421], %parallel_loop3A_427 {add = true} : memref<5136xf32, #tpu.memory_space<vmem>>[vector<16xi32>], vector<16xf32>,
        %parallel_loop3A_428 = arith.index_cast %parallel_loop3A_417 : i32 to index
        %parallel_loop3A_429 = tpu.vector_load %arg13[%parallel_loop3A_428] {strides = array<i32>} : memref<8192xf32, #tpu.memory_space<vmem>>, vector<16xf32>,
        tpu.vector_store_idx %arg18[%parallel_loop3A_421], %parallel_loop3A_429 {add = true} : memref<5136xf32, #tpu.memory_space<vmem>>[vector<16xi32>], vector<16xf32>,
      } {sc.loop_unroll_factor = 8 : i64, sc.parallel_access}
      %add3A_207 = arith.constant 1 : i32
      %add3A_208 = arith.addi %add3A_143, %add3A_207 : i32
      %add3A_209 = arith.constant 1 : i32
      %add3A_210 = arith.addi %add3A_143, %add3A_209 : i32
      %dma_wait3A_211 = arith.constant 8192 : i32
      %dma_wait3A_212 = tpu.memref_slice %arg2[%select_n3A, %add3A_143, %dma_wait3A_211] : memref<4x256x16384xf32, #tpu.memory_space<hbm>> -> memref<1x1x8192xf32, #tpu.memory_space<hbm>>
      %dma_wait3A_213 = tpu.memref_squeeze %dma_wait3A_212 : memref<1x1x8192xf32, #tpu.memory_space<hbm>> -> memref<8192xf32, #tpu.memory_space<hbm>>
      %dma_wait3A_214 = arith.constant 8192 : i32
      %dma_wait3A_215 = tpu.memref_slice %arg2[%select_n3A, %add3A_143, %dma_wait3A_214] : memref<4x256x16384xf32, #tpu.memory_space<hbm>> -> memref<1x1x8192xf32, #tpu.memory_space<hbm>>
      %dma_wait3A_216 = tpu.memref_squeeze %dma_wait3A_215 : memref<1x1x8192xf32, #tpu.memory_space<hbm>> -> memref<8192xf32, #tpu.memory_space<hbm>>
      tpu.wait_dma2 semaphore(%arg23 : memref<!tpu.dma_semaphore, #tpu.memory_space<semaphore_mem>>) src(%dma_wait3A_216 : memref<8192xf32, #tpu.memory_space<hbm>>) dst(%arg8 : memref<8192xf32, #tpu.memory_space<vmem>>)
      %dma_wait3A_217 = arith.constant 8192 : i32
      %dma_wait3A_218 = tpu.memref_slice %arg2[%select_n3A, %add3A_208, %dma_wait3A_217] : memref<4x256x16384xf32, #tpu.memory_space<hbm>> -> memref<1x1x8192xf32, #tpu.memory_space<hbm>>
      %dma_wait3A_219 = tpu.memref_squeeze %dma_wait3A_218 : memref<1x1x8192xf32, #tpu.memory_space<hbm>> -> memref<8192xf32, #tpu.memory_space<hbm>>
      %dma_wait3A_220 = arith.constant 8192 : i32
      %dma_wait3A_221 = tpu.memref_slice %arg2[%select_n3A, %add3A_208, %dma_wait3A_220] : memref<4x256x16384xf32, #tpu.memory_space<hbm>> -> memref<1x1x8192xf32, #tpu.memory_space<hbm>>
      %dma_wait3A_222 = tpu.memref_squeeze %dma_wait3A_221 : memref<1x1x8192xf32, #tpu.memory_space<hbm>> -> memref<8192xf32, #tpu.memory_space<hbm>>
      tpu.wait_dma2 semaphore(%arg23 : memref<!tpu.dma_semaphore, #tpu.memory_space<semaphore_mem>>) src(%dma_wait3A_222 : memref<8192xf32, #tpu.memory_space<hbm>>) dst(%arg10 : memref<8192xf32, #tpu.memory_space<vmem>>)
      %dma_wait3A_223 = arith.constant 8192 : i32
      %dma_wait3A_224 = tpu.memref_slice %arg3[%select_n3A, %add3A_143, %dma_wait3A_223] : memref<4x256x16384xf32, #tpu.memory_space<hbm>> -> memref<1x1x8192xf32, #tpu.memory_space<hbm>>
      %dma_wait3A_225 = tpu.memref_squeeze %dma_wait3A_224 : memref<1x1x8192xf32, #tpu.memory_space<hbm>> -> memref<8192xf32, #tpu.memory_space<hbm>>
      %dma_wait3A_226 = arith.constant 8192 : i32
      %dma_wait3A_227 = tpu.memref_slice %arg3[%select_n3A, %add3A_143, %dma_wait3A_226] : memref<4x256x16384xf32, #tpu.memory_space<hbm>> -> memref<1x1x8192xf32, #tpu.memory_space<hbm>>
      %dma_wait3A_228 = tpu.memref_squeeze %dma_wait3A_227 : memref<1x1x8192xf32, #tpu.memory_space<hbm>> -> memref<8192xf32, #tpu.memory_space<hbm>>
      tpu.wait_dma2 semaphore(%arg23 : memref<!tpu.dma_semaphore, #tpu.memory_space<semaphore_mem>>) src(%dma_wait3A_228 : memref<8192xf32, #tpu.memory_space<hbm>>) dst(%arg12 : memref<8192xf32, #tpu.memory_space<vmem>>)
      %dma_wait3A_229 = arith.constant 8192 : i32
      %dma_wait3A_230 = tpu.memref_slice %arg3[%select_n3A, %add3A_210, %dma_wait3A_229] : memref<4x256x16384xf32, #tpu.memory_space<hbm>> -> memref<1x1x8192xf32, #tpu.memory_space<hbm>>
      %dma_wait3A_231 = tpu.memref_squeeze %dma_wait3A_230 : memref<1x1x8192xf32, #tpu.memory_space<hbm>> -> memref<8192xf32, #tpu.memory_space<hbm>>
      %dma_wait3A_232 = arith.constant 8192 : i32
      %dma_wait3A_233 = tpu.memref_slice %arg3[%select_n3A, %add3A_210, %dma_wait3A_232] : memref<4x256x16384xf32, #tpu.memory_space<hbm>> -> memref<1x1x8192xf32, #tpu.memory_space<hbm>>
      %dma_wait3A_234 = tpu.memref_squeeze %dma_wait3A_233 : memref<1x1x8192xf32, #tpu.memory_space<hbm>> -> memref<8192xf32, #tpu.memory_space<hbm>>
      tpu.wait_dma2 semaphore(%arg23 : memref<!tpu.dma_semaphore, #tpu.memory_space<semaphore_mem>>) src(%dma_wait3A_234 : memref<8192xf32, #tpu.memory_space<hbm>>) dst(%arg14 : memref<8192xf32, #tpu.memory_space<vmem>>)
      %lt3A_235 = arith.constant 15 : i32
      %lt3A_236 = arith.cmpi slt, %add3A_140, %lt3A_235 : i32
      %convert_element_type3A_237 = arith.extui %lt3A_236 : i1 to i32
      %cond3A_238 = arith.constant 0 : i32
      %cond3A_239 = arith.cmpi ne, %convert_element_type3A_237, %cond3A_238 : i32
      scf.if %cond3A_239 {
        %add3A_417 = arith.constant 2 : i32
        %add3A_418 = arith.addi %add3A_143, %add3A_417 : i32
        %add3A_419 = arith.constant 1 : i32
        %add3A_420 = arith.addi %add3A_418, %add3A_419 : i32
        %add3A_421 = arith.constant 1 : i32
        %add3A_422 = arith.addi %add3A_418, %add3A_421 : i32
        %dma_start3A_423 = arith.constant 0 : i32
        %dma_start3A_424 = tpu.memref_slice %arg2[%select_n3A, %add3A_418, %dma_start3A_423] : memref<4x256x16384xf32, #tpu.memory_space<hbm>> -> memref<1x1x8192xf32, #tpu.memory_space<hbm>>
        %dma_start3A_425 = tpu.memref_squeeze %dma_start3A_424 : memref<1x1x8192xf32, #tpu.memory_space<hbm>> -> memref<8192xf32, #tpu.memory_space<hbm>>
        %dma_start3A_426 = arith.constant 0 : i32
        %dma_start3A_427 = tpu.memref_slice %arg2[%select_n3A, %add3A_418, %dma_start3A_426] : memref<4x256x16384xf32, #tpu.memory_space<hbm>> -> memref<1x1x8192xf32, #tpu.memory_space<hbm>>
        %dma_start3A_428 = tpu.memref_squeeze %dma_start3A_427 : memref<1x1x8192xf32, #tpu.memory_space<hbm>> -> memref<8192xf32, #tpu.memory_space<hbm>>
        tpu.enqueue_dma source(%dma_start3A_428 : memref<8192xf32, #tpu.memory_space<hbm>>) target(%arg7 : memref<8192xf32, #tpu.memory_space<vmem>>) target_semaphore(%arg23 : memref<!tpu.dma_semaphore, #tpu.memory_space<semaphore_mem>>)
        %dma_start3A_429 = arith.constant 0 : i32
        %dma_start3A_430 = tpu.memref_slice %arg2[%select_n3A, %add3A_420, %dma_start3A_429] : memref<4x256x16384xf32, #tpu.memory_space<hbm>> -> memref<1x1x8192xf32, #tpu.memory_space<hbm>>
        %dma_start3A_431 = tpu.memref_squeeze %dma_start3A_430 : memref<1x1x8192xf32, #tpu.memory_space<hbm>> -> memref<8192xf32, #tpu.memory_space<hbm>>
        %dma_start3A_432 = arith.constant 0 : i32
        %dma_start3A_433 = tpu.memref_slice %arg2[%select_n3A, %add3A_420, %dma_start3A_432] : memref<4x256x16384xf32, #tpu.memory_space<hbm>> -> memref<1x1x8192xf32, #tpu.memory_space<hbm>>
        %dma_start3A_434 = tpu.memref_squeeze %dma_start3A_433 : memref<1x1x8192xf32, #tpu.memory_space<hbm>> -> memref<8192xf32, #tpu.memory_space<hbm>>
        tpu.enqueue_dma source(%dma_start3A_434 : memref<8192xf32, #tpu.memory_space<hbm>>) target(%arg9 : memref<8192xf32, #tpu.memory_space<vmem>>) target_semaphore(%arg23 : memref<!tpu.dma_semaphore, #tpu.memory_space<semaphore_mem>>)
        %dma_start3A_435 = arith.constant 0 : i32
        %dma_start3A_436 = tpu.memref_slice %arg3[%select_n3A, %add3A_418, %dma_start3A_435] : memref<4x256x16384xf32, #tpu.memory_space<hbm>> -> memref<1x1x8192xf32, #tpu.memory_space<hbm>>
        %dma_start3A_437 = tpu.memref_squeeze %dma_start3A_436 : memref<1x1x8192xf32, #tpu.memory_space<hbm>> -> memref<8192xf32, #tpu.memory_space<hbm>>
        %dma_start3A_438 = arith.constant 0 : i32
        %dma_start3A_439 = tpu.memref_slice %arg3[%select_n3A, %add3A_418, %dma_start3A_438] : memref<4x256x16384xf32, #tpu.memory_space<hbm>> -> memref<1x1x8192xf32, #tpu.memory_space<hbm>>
        %dma_start3A_440 = tpu.memref_squeeze %dma_start3A_439 : memref<1x1x8192xf32, #tpu.memory_space<hbm>> -> memref<8192xf32, #tpu.memory_space<hbm>>
        tpu.enqueue_dma source(%dma_start3A_440 : memref<8192xf32, #tpu.memory_space<hbm>>) target(%arg11 : memref<8192xf32, #tpu.memory_space<vmem>>) target_semaphore(%arg23 : memref<!tpu.dma_semaphore, #tpu.memory_space<semaphore_mem>>)
        %dma_start3A_441 = arith.constant 0 : i32
        %dma_start3A_442 = tpu.memref_slice %arg3[%select_n3A, %add3A_422, %dma_start3A_441] : memref<4x256x16384xf32, #tpu.memory_space<hbm>> -> memref<1x1x8192xf32, #tpu.memory_space<hbm>>
        %dma_start3A_443 = tpu.memref_squeeze %dma_start3A_442 : memref<1x1x8192xf32, #tpu.memory_space<hbm>> -> memref<8192xf32, #tpu.memory_space<hbm>>
        %dma_start3A_444 = arith.constant 0 : i32
        %dma_start3A_445 = tpu.memref_slice %arg3[%select_n3A, %add3A_422, %dma_start3A_444] : memref<4x256x16384xf32, #tpu.memory_space<hbm>> -> memref<1x1x8192xf32, #tpu.memory_space<hbm>>
        %dma_start3A_446 = tpu.memref_squeeze %dma_start3A_445 : memref<1x1x8192xf32, #tpu.memory_space<hbm>> -> memref<8192xf32, #tpu.memory_space<hbm>>
        tpu.enqueue_dma source(%dma_start3A_446 : memref<8192xf32, #tpu.memory_space<hbm>>) target(%arg13 : memref<8192xf32, #tpu.memory_space<vmem>>) target_semaphore(%arg23 : memref<!tpu.dma_semaphore, #tpu.memory_space<semaphore_mem>>)
      } else {
      }
      %parallel_loop3A_240 = arith.constant 0 : i32
      %parallel_loop3A_241 = arith.constant 8192 : i32
      %parallel_loop3A_242 = arith.constant 16 : i32
      scf.for %parallel_loop3A_417 = %parallel_loop3A_240 to %parallel_loop3A_241 step %parallel_loop3A_242  : i32 {
        %parallel_loop3A_418 = arith.constant 8192 : i32
        %parallel_loop3A_419 = arith.addi %parallel_loop3A_418, %parallel_loop3A_417 : i32
        %parallel_loop3A_420 = arith.index_cast %parallel_loop3A_419 : i32 to index
        %parallel_loop3A_421 = tpu.vector_load %arg6[%parallel_loop3A_420] {strides = array<i32>} : memref<16384xi32, #tpu.memory_space<vmem>>, vector<16xi32>,
        %parallel_loop3A_422 = arith.index_cast %parallel_loop3A_417 : i32 to index
        %parallel_loop3A_423 = tpu.vector_load %arg8[%parallel_loop3A_422] {strides = array<i32>} : memref<8192xf32, #tpu.memory_space<vmem>>, vector<16xf32>,
        tpu.vector_store_idx %arg15[%parallel_loop3A_421], %parallel_loop3A_423 {add = true} : memref<5136xf32, #tpu.memory_space<vmem>>[vector<16xi32>], vector<16xf32>,
        %parallel_loop3A_424 = arith.index_cast %parallel_loop3A_417 : i32 to index
        %parallel_loop3A_425 = tpu.vector_load %arg10[%parallel_loop3A_424] {strides = array<i32>} : memref<8192xf32, #tpu.memory_space<vmem>>, vector<16xf32>,
        tpu.vector_store_idx %arg16[%parallel_loop3A_421], %parallel_loop3A_425 {add = true} : memref<5136xf32, #tpu.memory_space<vmem>>[vector<16xi32>], vector<16xf32>,
        %parallel_loop3A_426 = arith.index_cast %parallel_loop3A_417 : i32 to index
        %parallel_loop3A_427 = tpu.vector_load %arg12[%parallel_loop3A_426] {strides = array<i32>} : memref<8192xf32, #tpu.memory_space<vmem>>, vector<16xf32>,
        tpu.vector_store_idx %arg17[%parallel_loop3A_421], %parallel_loop3A_427 {add = true} : memref<5136xf32, #tpu.memory_space<vmem>>[vector<16xi32>], vector<16xf32>,
        %parallel_loop3A_428 = arith.index_cast %parallel_loop3A_417 : i32 to index
        %parallel_loop3A_429 = tpu.vector_load %arg14[%parallel_loop3A_428] {strides = array<i32>} : memref<8192xf32, #tpu.memory_space<vmem>>, vector<16xf32>,
        tpu.vector_store_idx %arg18[%parallel_loop3A_421], %parallel_loop3A_429 {add = true} : memref<5136xf32, #tpu.memory_space<vmem>>[vector<16xi32>], vector<16xf32>,
      } {sc.loop_unroll_factor = 8 : i64, sc.parallel_access}
      %add3A_243 = arith.constant 1 : i32
      %add3A_244 = arith.addi %add3A_143, %add3A_243 : i32
      %add3A_245 = arith.constant 1 : i32
      %add3A_246 = arith.addi %add3A_143, %add3A_245 : i32
      %dma_start3A_247 = arith.constant 0 : i32
      %dma_start3A_248 = arith.constant 0 : i32
      %dma_start3A_249 = tpu.memref_slice %arg5[%dma_start3A_247, %select_n3A, %add3A_143, %dma_start3A_248] : memref<2x4x256x5136xf32, #tpu.memory_space<hbm>> -> memref<1x1x1x5136xf32, #tpu.memory_space<hbm>>
      %dma_start3A_250 = tpu.memref_squeeze %dma_start3A_249 : memref<1x1x1x5136xf32, #tpu.memory_space<hbm>> -> memref<5136xf32, #tpu.memory_space<hbm>>
      %dma_start3A_251 = arith.constant 0 : i32
      %dma_start3A_252 = tpu.memref_slice %arg5[%dma_start3A_247, %select_n3A, %add3A_143, %dma_start3A_251] : memref<2x4x256x5136xf32, #tpu.memory_space<hbm>> -> memref<1x1x1x5136xf32, #tpu.memory_space<hbm>>
      %dma_start3A_253 = tpu.memref_squeeze %dma_start3A_252 : memref<1x1x1x5136xf32, #tpu.memory_space<hbm>> -> memref<5136xf32, #tpu.memory_space<hbm>>
      tpu.enqueue_dma source(%arg15 : memref<5136xf32, #tpu.memory_space<vmem>>) target(%dma_start3A_253 : memref<5136xf32, #tpu.memory_space<hbm>>) target_semaphore(%arg24 : memref<!tpu.dma_semaphore, #tpu.memory_space<semaphore_mem>>)
      %dma_start3A_254 = arith.constant 0 : i32
      %dma_start3A_255 = arith.constant 0 : i32
      %dma_start3A_256 = tpu.memref_slice %arg5[%dma_start3A_254, %select_n3A, %add3A_244, %dma_start3A_255] : memref<2x4x256x5136xf32, #tpu.memory_space<hbm>> -> memref<1x1x1x5136xf32, #tpu.memory_space<hbm>>
      %dma_start3A_257 = tpu.memref_squeeze %dma_start3A_256 : memref<1x1x1x5136xf32, #tpu.memory_space<hbm>> -> memref<5136xf32, #tpu.memory_space<hbm>>
      %dma_start3A_258 = arith.constant 0 : i32
      %dma_start3A_259 = tpu.memref_slice %arg5[%dma_start3A_254, %select_n3A, %add3A_244, %dma_start3A_258] : memref<2x4x256x5136xf32, #tpu.memory_space<hbm>> -> memref<1x1x1x5136xf32, #tpu.memory_space<hbm>>
      %dma_start3A_260 = tpu.memref_squeeze %dma_start3A_259 : memref<1x1x1x5136xf32, #tpu.memory_space<hbm>> -> memref<5136xf32, #tpu.memory_space<hbm>>
      tpu.enqueue_dma source(%arg16 : memref<5136xf32, #tpu.memory_space<vmem>>) target(%dma_start3A_260 : memref<5136xf32, #tpu.memory_space<hbm>>) target_semaphore(%arg24 : memref<!tpu.dma_semaphore, #tpu.memory_space<semaphore_mem>>)
      %dma_start3A_261 = arith.constant 1 : i32
      %dma_start3A_262 = arith.constant 0 : i32
      %dma_start3A_263 = tpu.memref_slice %arg5[%dma_start3A_261, %select_n3A, %add3A_143, %dma_start3A_262] : memref<2x4x256x5136xf32, #tpu.memory_space<hbm>> -> memref<1x1x1x5136xf32, #tpu.memory_space<hbm>>
      %dma_start3A_264 = tpu.memref_squeeze %dma_start3A_263 : memref<1x1x1x5136xf32, #tpu.memory_space<hbm>> -> memref<5136xf32, #tpu.memory_space<hbm>>
      %dma_start3A_265 = arith.constant 0 : i32
      %dma_start3A_266 = tpu.memref_slice %arg5[%dma_start3A_261, %select_n3A, %add3A_143, %dma_start3A_265] : memref<2x4x256x5136xf32, #tpu.memory_space<hbm>> -> memref<1x1x1x5136xf32, #tpu.memory_space<hbm>>
      %dma_start3A_267 = tpu.memref_squeeze %dma_start3A_266 : memref<1x1x1x5136xf32, #tpu.memory_space<hbm>> -> memref<5136xf32, #tpu.memory_space<hbm>>
      tpu.enqueue_dma source(%arg17 : memref<5136xf32, #tpu.memory_space<vmem>>) target(%dma_start3A_267 : memref<5136xf32, #tpu.memory_space<hbm>>) target_semaphore(%arg24 : memref<!tpu.dma_semaphore, #tpu.memory_space<semaphore_mem>>)
      %dma_start3A_268 = arith.constant 1 : i32
      %dma_start3A_269 = arith.constant 0 : i32
      %dma_start3A_270 = tpu.memref_slice %arg5[%dma_start3A_268, %select_n3A, %add3A_246, %dma_start3A_269] : memref<2x4x256x5136xf32, #tpu.memory_space<hbm>> -> memref<1x1x1x5136xf32, #tpu.memory_space<hbm>>
      %dma_start3A_271 = tpu.memref_squeeze %dma_start3A_270 : memref<1x1x1x5136xf32, #tpu.memory_space<hbm>> -> memref<5136xf32, #tpu.memory_space<hbm>>
      %dma_start3A_272 = arith.constant 0 : i32
      %dma_start3A_273 = tpu.memref_slice %arg5[%dma_start3A_268, %select_n3A, %add3A_246, %dma_start3A_272] : memref<2x4x256x5136xf32, #tpu.memory_space<hbm>> -> memref<1x1x1x5136xf32, #tpu.memory_space<hbm>>
      %dma_start3A_274 = tpu.memref_squeeze %dma_start3A_273 : memref<1x1x1x5136xf32, #tpu.memory_space<hbm>> -> memref<5136xf32, #tpu.memory_space<hbm>>
      tpu.enqueue_dma source(%arg18 : memref<5136xf32, #tpu.memory_space<vmem>>) target(%dma_start3A_274 : memref<5136xf32, #tpu.memory_space<hbm>>) target_semaphore(%arg24 : memref<!tpu.dma_semaphore, #tpu.memory_space<semaphore_mem>>)
      %mul3A_275 = arith.constant 2 : i32
      %mul3A_276 = arith.muli %scan3A_136, %mul3A_275 : i32
      %add3A_277 = arith.constant 1 : i32
      %add3A_278 = arith.addi %mul3A_276, %add3A_277 : i32
      %mul3A_279 = arith.constant 2 : i32
      %mul3A_280 = arith.muli %add3A_278, %mul3A_279 : i32
      %add3A_281 = arith.addi %mul3A_32, %mul3A_280 : i32
      %ge3A_282 = arith.constant 2 : i32
      %ge3A_283 = arith.cmpi sge, %add3A_278, %ge3A_282 : i32
      %convert_element_type3A_284 = arith.extui %ge3A_283 : i1 to i32
      %cond3A_285 = arith.constant 0 : i32
      %cond3A_286 = arith.cmpi ne, %convert_element_type3A_284, %cond3A_285 : i32
      scf.if %cond3A_286 {
        %sub3A_417 = arith.constant 4 : i32
        %sub3A_418 = arith.subi %add3A_281, %sub3A_417 : i32
        %add3A_419 = arith.constant 1 : i32
        %add3A_420 = arith.addi %sub3A_418, %add3A_419 : i32
        %add3A_421 = arith.constant 1 : i32
        %add3A_422 = arith.addi %sub3A_418, %add3A_421 : i32
        %dma_wait3A_423 = arith.constant 0 : i32
        %dma_wait3A_424 = arith.constant 0 : i32
        %dma_wait3A_425 = tpu.memref_slice %arg5[%dma_wait3A_423, %select_n3A, %sub3A_418, %dma_wait3A_424] : memref<2x4x256x5136xf32, #tpu.memory_space<hbm>> -> memref<1x1x1x5136xf32, #tpu.memory_space<hbm>>
        %dma_wait3A_426 = tpu.memref_squeeze %dma_wait3A_425 : memref<1x1x1x5136xf32, #tpu.memory_space<hbm>> -> memref<5136xf32, #tpu.memory_space<hbm>>
        %dma_wait3A_427 = arith.constant 0 : i32
        %dma_wait3A_428 = tpu.memref_slice %arg5[%dma_wait3A_423, %select_n3A, %sub3A_418, %dma_wait3A_427] : memref<2x4x256x5136xf32, #tpu.memory_space<hbm>> -> memref<1x1x1x5136xf32, #tpu.memory_space<hbm>>
        %dma_wait3A_429 = tpu.memref_squeeze %dma_wait3A_428 : memref<1x1x1x5136xf32, #tpu.memory_space<hbm>> -> memref<5136xf32, #tpu.memory_space<hbm>>
        tpu.wait_dma2 semaphore(%arg24 : memref<!tpu.dma_semaphore, #tpu.memory_space<semaphore_mem>>) src(%arg19 : memref<5136xf32, #tpu.memory_space<vmem>>) dst(%dma_wait3A_429 : memref<5136xf32, #tpu.memory_space<hbm>>)
        %dma_wait3A_430 = arith.constant 0 : i32
        %dma_wait3A_431 = arith.constant 0 : i32
        %dma_wait3A_432 = tpu.memref_slice %arg5[%dma_wait3A_430, %select_n3A, %add3A_420, %dma_wait3A_431] : memref<2x4x256x5136xf32, #tpu.memory_space<hbm>> -> memref<1x1x1x5136xf32, #tpu.memory_space<hbm>>
        %dma_wait3A_433 = tpu.memref_squeeze %dma_wait3A_432 : memref<1x1x1x5136xf32, #tpu.memory_space<hbm>> -> memref<5136xf32, #tpu.memory_space<hbm>>
        %dma_wait3A_434 = arith.constant 0 : i32
        %dma_wait3A_435 = tpu.memref_slice %arg5[%dma_wait3A_430, %select_n3A, %add3A_420, %dma_wait3A_434] : memref<2x4x256x5136xf32, #tpu.memory_space<hbm>> -> memref<1x1x1x5136xf32, #tpu.memory_space<hbm>>
        %dma_wait3A_436 = tpu.memref_squeeze %dma_wait3A_435 : memref<1x1x1x5136xf32, #tpu.memory_space<hbm>> -> memref<5136xf32, #tpu.memory_space<hbm>>
        tpu.wait_dma2 semaphore(%arg24 : memref<!tpu.dma_semaphore, #tpu.memory_space<semaphore_mem>>) src(%arg20 : memref<5136xf32, #tpu.memory_space<vmem>>) dst(%dma_wait3A_436 : memref<5136xf32, #tpu.memory_space<hbm>>)
        %dma_wait3A_437 = arith.constant 1 : i32
        %dma_wait3A_438 = arith.constant 0 : i32
        %dma_wait3A_439 = tpu.memref_slice %arg5[%dma_wait3A_437, %select_n3A, %sub3A_418, %dma_wait3A_438] : memref<2x4x256x5136xf32, #tpu.memory_space<hbm>> -> memref<1x1x1x5136xf32, #tpu.memory_space<hbm>>
        %dma_wait3A_440 = tpu.memref_squeeze %dma_wait3A_439 : memref<1x1x1x5136xf32, #tpu.memory_space<hbm>> -> memref<5136xf32, #tpu.memory_space<hbm>>
        %dma_wait3A_441 = arith.constant 0 : i32
        %dma_wait3A_442 = tpu.memref_slice %arg5[%dma_wait3A_437, %select_n3A, %sub3A_418, %dma_wait3A_441] : memref<2x4x256x5136xf32, #tpu.memory_space<hbm>> -> memref<1x1x1x5136xf32, #tpu.memory_space<hbm>>
        %dma_wait3A_443 = tpu.memref_squeeze %dma_wait3A_442 : memref<1x1x1x5136xf32, #tpu.memory_space<hbm>> -> memref<5136xf32, #tpu.memory_space<hbm>>
        tpu.wait_dma2 semaphore(%arg24 : memref<!tpu.dma_semaphore, #tpu.memory_space<semaphore_mem>>) src(%arg21 : memref<5136xf32, #tpu.memory_space<vmem>>) dst(%dma_wait3A_443 : memref<5136xf32, #tpu.memory_space<hbm>>)
        %dma_wait3A_444 = arith.constant 1 : i32
        %dma_wait3A_445 = arith.constant 0 : i32
        %dma_wait3A_446 = tpu.memref_slice %arg5[%dma_wait3A_444, %select_n3A, %add3A_422, %dma_wait3A_445] : memref<2x4x256x5136xf32, #tpu.memory_space<hbm>> -> memref<1x1x1x5136xf32, #tpu.memory_space<hbm>>
        %dma_wait3A_447 = tpu.memref_squeeze %dma_wait3A_446 : memref<1x1x1x5136xf32, #tpu.memory_space<hbm>> -> memref<5136xf32, #tpu.memory_space<hbm>>
        %dma_wait3A_448 = arith.constant 0 : i32
        %dma_wait3A_449 = tpu.memref_slice %arg5[%dma_wait3A_444, %select_n3A, %add3A_422, %dma_wait3A_448] : memref<2x4x256x5136xf32, #tpu.memory_space<hbm>> -> memref<1x1x1x5136xf32, #tpu.memory_space<hbm>>
        %dma_wait3A_450 = tpu.memref_squeeze %dma_wait3A_449 : memref<1x1x1x5136xf32, #tpu.memory_space<hbm>> -> memref<5136xf32, #tpu.memory_space<hbm>>
        tpu.wait_dma2 semaphore(%arg24 : memref<!tpu.dma_semaphore, #tpu.memory_space<semaphore_mem>>) src(%arg22 : memref<5136xf32, #tpu.memory_space<vmem>>) dst(%dma_wait3A_450 : memref<5136xf32, #tpu.memory_space<hbm>>)
      } else {
      }
      %parallel_loop3A_287 = arith.constant 0 : i32
      %parallel_loop3A_288 = arith.constant 5136 : i32
      %parallel_loop3A_289 = arith.constant 16 : i32
      scf.for %parallel_loop3A_417 = %parallel_loop3A_287 to %parallel_loop3A_288 step %parallel_loop3A_289  : i32 {
        %parallel_loop3A_418 = arith.constant 0.000000e+00 : f32
        %parallel_loop3A_419 = vector.broadcast %parallel_loop3A_418 : f32 to vector<16xf32>
        %parallel_loop3A_420 = arith.index_cast %parallel_loop3A_417 : i32 to index
        %parallel_loop3A_421 = tpu.vector_load %arg19[%parallel_loop3A_420] {strides = array<i32>} : memref<5136xf32, #tpu.memory_space<vmem>>, vector<16xf32>,
        tpu.vector_store %arg19[%parallel_loop3A_420], %parallel_loop3A_419 {strides = array<i32>} : memref<5136xf32, #tpu.memory_space<vmem>>, vector<16xf32>,
        %parallel_loop3A_422 = arith.index_cast %parallel_loop3A_417 : i32 to index
        %parallel_loop3A_423 = tpu.vector_load %arg20[%parallel_loop3A_422] {strides = array<i32>} : memref<5136xf32, #tpu.memory_space<vmem>>, vector<16xf32>,
        tpu.vector_store %arg20[%parallel_loop3A_422], %parallel_loop3A_419 {strides = array<i32>} : memref<5136xf32, #tpu.memory_space<vmem>>, vector<16xf32>,
        %parallel_loop3A_424 = arith.index_cast %parallel_loop3A_417 : i32 to index
        %parallel_loop3A_425 = tpu.vector_load %arg21[%parallel_loop3A_424] {strides = array<i32>} : memref<5136xf32, #tpu.memory_space<vmem>>, vector<16xf32>,
        tpu.vector_store %arg21[%parallel_loop3A_424], %parallel_loop3A_419 {strides = array<i32>} : memref<5136xf32, #tpu.memory_space<vmem>>, vector<16xf32>,
        %parallel_loop3A_426 = arith.index_cast %parallel_loop3A_417 : i32 to index
        %parallel_loop3A_427 = tpu.vector_load %arg22[%parallel_loop3A_426] {strides = array<i32>} : memref<5136xf32, #tpu.memory_space<vmem>>, vector<16xf32>,
        tpu.vector_store %arg22[%parallel_loop3A_426], %parallel_loop3A_419 {strides = array<i32>} : memref<5136xf32, #tpu.memory_space<vmem>>, vector<16xf32>,
      } {sc.loop_unroll_factor = 3 : i64, sc.parallel_access}
      %add3A_290 = arith.constant 1 : i32
      %add3A_291 = arith.addi %add3A_281, %add3A_290 : i32
      %add3A_292 = arith.constant 1 : i32
      %add3A_293 = arith.addi %add3A_281, %add3A_292 : i32
      %dma_wait3A_294 = arith.constant 0 : i32
      %dma_wait3A_295 = tpu.memref_slice %arg2[%select_n3A, %add3A_281, %dma_wait3A_294] : memref<4x256x16384xf32, #tpu.memory_space<hbm>> -> memref<1x1x8192xf32, #tpu.memory_space<hbm>>
      %dma_wait3A_296 = tpu.memref_squeeze %dma_wait3A_295 : memref<1x1x8192xf32, #tpu.memory_space<hbm>> -> memref<8192xf32, #tpu.memory_space<hbm>>
      %dma_wait3A_297 = arith.constant 0 : i32
      %dma_wait3A_298 = tpu.memref_slice %arg2[%select_n3A, %add3A_281, %dma_wait3A_297] : memref<4x256x16384xf32, #tpu.memory_space<hbm>> -> memref<1x1x8192xf32, #tpu.memory_space<hbm>>
      %dma_wait3A_299 = tpu.memref_squeeze %dma_wait3A_298 : memref<1x1x8192xf32, #tpu.memory_space<hbm>> -> memref<8192xf32, #tpu.memory_space<hbm>>
      tpu.wait_dma2 semaphore(%arg23 : memref<!tpu.dma_semaphore, #tpu.memory_space<semaphore_mem>>) src(%dma_wait3A_299 : memref<8192xf32, #tpu.memory_space<hbm>>) dst(%arg7 : memref<8192xf32, #tpu.memory_space<vmem>>)
      %dma_wait3A_300 = arith.constant 0 : i32
      %dma_wait3A_301 = tpu.memref_slice %arg2[%select_n3A, %add3A_291, %dma_wait3A_300] : memref<4x256x16384xf32, #tpu.memory_space<hbm>> -> memref<1x1x8192xf32, #tpu.memory_space<hbm>>
      %dma_wait3A_302 = tpu.memref_squeeze %dma_wait3A_301 : memref<1x1x8192xf32, #tpu.memory_space<hbm>> -> memref<8192xf32, #tpu.memory_space<hbm>>
      %dma_wait3A_303 = arith.constant 0 : i32
      %dma_wait3A_304 = tpu.memref_slice %arg2[%select_n3A, %add3A_291, %dma_wait3A_303] : memref<4x256x16384xf32, #tpu.memory_space<hbm>> -> memref<1x1x8192xf32, #tpu.memory_space<hbm>>
      %dma_wait3A_305 = tpu.memref_squeeze %dma_wait3A_304 : memref<1x1x8192xf32, #tpu.memory_space<hbm>> -> memref<8192xf32, #tpu.memory_space<hbm>>
      tpu.wait_dma2 semaphore(%arg23 : memref<!tpu.dma_semaphore, #tpu.memory_space<semaphore_mem>>) src(%dma_wait3A_305 : memref<8192xf32, #tpu.memory_space<hbm>>) dst(%arg9 : memref<8192xf32, #tpu.memory_space<vmem>>)
      %dma_wait3A_306 = arith.constant 0 : i32
      %dma_wait3A_307 = tpu.memref_slice %arg3[%select_n3A, %add3A_281, %dma_wait3A_306] : memref<4x256x16384xf32, #tpu.memory_space<hbm>> -> memref<1x1x8192xf32, #tpu.memory_space<hbm>>
      %dma_wait3A_308 = tpu.memref_squeeze %dma_wait3A_307 : memref<1x1x8192xf32, #tpu.memory_space<hbm>> -> memref<8192xf32, #tpu.memory_space<hbm>>
      %dma_wait3A_309 = arith.constant 0 : i32
      %dma_wait3A_310 = tpu.memref_slice %arg3[%select_n3A, %add3A_281, %dma_wait3A_309] : memref<4x256x16384xf32, #tpu.memory_space<hbm>> -> memref<1x1x8192xf32, #tpu.memory_space<hbm>>
      %dma_wait3A_311 = tpu.memref_squeeze %dma_wait3A_310 : memref<1x1x8192xf32, #tpu.memory_space<hbm>> -> memref<8192xf32, #tpu.memory_space<hbm>>
      tpu.wait_dma2 semaphore(%arg23 : memref<!tpu.dma_semaphore, #tpu.memory_space<semaphore_mem>>) src(%dma_wait3A_311 : memref<8192xf32, #tpu.memory_space<hbm>>) dst(%arg11 : memref<8192xf32, #tpu.memory_space<vmem>>)
      %dma_wait3A_312 = arith.constant 0 : i32
      %dma_wait3A_313 = tpu.memref_slice %arg3[%select_n3A, %add3A_293, %dma_wait3A_312] : memref<4x256x16384xf32, #tpu.memory_space<hbm>> -> memref<1x1x8192xf32, #tpu.memory_space<hbm>>
      %dma_wait3A_314 = tpu.memref_squeeze %dma_wait3A_313 : memref<1x1x8192xf32, #tpu.memory_space<hbm>> -> memref<8192xf32, #tpu.memory_space<hbm>>
      %dma_wait3A_315 = arith.constant 0 : i32
      %dma_wait3A_316 = tpu.memref_slice %arg3[%select_n3A, %add3A_293, %dma_wait3A_315] : memref<4x256x16384xf32, #tpu.memory_space<hbm>> -> memref<1x1x8192xf32, #tpu.memory_space<hbm>>
      %dma_wait3A_317 = tpu.memref_squeeze %dma_wait3A_316 : memref<1x1x8192xf32, #tpu.memory_space<hbm>> -> memref<8192xf32, #tpu.memory_space<hbm>>
      tpu.wait_dma2 semaphore(%arg23 : memref<!tpu.dma_semaphore, #tpu.memory_space<semaphore_mem>>) src(%dma_wait3A_317 : memref<8192xf32, #tpu.memory_space<hbm>>) dst(%arg13 : memref<8192xf32, #tpu.memory_space<vmem>>)
      %add3A_318 = arith.constant 1 : i32
      %add3A_319 = arith.addi %add3A_281, %add3A_318 : i32
      %add3A_320 = arith.constant 1 : i32
      %add3A_321 = arith.addi %add3A_281, %add3A_320 : i32
      %dma_start3A_322 = arith.constant 8192 : i32
      %dma_start3A_323 = tpu.memref_slice %arg2[%select_n3A, %add3A_281, %dma_start3A_322] : memref<4x256x16384xf32, #tpu.memory_space<hbm>> -> memref<1x1x8192xf32, #tpu.memory_space<hbm>>
      %dma_start3A_324 = tpu.memref_squeeze %dma_start3A_323 : memref<1x1x8192xf32, #tpu.memory_space<hbm>> -> memref<8192xf32, #tpu.memory_space<hbm>>
      %dma_start3A_325 = arith.constant 8192 : i32
      %dma_start3A_326 = tpu.memref_slice %arg2[%select_n3A, %add3A_281, %dma_start3A_325] : memref<4x256x16384xf32, #tpu.memory_space<hbm>> -> memref<1x1x8192xf32, #tpu.memory_space<hbm>>
      %dma_start3A_327 = tpu.memref_squeeze %dma_start3A_326 : memref<1x1x8192xf32, #tpu.memory_space<hbm>> -> memref<8192xf32, #tpu.memory_space<hbm>>
      tpu.enqueue_dma source(%dma_start3A_327 : memref<8192xf32, #tpu.memory_space<hbm>>) target(%arg8 : memref<8192xf32, #tpu.memory_space<vmem>>) target_semaphore(%arg23 : memref<!tpu.dma_semaphore, #tpu.memory_space<semaphore_mem>>)
      %dma_start3A_328 = arith.constant 8192 : i32
      %dma_start3A_329 = tpu.memref_slice %arg2[%select_n3A, %add3A_319, %dma_start3A_328] : memref<4x256x16384xf32, #tpu.memory_space<hbm>> -> memref<1x1x8192xf32, #tpu.memory_space<hbm>>
      %dma_start3A_330 = tpu.memref_squeeze %dma_start3A_329 : memref<1x1x8192xf32, #tpu.memory_space<hbm>> -> memref<8192xf32, #tpu.memory_space<hbm>>
      %dma_start3A_331 = arith.constant 8192 : i32
      %dma_start3A_332 = tpu.memref_slice %arg2[%select_n3A, %add3A_319, %dma_start3A_331] : memref<4x256x16384xf32, #tpu.memory_space<hbm>> -> memref<1x1x8192xf32, #tpu.memory_space<hbm>>
      %dma_start3A_333 = tpu.memref_squeeze %dma_start3A_332 : memref<1x1x8192xf32, #tpu.memory_space<hbm>> -> memref<8192xf32, #tpu.memory_space<hbm>>
      tpu.enqueue_dma source(%dma_start3A_333 : memref<8192xf32, #tpu.memory_space<hbm>>) target(%arg10 : memref<8192xf32, #tpu.memory_space<vmem>>) target_semaphore(%arg23 : memref<!tpu.dma_semaphore, #tpu.memory_space<semaphore_mem>>)
      %dma_start3A_334 = arith.constant 8192 : i32
      %dma_start3A_335 = tpu.memref_slice %arg3[%select_n3A, %add3A_281, %dma_start3A_334] : memref<4x256x16384xf32, #tpu.memory_space<hbm>> -> memref<1x1x8192xf32, #tpu.memory_space<hbm>>
      %dma_start3A_336 = tpu.memref_squeeze %dma_start3A_335 : memref<1x1x8192xf32, #tpu.memory_space<hbm>> -> memref<8192xf32, #tpu.memory_space<hbm>>
      %dma_start3A_337 = arith.constant 8192 : i32
      %dma_start3A_338 = tpu.memref_slice %arg3[%select_n3A, %add3A_281, %dma_start3A_337] : memref<4x256x16384xf32, #tpu.memory_space<hbm>> -> memref<1x1x8192xf32, #tpu.memory_space<hbm>>
      %dma_start3A_339 = tpu.memref_squeeze %dma_start3A_338 : memref<1x1x8192xf32, #tpu.memory_space<hbm>> -> memref<8192xf32, #tpu.memory_space<hbm>>
      tpu.enqueue_dma source(%dma_start3A_339 : memref<8192xf32, #tpu.memory_space<hbm>>) target(%arg12 : memref<8192xf32, #tpu.memory_space<vmem>>) target_semaphore(%arg23 : memref<!tpu.dma_semaphore, #tpu.memory_space<semaphore_mem>>)
      %dma_start3A_340 = arith.constant 8192 : i32
      %dma_start3A_341 = tpu.memref_slice %arg3[%select_n3A, %add3A_321, %dma_start3A_340] : memref<4x256x16384xf32, #tpu.memory_space<hbm>> -> memref<1x1x8192xf32, #tpu.memory_space<hbm>>
      %dma_start3A_342 = tpu.memref_squeeze %dma_start3A_341 : memref<1x1x8192xf32, #tpu.memory_space<hbm>> -> memref<8192xf32, #tpu.memory_space<hbm>>
      %dma_start3A_343 = arith.constant 8192 : i32
      %dma_start3A_344 = tpu.memref_slice %arg3[%select_n3A, %add3A_321, %dma_start3A_343] : memref<4x256x16384xf32, #tpu.memory_space<hbm>> -> memref<1x1x8192xf32, #tpu.memory_space<hbm>>
      %dma_start3A_345 = tpu.memref_squeeze %dma_start3A_344 : memref<1x1x8192xf32, #tpu.memory_space<hbm>> -> memref<8192xf32, #tpu.memory_space<hbm>>
      tpu.enqueue_dma source(%dma_start3A_345 : memref<8192xf32, #tpu.memory_space<hbm>>) target(%arg14 : memref<8192xf32, #tpu.memory_space<vmem>>) target_semaphore(%arg23 : memref<!tpu.dma_semaphore, #tpu.memory_space<semaphore_mem>>)
      %parallel_loop3A_346 = arith.constant 0 : i32
      %parallel_loop3A_347 = arith.constant 8192 : i32
      %parallel_loop3A_348 = arith.constant 16 : i32
      scf.for %parallel_loop3A_417 = %parallel_loop3A_346 to %parallel_loop3A_347 step %parallel_loop3A_348  : i32 {
        %parallel_loop3A_418 = arith.constant 0 : i32
        %parallel_loop3A_419 = arith.addi %parallel_loop3A_418, %parallel_loop3A_417 : i32
        %parallel_loop3A_420 = arith.index_cast %parallel_loop3A_419 : i32 to index
        %parallel_loop3A_421 = tpu.vector_load %arg6[%parallel_loop3A_420] {strides = array<i32>} : memref<16384xi32, #tpu.memory_space<vmem>>, vector<16xi32>,
        %parallel_loop3A_422 = arith.index_cast %parallel_loop3A_417 : i32 to index
        %parallel_loop3A_423 = tpu.vector_load %arg7[%parallel_loop3A_422] {strides = array<i32>} : memref<8192xf32, #tpu.memory_space<vmem>>, vector<16xf32>,
        tpu.vector_store_idx %arg19[%parallel_loop3A_421], %parallel_loop3A_423 {add = true} : memref<5136xf32, #tpu.memory_space<vmem>>[vector<16xi32>], vector<16xf32>,
        %parallel_loop3A_424 = arith.index_cast %parallel_loop3A_417 : i32 to index
        %parallel_loop3A_425 = tpu.vector_load %arg9[%parallel_loop3A_424] {strides = array<i32>} : memref<8192xf32, #tpu.memory_space<vmem>>, vector<16xf32>,
        tpu.vector_store_idx %arg20[%parallel_loop3A_421], %parallel_loop3A_425 {add = true} : memref<5136xf32, #tpu.memory_space<vmem>>[vector<16xi32>], vector<16xf32>,
        %parallel_loop3A_426 = arith.index_cast %parallel_loop3A_417 : i32 to index
        %parallel_loop3A_427 = tpu.vector_load %arg11[%parallel_loop3A_426] {strides = array<i32>} : memref<8192xf32, #tpu.memory_space<vmem>>, vector<16xf32>,
        tpu.vector_store_idx %arg21[%parallel_loop3A_421], %parallel_loop3A_427 {add = true} : memref<5136xf32, #tpu.memory_space<vmem>>[vector<16xi32>], vector<16xf32>,
        %parallel_loop3A_428 = arith.index_cast %parallel_loop3A_417 : i32 to index
        %parallel_loop3A_429 = tpu.vector_load %arg13[%parallel_loop3A_428] {strides = array<i32>} : memref<8192xf32, #tpu.memory_space<vmem>>, vector<16xf32>,
        tpu.vector_store_idx %arg22[%parallel_loop3A_421], %parallel_loop3A_429 {add = true} : memref<5136xf32, #tpu.memory_space<vmem>>[vector<16xi32>], vector<16xf32>,
      } {sc.loop_unroll_factor = 8 : i64, sc.parallel_access}
      %add3A_349 = arith.constant 1 : i32
      %add3A_350 = arith.addi %add3A_281, %add3A_349 : i32
      %add3A_351 = arith.constant 1 : i32
      %add3A_352 = arith.addi %add3A_281, %add3A_351 : i32
      %dma_wait3A_353 = arith.constant 8192 : i32
      %dma_wait3A_354 = tpu.memref_slice %arg2[%select_n3A, %add3A_281, %dma_wait3A_353] : memref<4x256x16384xf32, #tpu.memory_space<hbm>> -> memref<1x1x8192xf32, #tpu.memory_space<hbm>>
      %dma_wait3A_355 = tpu.memref_squeeze %dma_wait3A_354 : memref<1x1x8192xf32, #tpu.memory_space<hbm>> -> memref<8192xf32, #tpu.memory_space<hbm>>
      %dma_wait3A_356 = arith.constant 8192 : i32
      %dma_wait3A_357 = tpu.memref_slice %arg2[%select_n3A, %add3A_281, %dma_wait3A_356] : memref<4x256x16384xf32, #tpu.memory_space<hbm>> -> memref<1x1x8192xf32, #tpu.memory_space<hbm>>
      %dma_wait3A_358 = tpu.memref_squeeze %dma_wait3A_357 : memref<1x1x8192xf32, #tpu.memory_space<hbm>> -> memref<8192xf32, #tpu.memory_space<hbm>>
      tpu.wait_dma2 semaphore(%arg23 : memref<!tpu.dma_semaphore, #tpu.memory_space<semaphore_mem>>) src(%dma_wait3A_358 : memref<8192xf32, #tpu.memory_space<hbm>>) dst(%arg8 : memref<8192xf32, #tpu.memory_space<vmem>>)
      %dma_wait3A_359 = arith.constant 8192 : i32
      %dma_wait3A_360 = tpu.memref_slice %arg2[%select_n3A, %add3A_350, %dma_wait3A_359] : memref<4x256x16384xf32, #tpu.memory_space<hbm>> -> memref<1x1x8192xf32, #tpu.memory_space<hbm>>
      %dma_wait3A_361 = tpu.memref_squeeze %dma_wait3A_360 : memref<1x1x8192xf32, #tpu.memory_space<hbm>> -> memref<8192xf32, #tpu.memory_space<hbm>>
      %dma_wait3A_362 = arith.constant 8192 : i32
      %dma_wait3A_363 = tpu.memref_slice %arg2[%select_n3A, %add3A_350, %dma_wait3A_362] : memref<4x256x16384xf32, #tpu.memory_space<hbm>> -> memref<1x1x8192xf32, #tpu.memory_space<hbm>>
      %dma_wait3A_364 = tpu.memref_squeeze %dma_wait3A_363 : memref<1x1x8192xf32, #tpu.memory_space<hbm>> -> memref<8192xf32, #tpu.memory_space<hbm>>
      tpu.wait_dma2 semaphore(%arg23 : memref<!tpu.dma_semaphore, #tpu.memory_space<semaphore_mem>>) src(%dma_wait3A_364 : memref<8192xf32, #tpu.memory_space<hbm>>) dst(%arg10 : memref<8192xf32, #tpu.memory_space<vmem>>)
      %dma_wait3A_365 = arith.constant 8192 : i32
      %dma_wait3A_366 = tpu.memref_slice %arg3[%select_n3A, %add3A_281, %dma_wait3A_365] : memref<4x256x16384xf32, #tpu.memory_space<hbm>> -> memref<1x1x8192xf32, #tpu.memory_space<hbm>>
      %dma_wait3A_367 = tpu.memref_squeeze %dma_wait3A_366 : memref<1x1x8192xf32, #tpu.memory_space<hbm>> -> memref<8192xf32, #tpu.memory_space<hbm>>
      %dma_wait3A_368 = arith.constant 8192 : i32
      %dma_wait3A_369 = tpu.memref_slice %arg3[%select_n3A, %add3A_281, %dma_wait3A_368] : memref<4x256x16384xf32, #tpu.memory_space<hbm>> -> memref<1x1x8192xf32, #tpu.memory_space<hbm>>
      %dma_wait3A_370 = tpu.memref_squeeze %dma_wait3A_369 : memref<1x1x8192xf32, #tpu.memory_space<hbm>> -> memref<8192xf32, #tpu.memory_space<hbm>>
      tpu.wait_dma2 semaphore(%arg23 : memref<!tpu.dma_semaphore, #tpu.memory_space<semaphore_mem>>) src(%dma_wait3A_370 : memref<8192xf32, #tpu.memory_space<hbm>>) dst(%arg12 : memref<8192xf32, #tpu.memory_space<vmem>>)
      %dma_wait3A_371 = arith.constant 8192 : i32
      %dma_wait3A_372 = tpu.memref_slice %arg3[%select_n3A, %add3A_352, %dma_wait3A_371] : memref<4x256x16384xf32, #tpu.memory_space<hbm>> -> memref<1x1x8192xf32, #tpu.memory_space<hbm>>
      %dma_wait3A_373 = tpu.memref_squeeze %dma_wait3A_372 : memref<1x1x8192xf32, #tpu.memory_space<hbm>> -> memref<8192xf32, #tpu.memory_space<hbm>>
      %dma_wait3A_374 = arith.constant 8192 : i32
      %dma_wait3A_375 = tpu.memref_slice %arg3[%select_n3A, %add3A_352, %dma_wait3A_374] : memref<4x256x16384xf32, #tpu.memory_space<hbm>> -> memref<1x1x8192xf32, #tpu.memory_space<hbm>>
      %dma_wait3A_376 = tpu.memref_squeeze %dma_wait3A_375 : memref<1x1x8192xf32, #tpu.memory_space<hbm>> -> memref<8192xf32, #tpu.memory_space<hbm>>
      tpu.wait_dma2 semaphore(%arg23 : memref<!tpu.dma_semaphore, #tpu.memory_space<semaphore_mem>>) src(%dma_wait3A_376 : memref<8192xf32, #tpu.memory_space<hbm>>) dst(%arg14 : memref<8192xf32, #tpu.memory_space<vmem>>)
      %lt3A_377 = arith.constant 15 : i32
      %lt3A_378 = arith.cmpi slt, %add3A_278, %lt3A_377 : i32
      %convert_element_type3A_379 = arith.extui %lt3A_378 : i1 to i32
      %cond3A_380 = arith.constant 0 : i32
      %cond3A_381 = arith.cmpi ne, %convert_element_type3A_379, %cond3A_380 : i32
      scf.if %cond3A_381 {
        %add3A_417 = arith.constant 2 : i32
        %add3A_418 = arith.addi %add3A_281, %add3A_417 : i32
        %add3A_419 = arith.constant 1 : i32
        %add3A_420 = arith.addi %add3A_418, %add3A_419 : i32
        %add3A_421 = arith.constant 1 : i32
        %add3A_422 = arith.addi %add3A_418, %add3A_421 : i32
        %dma_start3A_423 = arith.constant 0 : i32
        %dma_start3A_424 = tpu.memref_slice %arg2[%select_n3A, %add3A_418, %dma_start3A_423] : memref<4x256x16384xf32, #tpu.memory_space<hbm>> -> memref<1x1x8192xf32, #tpu.memory_space<hbm>>
        %dma_start3A_425 = tpu.memref_squeeze %dma_start3A_424 : memref<1x1x8192xf32, #tpu.memory_space<hbm>> -> memref<8192xf32, #tpu.memory_space<hbm>>
        %dma_start3A_426 = arith.constant 0 : i32
        %dma_start3A_427 = tpu.memref_slice %arg2[%select_n3A, %add3A_418, %dma_start3A_426] : memref<4x256x16384xf32, #tpu.memory_space<hbm>> -> memref<1x1x8192xf32, #tpu.memory_space<hbm>>
        %dma_start3A_428 = tpu.memref_squeeze %dma_start3A_427 : memref<1x1x8192xf32, #tpu.memory_space<hbm>> -> memref<8192xf32, #tpu.memory_space<hbm>>
        tpu.enqueue_dma source(%dma_start3A_428 : memref<8192xf32, #tpu.memory_space<hbm>>) target(%arg7 : memref<8192xf32, #tpu.memory_space<vmem>>) target_semaphore(%arg23 : memref<!tpu.dma_semaphore, #tpu.memory_space<semaphore_mem>>)
        %dma_start3A_429 = arith.constant 0 : i32
        %dma_start3A_430 = tpu.memref_slice %arg2[%select_n3A, %add3A_420, %dma_start3A_429] : memref<4x256x16384xf32, #tpu.memory_space<hbm>> -> memref<1x1x8192xf32, #tpu.memory_space<hbm>>
        %dma_start3A_431 = tpu.memref_squeeze %dma_start3A_430 : memref<1x1x8192xf32, #tpu.memory_space<hbm>> -> memref<8192xf32, #tpu.memory_space<hbm>>
        %dma_start3A_432 = arith.constant 0 : i32
        %dma_start3A_433 = tpu.memref_slice %arg2[%select_n3A, %add3A_420, %dma_start3A_432] : memref<4x256x16384xf32, #tpu.memory_space<hbm>> -> memref<1x1x8192xf32, #tpu.memory_space<hbm>>
        %dma_start3A_434 = tpu.memref_squeeze %dma_start3A_433 : memref<1x1x8192xf32, #tpu.memory_space<hbm>> -> memref<8192xf32, #tpu.memory_space<hbm>>
        tpu.enqueue_dma source(%dma_start3A_434 : memref<8192xf32, #tpu.memory_space<hbm>>) target(%arg9 : memref<8192xf32, #tpu.memory_space<vmem>>) target_semaphore(%arg23 : memref<!tpu.dma_semaphore, #tpu.memory_space<semaphore_mem>>)
        %dma_start3A_435 = arith.constant 0 : i32
        %dma_start3A_436 = tpu.memref_slice %arg3[%select_n3A, %add3A_418, %dma_start3A_435] : memref<4x256x16384xf32, #tpu.memory_space<hbm>> -> memref<1x1x8192xf32, #tpu.memory_space<hbm>>
        %dma_start3A_437 = tpu.memref_squeeze %dma_start3A_436 : memref<1x1x8192xf32, #tpu.memory_space<hbm>> -> memref<8192xf32, #tpu.memory_space<hbm>>
        %dma_start3A_438 = arith.constant 0 : i32
        %dma_start3A_439 = tpu.memref_slice %arg3[%select_n3A, %add3A_418, %dma_start3A_438] : memref<4x256x16384xf32, #tpu.memory_space<hbm>> -> memref<1x1x8192xf32, #tpu.memory_space<hbm>>
        %dma_start3A_440 = tpu.memref_squeeze %dma_start3A_439 : memref<1x1x8192xf32, #tpu.memory_space<hbm>> -> memref<8192xf32, #tpu.memory_space<hbm>>
        tpu.enqueue_dma source(%dma_start3A_440 : memref<8192xf32, #tpu.memory_space<hbm>>) target(%arg11 : memref<8192xf32, #tpu.memory_space<vmem>>) target_semaphore(%arg23 : memref<!tpu.dma_semaphore, #tpu.memory_space<semaphore_mem>>)
        %dma_start3A_441 = arith.constant 0 : i32
        %dma_start3A_442 = tpu.memref_slice %arg3[%select_n3A, %add3A_422, %dma_start3A_441] : memref<4x256x16384xf32, #tpu.memory_space<hbm>> -> memref<1x1x8192xf32, #tpu.memory_space<hbm>>
        %dma_start3A_443 = tpu.memref_squeeze %dma_start3A_442 : memref<1x1x8192xf32, #tpu.memory_space<hbm>> -> memref<8192xf32, #tpu.memory_space<hbm>>
        %dma_start3A_444 = arith.constant 0 : i32
        %dma_start3A_445 = tpu.memref_slice %arg3[%select_n3A, %add3A_422, %dma_start3A_444] : memref<4x256x16384xf32, #tpu.memory_space<hbm>> -> memref<1x1x8192xf32, #tpu.memory_space<hbm>>
        %dma_start3A_446 = tpu.memref_squeeze %dma_start3A_445 : memref<1x1x8192xf32, #tpu.memory_space<hbm>> -> memref<8192xf32, #tpu.memory_space<hbm>>
        tpu.enqueue_dma source(%dma_start3A_446 : memref<8192xf32, #tpu.memory_space<hbm>>) target(%arg13 : memref<8192xf32, #tpu.memory_space<vmem>>) target_semaphore(%arg23 : memref<!tpu.dma_semaphore, #tpu.memory_space<semaphore_mem>>)
      } else {
      }
      %parallel_loop3A_382 = arith.constant 0 : i32
      %parallel_loop3A_383 = arith.constant 8192 : i32
      %parallel_loop3A_384 = arith.constant 16 : i32
      scf.for %parallel_loop3A_417 = %parallel_loop3A_382 to %parallel_loop3A_383 step %parallel_loop3A_384  : i32 {
        %parallel_loop3A_418 = arith.constant 8192 : i32
        %parallel_loop3A_419 = arith.addi %parallel_loop3A_418, %parallel_loop3A_417 : i32
        %parallel_loop3A_420 = arith.index_cast %parallel_loop3A_419 : i32 to index
        %parallel_loop3A_421 = tpu.vector_load %arg6[%parallel_loop3A_420] {strides = array<i32>} : memref<16384xi32, #tpu.memory_space<vmem>>, vector<16xi32>,
        %parallel_loop3A_422 = arith.index_cast %parallel_loop3A_417 : i32 to index
        %parallel_loop3A_423 = tpu.vector_load %arg8[%parallel_loop3A_422] {strides = array<i32>} : memref<8192xf32, #tpu.memory_space<vmem>>, vector<16xf32>,
        tpu.vector_store_idx %arg19[%parallel_loop3A_421], %parallel_loop3A_423 {add = true} : memref<5136xf32, #tpu.memory_space<vmem>>[vector<16xi32>], vector<16xf32>,
        %parallel_loop3A_424 = arith.index_cast %parallel_loop3A_417 : i32 to index
        %parallel_loop3A_425 = tpu.vector_load %arg10[%parallel_loop3A_424] {strides = array<i32>} : memref<8192xf32, #tpu.memory_space<vmem>>, vector<16xf32>,
        tpu.vector_store_idx %arg20[%parallel_loop3A_421], %parallel_loop3A_425 {add = true} : memref<5136xf32, #tpu.memory_space<vmem>>[vector<16xi32>], vector<16xf32>,
        %parallel_loop3A_426 = arith.index_cast %parallel_loop3A_417 : i32 to index
        %parallel_loop3A_427 = tpu.vector_load %arg12[%parallel_loop3A_426] {strides = array<i32>} : memref<8192xf32, #tpu.memory_space<vmem>>, vector<16xf32>,
        tpu.vector_store_idx %arg21[%parallel_loop3A_421], %parallel_loop3A_427 {add = true} : memref<5136xf32, #tpu.memory_space<vmem>>[vector<16xi32>], vector<16xf32>,
        %parallel_loop3A_428 = arith.index_cast %parallel_loop3A_417 : i32 to index
        %parallel_loop3A_429 = tpu.vector_load %arg14[%parallel_loop3A_428] {strides = array<i32>} : memref<8192xf32, #tpu.memory_space<vmem>>, vector<16xf32>,
        tpu.vector_store_idx %arg22[%parallel_loop3A_421], %parallel_loop3A_429 {add = true} : memref<5136xf32, #tpu.memory_space<vmem>>[vector<16xi32>], vector<16xf32>,
      } {sc.loop_unroll_factor = 8 : i64, sc.parallel_access}
      %add3A_385 = arith.constant 1 : i32
      %add3A_386 = arith.addi %add3A_281, %add3A_385 : i32
      %add3A_387 = arith.constant 1 : i32
      %add3A_388 = arith.addi %add3A_281, %add3A_387 : i32
      %dma_start3A_389 = arith.constant 0 : i32
      %dma_start3A_390 = arith.constant 0 : i32
      %dma_start3A_391 = tpu.memref_slice %arg5[%dma_start3A_389, %select_n3A, %add3A_281, %dma_start3A_390] : memref<2x4x256x5136xf32, #tpu.memory_space<hbm>> -> memref<1x1x1x5136xf32, #tpu.memory_space<hbm>>
      %dma_start3A_392 = tpu.memref_squeeze %dma_start3A_391 : memref<1x1x1x5136xf32, #tpu.memory_space<hbm>> -> memref<5136xf32, #tpu.memory_space<hbm>>
      %dma_start3A_393 = arith.constant 0 : i32
      %dma_start3A_394 = tpu.memref_slice %arg5[%dma_start3A_389, %select_n3A, %add3A_281, %dma_start3A_393] : memref<2x4x256x5136xf32, #tpu.memory_space<hbm>> -> memref<1x1x1x5136xf32, #tpu.memory_space<hbm>>
      %dma_start3A_395 = tpu.memref_squeeze %dma_start3A_394 : memref<1x1x1x5136xf32, #tpu.memory_space<hbm>> -> memref<5136xf32, #tpu.memory_space<hbm>>
      tpu.enqueue_dma source(%arg19 : memref<5136xf32, #tpu.memory_space<vmem>>) target(%dma_start3A_395 : memref<5136xf32, #tpu.memory_space<hbm>>) target_semaphore(%arg24 : memref<!tpu.dma_semaphore, #tpu.memory_space<semaphore_mem>>)
      %dma_start3A_396 = arith.constant 0 : i32
      %dma_start3A_397 = arith.constant 0 : i32
      %dma_start3A_398 = tpu.memref_slice %arg5[%dma_start3A_396, %select_n3A, %add3A_386, %dma_start3A_397] : memref<2x4x256x5136xf32, #tpu.memory_space<hbm>> -> memref<1x1x1x5136xf32, #tpu.memory_space<hbm>>
      %dma_start3A_399 = tpu.memref_squeeze %dma_start3A_398 : memref<1x1x1x5136xf32, #tpu.memory_space<hbm>> -> memref<5136xf32, #tpu.memory_space<hbm>>
      %dma_start3A_400 = arith.constant 0 : i32
      %dma_start3A_401 = tpu.memref_slice %arg5[%dma_start3A_396, %select_n3A, %add3A_386, %dma_start3A_400] : memref<2x4x256x5136xf32, #tpu.memory_space<hbm>> -> memref<1x1x1x5136xf32, #tpu.memory_space<hbm>>
      %dma_start3A_402 = tpu.memref_squeeze %dma_start3A_401 : memref<1x1x1x5136xf32, #tpu.memory_space<hbm>> -> memref<5136xf32, #tpu.memory_space<hbm>>
      tpu.enqueue_dma source(%arg20 : memref<5136xf32, #tpu.memory_space<vmem>>) target(%dma_start3A_402 : memref<5136xf32, #tpu.memory_space<hbm>>) target_semaphore(%arg24 : memref<!tpu.dma_semaphore, #tpu.memory_space<semaphore_mem>>)
      %dma_start3A_403 = arith.constant 1 : i32
      %dma_start3A_404 = arith.constant 0 : i32
      %dma_start3A_405 = tpu.memref_slice %arg5[%dma_start3A_403, %select_n3A, %add3A_281, %dma_start3A_404] : memref<2x4x256x5136xf32, #tpu.memory_space<hbm>> -> memref<1x1x1x5136xf32, #tpu.memory_space<hbm>>
      %dma_start3A_406 = tpu.memref_squeeze %dma_start3A_405 : memref<1x1x1x5136xf32, #tpu.memory_space<hbm>> -> memref<5136xf32, #tpu.memory_space<hbm>>
      %dma_start3A_407 = arith.constant 0 : i32
      %dma_start3A_408 = tpu.memref_slice %arg5[%dma_start3A_403, %select_n3A, %add3A_281, %dma_start3A_407] : memref<2x4x256x5136xf32, #tpu.memory_space<hbm>> -> memref<1x1x1x5136xf32, #tpu.memory_space<hbm>>
      %dma_start3A_409 = tpu.memref_squeeze %dma_start3A_408 : memref<1x1x1x5136xf32, #tpu.memory_space<hbm>> -> memref<5136xf32, #tpu.memory_space<hbm>>
      tpu.enqueue_dma source(%arg21 : memref<5136xf32, #tpu.memory_space<vmem>>) target(%dma_start3A_409 : memref<5136xf32, #tpu.memory_space<hbm>>) target_semaphore(%arg24 : memref<!tpu.dma_semaphore, #tpu.memory_space<semaphore_mem>>)
      %dma_start3A_410 = arith.constant 1 : i32
      %dma_start3A_411 = arith.constant 0 : i32
      %dma_start3A_412 = tpu.memref_slice %arg5[%dma_start3A_410, %select_n3A, %add3A_388, %dma_start3A_411] : memref<2x4x256x5136xf32, #tpu.memory_space<hbm>> -> memref<1x1x1x5136xf32, #tpu.memory_space<hbm>>
      %dma_start3A_413 = tpu.memref_squeeze %dma_start3A_412 : memref<1x1x1x5136xf32, #tpu.memory_space<hbm>> -> memref<5136xf32, #tpu.memory_space<hbm>>
      %dma_start3A_414 = arith.constant 0 : i32
      %dma_start3A_415 = tpu.memref_slice %arg5[%dma_start3A_410, %select_n3A, %add3A_388, %dma_start3A_414] : memref<2x4x256x5136xf32, #tpu.memory_space<hbm>> -> memref<1x1x1x5136xf32, #tpu.memory_space<hbm>>
      %dma_start3A_416 = tpu.memref_squeeze %dma_start3A_415 : memref<1x1x1x5136xf32, #tpu.memory_space<hbm>> -> memref<5136xf32, #tpu.memory_space<hbm>>
      tpu.enqueue_dma source(%arg22 : memref<5136xf32, #tpu.memory_space<vmem>>) target(%dma_start3A_416 : memref<5136xf32, #tpu.memory_space<hbm>>) target_semaphore(%arg24 : memref<!tpu.dma_semaphore, #tpu.memory_space<semaphore_mem>>)
    }
    %scan3A_64 = arith.constant 8 : i32
    %add3A_65 = arith.constant 28 : i32
    %add3A_66 = arith.addi %mul3A_32, %add3A_65 : i32
    %add3A_67 = arith.constant 0 : i32
    %add3A_68 = arith.addi %add3A_66, %add3A_67 : i32
    %add3A_69 = arith.constant 1 : i32
    %add3A_70 = arith.addi %add3A_68, %add3A_69 : i32
    %add3A_71 = arith.constant 1 : i32
    %add3A_72 = arith.addi %add3A_68, %add3A_71 : i32
    %dma_wait3A = arith.constant 0 : i32
    %dma_wait3A_73 = arith.constant 0 : i32
    %dma_wait3A_74 = tpu.memref_slice %arg5[%dma_wait3A, %select_n3A, %add3A_68, %dma_wait3A_73] : memref<2x4x256x5136xf32, #tpu.memory_space<hbm>> -> memref<1x1x1x5136xf32, #tpu.memory_space<hbm>>
    %dma_wait3A_75 = tpu.memref_squeeze %dma_wait3A_74 : memref<1x1x1x5136xf32, #tpu.memory_space<hbm>> -> memref<5136xf32, #tpu.memory_space<hbm>>
    %dma_wait3A_76 = arith.constant 0 : i32
    %dma_wait3A_77 = tpu.memref_slice %arg5[%dma_wait3A, %select_n3A, %add3A_68, %dma_wait3A_76] : memref<2x4x256x5136xf32, #tpu.memory_space<hbm>> -> memref<1x1x1x5136xf32, #tpu.memory_space<hbm>>
    %dma_wait3A_78 = tpu.memref_squeeze %dma_wait3A_77 : memref<1x1x1x5136xf32, #tpu.memory_space<hbm>> -> memref<5136xf32, #tpu.memory_space<hbm>>
    tpu.wait_dma2 semaphore(%arg24 : memref<!tpu.dma_semaphore, #tpu.memory_space<semaphore_mem>>) src(%arg15 : memref<5136xf32, #tpu.memory_space<vmem>>) dst(%dma_wait3A_78 : memref<5136xf32, #tpu.memory_space<hbm>>)
    %dma_wait3A_79 = arith.constant 0 : i32
    %dma_wait3A_80 = arith.constant 0 : i32
    %dma_wait3A_81 = tpu.memref_slice %arg5[%dma_wait3A_79, %select_n3A, %add3A_70, %dma_wait3A_80] : memref<2x4x256x5136xf32, #tpu.memory_space<hbm>> -> memref<1x1x1x5136xf32, #tpu.memory_space<hbm>>
    %dma_wait3A_82 = tpu.memref_squeeze %dma_wait3A_81 : memref<1x1x1x5136xf32, #tpu.memory_space<hbm>> -> memref<5136xf32, #tpu.memory_space<hbm>>
    %dma_wait3A_83 = arith.constant 0 : i32
    %dma_wait3A_84 = tpu.memref_slice %arg5[%dma_wait3A_79, %select_n3A, %add3A_70, %dma_wait3A_83] : memref<2x4x256x5136xf32, #tpu.memory_space<hbm>> -> memref<1x1x1x5136xf32, #tpu.memory_space<hbm>>
    %dma_wait3A_85 = tpu.memref_squeeze %dma_wait3A_84 : memref<1x1x1x5136xf32, #tpu.memory_space<hbm>> -> memref<5136xf32, #tpu.memory_space<hbm>>
    tpu.wait_dma2 semaphore(%arg24 : memref<!tpu.dma_semaphore, #tpu.memory_space<semaphore_mem>>) src(%arg16 : memref<5136xf32, #tpu.memory_space<vmem>>) dst(%dma_wait3A_85 : memref<5136xf32, #tpu.memory_space<hbm>>)
    %dma_wait3A_86 = arith.constant 1 : i32
    %dma_wait3A_87 = arith.constant 0 : i32
    %dma_wait3A_88 = tpu.memref_slice %arg5[%dma_wait3A_86, %select_n3A, %add3A_68, %dma_wait3A_87] : memref<2x4x256x5136xf32, #tpu.memory_space<hbm>> -> memref<1x1x1x5136xf32, #tpu.memory_space<hbm>>
    %dma_wait3A_89 = tpu.memref_squeeze %dma_wait3A_88 : memref<1x1x1x5136xf32, #tpu.memory_space<hbm>> -> memref<5136xf32, #tpu.memory_space<hbm>>
    %dma_wait3A_90 = arith.constant 0 : i32
    %dma_wait3A_91 = tpu.memref_slice %arg5[%dma_wait3A_86, %select_n3A, %add3A_68, %dma_wait3A_90] : memref<2x4x256x5136xf32, #tpu.memory_space<hbm>> -> memref<1x1x1x5136xf32, #tpu.memory_space<hbm>>
    %dma_wait3A_92 = tpu.memref_squeeze %dma_wait3A_91 : memref<1x1x1x5136xf32, #tpu.memory_space<hbm>> -> memref<5136xf32, #tpu.memory_space<hbm>>
    tpu.wait_dma2 semaphore(%arg24 : memref<!tpu.dma_semaphore, #tpu.memory_space<semaphore_mem>>) src(%arg17 : memref<5136xf32, #tpu.memory_space<vmem>>) dst(%dma_wait3A_92 : memref<5136xf32, #tpu.memory_space<hbm>>)
    %dma_wait3A_93 = arith.constant 1 : i32
    %dma_wait3A_94 = arith.constant 0 : i32
    %dma_wait3A_95 = tpu.memref_slice %arg5[%dma_wait3A_93, %select_n3A, %add3A_72, %dma_wait3A_94] : memref<2x4x256x5136xf32, #tpu.memory_space<hbm>> -> memref<1x1x1x5136xf32, #tpu.memory_space<hbm>>
    %dma_wait3A_96 = tpu.memref_squeeze %dma_wait3A_95 : memref<1x1x1x5136xf32, #tpu.memory_space<hbm>> -> memref<5136xf32, #tpu.memory_space<hbm>>
    %dma_wait3A_97 = arith.constant 0 : i32
    %dma_wait3A_98 = tpu.memref_slice %arg5[%dma_wait3A_93, %select_n3A, %add3A_72, %dma_wait3A_97] : memref<2x4x256x5136xf32, #tpu.memory_space<hbm>> -> memref<1x1x1x5136xf32, #tpu.memory_space<hbm>>
    %dma_wait3A_99 = tpu.memref_squeeze %dma_wait3A_98 : memref<1x1x1x5136xf32, #tpu.memory_space<hbm>> -> memref<5136xf32, #tpu.memory_space<hbm>>
    tpu.wait_dma2 semaphore(%arg24 : memref<!tpu.dma_semaphore, #tpu.memory_space<semaphore_mem>>) src(%arg18 : memref<5136xf32, #tpu.memory_space<vmem>>) dst(%dma_wait3A_99 : memref<5136xf32, #tpu.memory_space<hbm>>)
    %add3A_100 = arith.constant 28 : i32
    %add3A_101 = arith.addi %mul3A_32, %add3A_100 : i32
    %add3A_102 = arith.constant 2 : i32
    %add3A_103 = arith.addi %add3A_101, %add3A_102 : i32
    %add3A_104 = arith.constant 1 : i32
    %add3A_105 = arith.addi %add3A_103, %add3A_104 : i32
    %add3A_106 = arith.constant 1 : i32
    %add3A_107 = arith.addi %add3A_103, %add3A_106 : i32
    %dma_wait3A_108 = arith.constant 0 : i32
    %dma_wait3A_109 = arith.constant 0 : i32
    %dma_wait3A_110 = tpu.memref_slice %arg5[%dma_wait3A_108, %select_n3A, %add3A_103, %dma_wait3A_109] : memref<2x4x256x5136xf32, #tpu.memory_space<hbm>> -> memref<1x1x1x5136xf32, #tpu.memory_space<hbm>>
    %dma_wait3A_111 = tpu.memref_squeeze %dma_wait3A_110 : memref<1x1x1x5136xf32, #tpu.memory_space<hbm>> -> memref<5136xf32, #tpu.memory_space<hbm>>
    %dma_wait3A_112 = arith.constant 0 : i32
    %dma_wait3A_113 = tpu.memref_slice %arg5[%dma_wait3A_108, %select_n3A, %add3A_103, %dma_wait3A_112] : memref<2x4x256x5136xf32, #tpu.memory_space<hbm>> -> memref<1x1x1x5136xf32, #tpu.memory_space<hbm>>
    %dma_wait3A_114 = tpu.memref_squeeze %dma_wait3A_113 : memref<1x1x1x5136xf32, #tpu.memory_space<hbm>> -> memref<5136xf32, #tpu.memory_space<hbm>>
    tpu.wait_dma2 semaphore(%arg24 : memref<!tpu.dma_semaphore, #tpu.memory_space<semaphore_mem>>) src(%arg19 : memref<5136xf32, #tpu.memory_space<vmem>>) dst(%dma_wait3A_114 : memref<5136xf32, #tpu.memory_space<hbm>>)
    %dma_wait3A_115 = arith.constant 0 : i32
    %dma_wait3A_116 = arith.constant 0 : i32
    %dma_wait3A_117 = tpu.memref_slice %arg5[%dma_wait3A_115, %select_n3A, %add3A_105, %dma_wait3A_116] : memref<2x4x256x5136xf32, #tpu.memory_space<hbm>> -> memref<1x1x1x5136xf32, #tpu.memory_space<hbm>>
    %dma_wait3A_118 = tpu.memref_squeeze %dma_wait3A_117 : memref<1x1x1x5136xf32, #tpu.memory_space<hbm>> -> memref<5136xf32, #tpu.memory_space<hbm>>
    %dma_wait3A_119 = arith.constant 0 : i32
    %dma_wait3A_120 = tpu.memref_slice %arg5[%dma_wait3A_115, %select_n3A, %add3A_105, %dma_wait3A_119] : memref<2x4x256x5136xf32, #tpu.memory_space<hbm>> -> memref<1x1x1x5136xf32, #tpu.memory_space<hbm>>
    %dma_wait3A_121 = tpu.memref_squeeze %dma_wait3A_120 : memref<1x1x1x5136xf32, #tpu.memory_space<hbm>> -> memref<5136xf32, #tpu.memory_space<hbm>>
    tpu.wait_dma2 semaphore(%arg24 : memref<!tpu.dma_semaphore, #tpu.memory_space<semaphore_mem>>) src(%arg20 : memref<5136xf32, #tpu.memory_space<vmem>>) dst(%dma_wait3A_121 : memref<5136xf32, #tpu.memory_space<hbm>>)
    %dma_wait3A_122 = arith.constant 1 : i32
    %dma_wait3A_123 = arith.constant 0 : i32
    %dma_wait3A_124 = tpu.memref_slice %arg5[%dma_wait3A_122, %select_n3A, %add3A_103, %dma_wait3A_123] : memref<2x4x256x5136xf32, #tpu.memory_space<hbm>> -> memref<1x1x1x5136xf32, #tpu.memory_space<hbm>>
    %dma_wait3A_125 = tpu.memref_squeeze %dma_wait3A_124 : memref<1x1x1x5136xf32, #tpu.memory_space<hbm>> -> memref<5136xf32, #tpu.memory_space<hbm>>
    %dma_wait3A_126 = arith.constant 0 : i32
    %dma_wait3A_127 = tpu.memref_slice %arg5[%dma_wait3A_122, %select_n3A, %add3A_103, %dma_wait3A_126] : memref<2x4x256x5136xf32, #tpu.memory_space<hbm>> -> memref<1x1x1x5136xf32, #tpu.memory_space<hbm>>
    %dma_wait3A_128 = tpu.memref_squeeze %dma_wait3A_127 : memref<1x1x1x5136xf32, #tpu.memory_space<hbm>> -> memref<5136xf32, #tpu.memory_space<hbm>>
    tpu.wait_dma2 semaphore(%arg24 : memref<!tpu.dma_semaphore, #tpu.memory_space<semaphore_mem>>) src(%arg21 : memref<5136xf32, #tpu.memory_space<vmem>>) dst(%dma_wait3A_128 : memref<5136xf32, #tpu.memory_space<hbm>>)
    %dma_wait3A_129 = arith.constant 1 : i32
    %dma_wait3A_130 = arith.constant 0 : i32
    %dma_wait3A_131 = tpu.memref_slice %arg5[%dma_wait3A_129, %select_n3A, %add3A_107, %dma_wait3A_130] : memref<2x4x256x5136xf32, #tpu.memory_space<hbm>> -> memref<1x1x1x5136xf32, #tpu.memory_space<hbm>>
    %dma_wait3A_132 = tpu.memref_squeeze %dma_wait3A_131 : memref<1x1x1x5136xf32, #tpu.memory_space<hbm>> -> memref<5136xf32, #tpu.memory_space<hbm>>
    %dma_wait3A_133 = arith.constant 0 : i32
    %dma_wait3A_134 = tpu.memref_slice %arg5[%dma_wait3A_129, %select_n3A, %add3A_107, %dma_wait3A_133] : memref<2x4x256x5136xf32, #tpu.memory_space<hbm>> -> memref<1x1x1x5136xf32, #tpu.memory_space<hbm>>
    %dma_wait3A_135 = tpu.memref_squeeze %dma_wait3A_134 : memref<1x1x1x5136xf32, #tpu.memory_space<hbm>> -> memref<5136xf32, #tpu.memory_space<hbm>>
    tpu.wait_dma2 semaphore(%arg24 : memref<!tpu.dma_semaphore, #tpu.memory_space<semaphore_mem>>) src(%arg22 : memref<5136xf32, #tpu.memory_space<vmem>>) dst(%dma_wait3A_135 : memref<5136xf32, #tpu.memory_space<hbm>>)
    return
  }
}

module attributes {stable_mosaic.version = 14 : i64} {
  func.func @_fold_body(%arg0: i32, %arg1: memref<2x4x256x256xf32, #tpu.memory_space<vmem>>, %arg2: memref<4x20x1xi32, #tpu.memory_space<smem>>, %arg3: memref<1x1x256xf32, #tpu.memory_space<vmem>>, %arg4: memref<1x1x256xf32, #tpu.memory_space<vmem>>) attributes {dimension_semantics = [#tpu.dimension_semantics<arbitrary>], iteration_bounds = array<i64: 20>, scalar_prefetch = 0 : i64, scratch_operands = 0 : i64, tpu.core_type = #tpu.core_type<tc>, window_params = [{transform_indices = @transform_0, window_bounds = array<i64: 2, 4, 256, 256>}, {transform_indices = @transform_1, window_bounds = array<i64: 4, 20, 1>}, {transform_indices = @transform_2, window_bounds = array<i64: 1, 1, 256>}, {transform_indices = @transform_3, window_bounds = array<i64: 1, 1, 256>}]} {
    %broadcast_in_dim3A = arith.constant 0.000000e+00 : f32
    %broadcast_in_dim3A_0 = vector.broadcast %broadcast_in_dim3A : f32 to vector<1x256xf32>
    %broadcast_in_dim3A_1 = arith.constant 0.000000e+00 : f32
    %broadcast_in_dim3A_2 = vector.broadcast %broadcast_in_dim3A_1 : f32 to vector<1x256xf32>
    %iota3A = tpu.iota {dimensions = array<i32: 0>} : vector<256x256xi32>
    %iota3A_3 = tpu.iota {dimensions = array<i32: 1>} : vector<256x256xi32>
    %get3A = arith.constant 0 : index
    %get3A_4 = arith.index_cast %arg0 : i32 to index
    %get3A_5 = arith.constant 0 : index
    %get3A_6 = memref.load %arg2[%get3A, %get3A_4, %get3A_5] : memref<4x20x1xi32, #tpu.memory_space<smem>>
    %add3A = arith.constant 0 : i32
    %add3A_7 = arith.addi %add3A, %get3A_6 : i32
    %and3A = arith.constant 255 : i32
    %and3A_8 = arith.andi %get3A_6, %and3A : i32
    %mul3A = vector.broadcast %and3A_8 : i32 to vector<256x256xi32>
    %mul3A_9 = arith.muli %iota3A, %mul3A : vector<256x256xi32>
    %and3A_10 = arith.constant 255 : i32
    %and3A_11 = vector.broadcast %and3A_10 : i32 to vector<256x256xi32>
    %and3A_12 = arith.andi %mul3A_9, %and3A_11 : vector<256x256xi32>
    %eq3A = arith.cmpi eq, %and3A_12, %iota3A_3 : vector<256x256xi32>
    %jit3A = arith.constant 1.000000e+00 : f32
    %jit3A_13 = arith.constant 0.000000e+00 : f32
    %broadcast_in_dim3A_14 = vector.broadcast %jit3A : f32 to vector<256x256xf32>
    %broadcast_in_dim3A_15 = vector.broadcast %jit3A_13 : f32 to vector<256x256xf32>
    %select_n3A = arith.select %eq3A, %broadcast_in_dim3A_14, %broadcast_in_dim3A_15 : vector<256x256xi1>, vector<256x256xf32>
    %get3A_16 = arith.constant 0 : index
    %get3A_17 = arith.constant 0 : index
    %get3A_18 = arith.constant 0 : index
    %get3A_19 = arith.constant 0 : index
    %get3A_20 = vector.load %arg1[%get3A_16, %get3A_17, %get3A_18, %get3A_19] : memref<2x4x256x256xf32, #tpu.memory_space<vmem>>, vector<1x1x256x256xf32>
    %get3A_21 = vector.shape_cast %get3A_20 : vector<1x1x256x256xf32> to vector<256x256xf32>
    %dot_general3A = arith.constant dense<0.000000e+00> : vector<256x256xf32>
    %dot_general3A_22 = tpu.matmul %get3A_21, %select_n3A, %dot_general3A {dimension_numbers = #tpu.dot_dimension_numbers<[0], [0], [1], [1], [0, 1, 1, 1], [], []>, transpose_lhs_hint = false} : vector<256x256xf32>, vector<256x256xf32>, vector<256x256xf32> -> vector<256x256xf32>
    %slice3A = vector.extract_strided_slice %dot_general3A_22 {offsets = [0, 0], sizes = [128, 256], strides = [1, 1]} : vector<256x256xf32> to vector<128x256xf32>
    %slice3A_23 = vector.extract_strided_slice %dot_general3A_22 {offsets = [128, 0], sizes = [128, 256], strides = [1, 1]} : vector<256x256xf32> to vector<128x256xf32>
    %slice3A_24 = vector.extract_strided_slice %slice3A_23 {offsets = [0, 128], sizes = [128, 128], strides = [1, 1]} : vector<128x256xf32> to vector<128x128xf32>
    %slice3A_25 = vector.extract_strided_slice %slice3A_23 {offsets = [0, 0], sizes = [128, 128], strides = [1, 1]} : vector<128x256xf32> to vector<128x128xf32>
    %concatenate3A = tpu.concatenate %slice3A_24, %slice3A_25 in 1 : vector<128x128xf32>, vector<128x128xf32> -> vector<128x256xf32>
    %add3A_26 = arith.addf %slice3A, %concatenate3A : vector<128x256xf32>
    %slice3A_27 = vector.extract_strided_slice %add3A_26 {offsets = [0, 0], sizes = [64, 256], strides = [1, 1]} : vector<128x256xf32> to vector<64x256xf32>
    %slice3A_28 = vector.extract_strided_slice %add3A_26 {offsets = [64, 0], sizes = [64, 256], strides = [1, 1]} : vector<128x256xf32> to vector<64x256xf32>
    %slice3A_29 = vector.extract_strided_slice %slice3A_28 {offsets = [0, 192], sizes = [64, 64], strides = [1, 1]} : vector<64x256xf32> to vector<64x64xf32>
    %slice3A_30 = vector.extract_strided_slice %slice3A_28 {offsets = [0, 0], sizes = [64, 192], strides = [1, 1]} : vector<64x256xf32> to vector<64x192xf32>
    %concatenate3A_31 = tpu.concatenate %slice3A_29, %slice3A_30 in 1 : vector<64x64xf32>, vector<64x192xf32> -> vector<64x256xf32>
    %add3A_32 = arith.addf %slice3A_27, %concatenate3A_31 : vector<64x256xf32>
    %slice3A_33 = vector.extract_strided_slice %add3A_32 {offsets = [0, 0], sizes = [32, 256], strides = [1, 1]} : vector<64x256xf32> to vector<32x256xf32>
    %slice3A_34 = vector.extract_strided_slice %add3A_32 {offsets = [32, 0], sizes = [32, 256], strides = [1, 1]} : vector<64x256xf32> to vector<32x256xf32>
    %slice3A_35 = vector.extract_strided_slice %slice3A_34 {offsets = [0, 224], sizes = [32, 32], strides = [1, 1]} : vector<32x256xf32> to vector<32x32xf32>
    %slice3A_36 = vector.extract_strided_slice %slice3A_34 {offsets = [0, 0], sizes = [32, 224], strides = [1, 1]} : vector<32x256xf32> to vector<32x224xf32>
    %concatenate3A_37 = tpu.concatenate %slice3A_35, %slice3A_36 in 1 : vector<32x32xf32>, vector<32x224xf32> -> vector<32x256xf32>
    %add3A_38 = arith.addf %slice3A_33, %concatenate3A_37 : vector<32x256xf32>
    %slice3A_39 = vector.extract_strided_slice %add3A_38 {offsets = [0, 0], sizes = [16, 256], strides = [1, 1]} : vector<32x256xf32> to vector<16x256xf32>
    %slice3A_40 = vector.extract_strided_slice %add3A_38 {offsets = [16, 0], sizes = [16, 256], strides = [1, 1]} : vector<32x256xf32> to vector<16x256xf32>
    %slice3A_41 = vector.extract_strided_slice %slice3A_40 {offsets = [0, 240], sizes = [16, 16], strides = [1, 1]} : vector<16x256xf32> to vector<16x16xf32>
    %slice3A_42 = vector.extract_strided_slice %slice3A_40 {offsets = [0, 0], sizes = [16, 240], strides = [1, 1]} : vector<16x256xf32> to vector<16x240xf32>
    %concatenate3A_43 = tpu.concatenate %slice3A_41, %slice3A_42 in 1 : vector<16x16xf32>, vector<16x240xf32> -> vector<16x256xf32>
    %add3A_44 = arith.addf %slice3A_39, %concatenate3A_43 : vector<16x256xf32>
    %slice3A_45 = vector.extract_strided_slice %add3A_44 {offsets = [0, 0], sizes = [8, 256], strides = [1, 1]} : vector<16x256xf32> to vector<8x256xf32>
    %slice3A_46 = vector.extract_strided_slice %add3A_44 {offsets = [8, 0], sizes = [8, 256], strides = [1, 1]} : vector<16x256xf32> to vector<8x256xf32>
    %slice3A_47 = vector.extract_strided_slice %slice3A_46 {offsets = [0, 248], sizes = [8, 8], strides = [1, 1]} : vector<8x256xf32> to vector<8x8xf32>
    %slice3A_48 = vector.extract_strided_slice %slice3A_46 {offsets = [0, 0], sizes = [8, 248], strides = [1, 1]} : vector<8x256xf32> to vector<8x248xf32>
    %concatenate3A_49 = tpu.concatenate %slice3A_47, %slice3A_48 in 1 : vector<8x8xf32>, vector<8x248xf32> -> vector<8x256xf32>
    %add3A_50 = arith.addf %slice3A_45, %concatenate3A_49 : vector<8x256xf32>
    %slice3A_51 = vector.extract_strided_slice %add3A_50 {offsets = [0, 0], sizes = [4, 256], strides = [1, 1]} : vector<8x256xf32> to vector<4x256xf32>
    %slice3A_52 = vector.extract_strided_slice %add3A_50 {offsets = [4, 0], sizes = [4, 256], strides = [1, 1]} : vector<8x256xf32> to vector<4x256xf32>
    %slice3A_53 = vector.extract_strided_slice %slice3A_52 {offsets = [0, 252], sizes = [4, 4], strides = [1, 1]} : vector<4x256xf32> to vector<4x4xf32>
    %slice3A_54 = vector.extract_strided_slice %slice3A_52 {offsets = [0, 0], sizes = [4, 252], strides = [1, 1]} : vector<4x256xf32> to vector<4x252xf32>
    %concatenate3A_55 = tpu.concatenate %slice3A_53, %slice3A_54 in 1 : vector<4x4xf32>, vector<4x252xf32> -> vector<4x256xf32>
    %add3A_56 = arith.addf %slice3A_51, %concatenate3A_55 : vector<4x256xf32>
    %slice3A_57 = vector.extract_strided_slice %add3A_56 {offsets = [0, 0], sizes = [2, 256], strides = [1, 1]} : vector<4x256xf32> to vector<2x256xf32>
    %slice3A_58 = vector.extract_strided_slice %add3A_56 {offsets = [2, 0], sizes = [2, 256], strides = [1, 1]} : vector<4x256xf32> to vector<2x256xf32>
    %slice3A_59 = vector.extract_strided_slice %slice3A_58 {offsets = [0, 254], sizes = [2, 2], strides = [1, 1]} : vector<2x256xf32> to vector<2x2xf32>
    %slice3A_60 = vector.extract_strided_slice %slice3A_58 {offsets = [0, 0], sizes = [2, 254], strides = [1, 1]} : vector<2x256xf32> to vector<2x254xf32>
    %concatenate3A_61 = tpu.concatenate %slice3A_59, %slice3A_60 in 1 : vector<2x2xf32>, vector<2x254xf32> -> vector<2x256xf32>
    %add3A_62 = arith.addf %slice3A_57, %concatenate3A_61 : vector<2x256xf32>
    %slice3A_63 = vector.extract_strided_slice %add3A_62 {offsets = [0, 0], sizes = [1, 256], strides = [1, 1]} : vector<2x256xf32> to vector<1x256xf32>
    %slice3A_64 = vector.extract_strided_slice %add3A_62 {offsets = [1, 0], sizes = [1, 256], strides = [1, 1]} : vector<2x256xf32> to vector<1x256xf32>
    %slice3A_65 = vector.extract_strided_slice %slice3A_64 {offsets = [0, 255], sizes = [1, 1], strides = [1, 1]} : vector<1x256xf32> to vector<1x1xf32>
    %slice3A_66 = vector.extract_strided_slice %slice3A_64 {offsets = [0, 0], sizes = [1, 255], strides = [1, 1]} : vector<1x256xf32> to vector<1x255xf32>
    %concatenate3A_67 = tpu.concatenate %slice3A_65, %slice3A_66 in 1 : vector<1x1xf32>, vector<1x255xf32> -> vector<1x256xf32>
    %add3A_68 = arith.addf %slice3A_63, %concatenate3A_67 : vector<1x256xf32>
    %add3A_69 = arith.addf %broadcast_in_dim3A_0, %add3A_68 : vector<1x256xf32>
    %get3A_70 = arith.constant 1 : index
    %get3A_71 = arith.constant 0 : index
    %get3A_72 = arith.constant 0 : index
    %get3A_73 = arith.constant 0 : index
    %get3A_74 = vector.load %arg1[%get3A_70, %get3A_71, %get3A_72, %get3A_73] : memref<2x4x256x256xf32, #tpu.memory_space<vmem>>, vector<1x1x256x256xf32>
    %get3A_75 = vector.shape_cast %get3A_74 : vector<1x1x256x256xf32> to vector<256x256xf32>
    %dot_general3A_76 = arith.constant dense<0.000000e+00> : vector<256x256xf32>
    %dot_general3A_77 = tpu.matmul %get3A_75, %select_n3A, %dot_general3A_76 {dimension_numbers = #tpu.dot_dimension_numbers<[0], [0], [1], [1], [0, 1, 1, 1], [], []>, transpose_lhs_hint = false} : vector<256x256xf32>, vector<256x256xf32>, vector<256x256xf32> -> vector<256x256xf32>
    %slice3A_78 = vector.extract_strided_slice %dot_general3A_77 {offsets = [0, 0], sizes = [128, 256], strides = [1, 1]} : vector<256x256xf32> to vector<128x256xf32>
    %slice3A_79 = vector.extract_strided_slice %dot_general3A_77 {offsets = [128, 0], sizes = [128, 256], strides = [1, 1]} : vector<256x256xf32> to vector<128x256xf32>
    %slice3A_80 = vector.extract_strided_slice %slice3A_79 {offsets = [0, 128], sizes = [128, 128], strides = [1, 1]} : vector<128x256xf32> to vector<128x128xf32>
    %slice3A_81 = vector.extract_strided_slice %slice3A_79 {offsets = [0, 0], sizes = [128, 128], strides = [1, 1]} : vector<128x256xf32> to vector<128x128xf32>
    %concatenate3A_82 = tpu.concatenate %slice3A_80, %slice3A_81 in 1 : vector<128x128xf32>, vector<128x128xf32> -> vector<128x256xf32>
    %add3A_83 = arith.addf %slice3A_78, %concatenate3A_82 : vector<128x256xf32>
    %slice3A_84 = vector.extract_strided_slice %add3A_83 {offsets = [0, 0], sizes = [64, 256], strides = [1, 1]} : vector<128x256xf32> to vector<64x256xf32>
    %slice3A_85 = vector.extract_strided_slice %add3A_83 {offsets = [64, 0], sizes = [64, 256], strides = [1, 1]} : vector<128x256xf32> to vector<64x256xf32>
    %slice3A_86 = vector.extract_strided_slice %slice3A_85 {offsets = [0, 192], sizes = [64, 64], strides = [1, 1]} : vector<64x256xf32> to vector<64x64xf32>
    %slice3A_87 = vector.extract_strided_slice %slice3A_85 {offsets = [0, 0], sizes = [64, 192], strides = [1, 1]} : vector<64x256xf32> to vector<64x192xf32>
    %concatenate3A_88 = tpu.concatenate %slice3A_86, %slice3A_87 in 1 : vector<64x64xf32>, vector<64x192xf32> -> vector<64x256xf32>
    %add3A_89 = arith.addf %slice3A_84, %concatenate3A_88 : vector<64x256xf32>
    %slice3A_90 = vector.extract_strided_slice %add3A_89 {offsets = [0, 0], sizes = [32, 256], strides = [1, 1]} : vector<64x256xf32> to vector<32x256xf32>
    %slice3A_91 = vector.extract_strided_slice %add3A_89 {offsets = [32, 0], sizes = [32, 256], strides = [1, 1]} : vector<64x256xf32> to vector<32x256xf32>
    %slice3A_92 = vector.extract_strided_slice %slice3A_91 {offsets = [0, 224], sizes = [32, 32], strides = [1, 1]} : vector<32x256xf32> to vector<32x32xf32>
    %slice3A_93 = vector.extract_strided_slice %slice3A_91 {offsets = [0, 0], sizes = [32, 224], strides = [1, 1]} : vector<32x256xf32> to vector<32x224xf32>
    %concatenate3A_94 = tpu.concatenate %slice3A_92, %slice3A_93 in 1 : vector<32x32xf32>, vector<32x224xf32> -> vector<32x256xf32>
    %add3A_95 = arith.addf %slice3A_90, %concatenate3A_94 : vector<32x256xf32>
    %slice3A_96 = vector.extract_strided_slice %add3A_95 {offsets = [0, 0], sizes = [16, 256], strides = [1, 1]} : vector<32x256xf32> to vector<16x256xf32>
    %slice3A_97 = vector.extract_strided_slice %add3A_95 {offsets = [16, 0], sizes = [16, 256], strides = [1, 1]} : vector<32x256xf32> to vector<16x256xf32>
    %slice3A_98 = vector.extract_strided_slice %slice3A_97 {offsets = [0, 240], sizes = [16, 16], strides = [1, 1]} : vector<16x256xf32> to vector<16x16xf32>
    %slice3A_99 = vector.extract_strided_slice %slice3A_97 {offsets = [0, 0], sizes = [16, 240], strides = [1, 1]} : vector<16x256xf32> to vector<16x240xf32>
    %concatenate3A_100 = tpu.concatenate %slice3A_98, %slice3A_99 in 1 : vector<16x16xf32>, vector<16x240xf32> -> vector<16x256xf32>
    %add3A_101 = arith.addf %slice3A_96, %concatenate3A_100 : vector<16x256xf32>
    %slice3A_102 = vector.extract_strided_slice %add3A_101 {offsets = [0, 0], sizes = [8, 256], strides = [1, 1]} : vector<16x256xf32> to vector<8x256xf32>
    %slice3A_103 = vector.extract_strided_slice %add3A_101 {offsets = [8, 0], sizes = [8, 256], strides = [1, 1]} : vector<16x256xf32> to vector<8x256xf32>
    %slice3A_104 = vector.extract_strided_slice %slice3A_103 {offsets = [0, 248], sizes = [8, 8], strides = [1, 1]} : vector<8x256xf32> to vector<8x8xf32>
    %slice3A_105 = vector.extract_strided_slice %slice3A_103 {offsets = [0, 0], sizes = [8, 248], strides = [1, 1]} : vector<8x256xf32> to vector<8x248xf32>
    %concatenate3A_106 = tpu.concatenate %slice3A_104, %slice3A_105 in 1 : vector<8x8xf32>, vector<8x248xf32> -> vector<8x256xf32>
    %add3A_107 = arith.addf %slice3A_102, %concatenate3A_106 : vector<8x256xf32>
    %slice3A_108 = vector.extract_strided_slice %add3A_107 {offsets = [0, 0], sizes = [4, 256], strides = [1, 1]} : vector<8x256xf32> to vector<4x256xf32>
    %slice3A_109 = vector.extract_strided_slice %add3A_107 {offsets = [4, 0], sizes = [4, 256], strides = [1, 1]} : vector<8x256xf32> to vector<4x256xf32>
    %slice3A_110 = vector.extract_strided_slice %slice3A_109 {offsets = [0, 252], sizes = [4, 4], strides = [1, 1]} : vector<4x256xf32> to vector<4x4xf32>
    %slice3A_111 = vector.extract_strided_slice %slice3A_109 {offsets = [0, 0], sizes = [4, 252], strides = [1, 1]} : vector<4x256xf32> to vector<4x252xf32>
    %concatenate3A_112 = tpu.concatenate %slice3A_110, %slice3A_111 in 1 : vector<4x4xf32>, vector<4x252xf32> -> vector<4x256xf32>
    %add3A_113 = arith.addf %slice3A_108, %concatenate3A_112 : vector<4x256xf32>
    %slice3A_114 = vector.extract_strided_slice %add3A_113 {offsets = [0, 0], sizes = [2, 256], strides = [1, 1]} : vector<4x256xf32> to vector<2x256xf32>
    %slice3A_115 = vector.extract_strided_slice %add3A_113 {offsets = [2, 0], sizes = [2, 256], strides = [1, 1]} : vector<4x256xf32> to vector<2x256xf32>
    %slice3A_116 = vector.extract_strided_slice %slice3A_115 {offsets = [0, 254], sizes = [2, 2], strides = [1, 1]} : vector<2x256xf32> to vector<2x2xf32>
    %slice3A_117 = vector.extract_strided_slice %slice3A_115 {offsets = [0, 0], sizes = [2, 254], strides = [1, 1]} : vector<2x256xf32> to vector<2x254xf32>
    %concatenate3A_118 = tpu.concatenate %slice3A_116, %slice3A_117 in 1 : vector<2x2xf32>, vector<2x254xf32> -> vector<2x256xf32>
    %add3A_119 = arith.addf %slice3A_114, %concatenate3A_118 : vector<2x256xf32>
    %slice3A_120 = vector.extract_strided_slice %add3A_119 {offsets = [0, 0], sizes = [1, 256], strides = [1, 1]} : vector<2x256xf32> to vector<1x256xf32>
    %slice3A_121 = vector.extract_strided_slice %add3A_119 {offsets = [1, 0], sizes = [1, 256], strides = [1, 1]} : vector<2x256xf32> to vector<1x256xf32>
    %slice3A_122 = vector.extract_strided_slice %slice3A_121 {offsets = [0, 255], sizes = [1, 1], strides = [1, 1]} : vector<1x256xf32> to vector<1x1xf32>
    %slice3A_123 = vector.extract_strided_slice %slice3A_121 {offsets = [0, 0], sizes = [1, 255], strides = [1, 1]} : vector<1x256xf32> to vector<1x255xf32>
    %concatenate3A_124 = tpu.concatenate %slice3A_122, %slice3A_123 in 1 : vector<1x1xf32>, vector<1x255xf32> -> vector<1x256xf32>
    %add3A_125 = arith.addf %slice3A_120, %concatenate3A_124 : vector<1x256xf32>
    %add3A_126 = arith.addf %broadcast_in_dim3A_2, %add3A_125 : vector<1x256xf32>
    %get3A_127 = arith.constant 1 : index
    %get3A_128 = arith.index_cast %arg0 : i32 to index
    %get3A_129 = arith.constant 0 : index
    %get3A_130 = memref.load %arg2[%get3A_127, %get3A_128, %get3A_129] : memref<4x20x1xi32, #tpu.memory_space<smem>>
    %add3A_131 = arith.addi %add3A_7, %get3A_130 : i32
    %and3A_132 = arith.constant 255 : i32
    %and3A_133 = arith.andi %get3A_130, %and3A_132 : i32
    %mul3A_134 = vector.broadcast %and3A_133 : i32 to vector<256x256xi32>
    %mul3A_135 = arith.muli %iota3A, %mul3A_134 : vector<256x256xi32>
    %and3A_136 = arith.constant 255 : i32
    %and3A_137 = vector.broadcast %and3A_136 : i32 to vector<256x256xi32>
    %and3A_138 = arith.andi %mul3A_135, %and3A_137 : vector<256x256xi32>
    %eq3A_139 = arith.cmpi eq, %and3A_138, %iota3A_3 : vector<256x256xi32>
    %jit3A_140 = arith.constant 1.000000e+00 : f32
    %jit3A_141 = arith.constant 0.000000e+00 : f32
    %broadcast_in_dim3A_142 = vector.broadcast %jit3A_140 : f32 to vector<256x256xf32>
    %broadcast_in_dim3A_143 = vector.broadcast %jit3A_141 : f32 to vector<256x256xf32>
    %select_n3A_144 = arith.select %eq3A_139, %broadcast_in_dim3A_142, %broadcast_in_dim3A_143 : vector<256x256xi1>, vector<256x256xf32>
    %get3A_145 = arith.constant 0 : index
    %get3A_146 = arith.constant 1 : index
    %get3A_147 = arith.constant 0 : index
    %get3A_148 = arith.constant 0 : index
    %get3A_149 = vector.load %arg1[%get3A_145, %get3A_146, %get3A_147, %get3A_148] : memref<2x4x256x256xf32, #tpu.memory_space<vmem>>, vector<1x1x256x256xf32>
    %get3A_150 = vector.shape_cast %get3A_149 : vector<1x1x256x256xf32> to vector<256x256xf32>
    %dot_general3A_151 = arith.constant dense<0.000000e+00> : vector<256x256xf32>
    %dot_general3A_152 = tpu.matmul %get3A_150, %select_n3A_144, %dot_general3A_151 {dimension_numbers = #tpu.dot_dimension_numbers<[0], [0], [1], [1], [0, 1, 1, 1], [], []>, transpose_lhs_hint = false} : vector<256x256xf32>, vector<256x256xf32>, vector<256x256xf32> -> vector<256x256xf32>
    %slice3A_153 = vector.extract_strided_slice %dot_general3A_152 {offsets = [0, 0], sizes = [128, 256], strides = [1, 1]} : vector<256x256xf32> to vector<128x256xf32>
    %slice3A_154 = vector.extract_strided_slice %dot_general3A_152 {offsets = [128, 0], sizes = [128, 256], strides = [1, 1]} : vector<256x256xf32> to vector<128x256xf32>
    %slice3A_155 = vector.extract_strided_slice %slice3A_154 {offsets = [0, 128], sizes = [128, 128], strides = [1, 1]} : vector<128x256xf32> to vector<128x128xf32>
    %slice3A_156 = vector.extract_strided_slice %slice3A_154 {offsets = [0, 0], sizes = [128, 128], strides = [1, 1]} : vector<128x256xf32> to vector<128x128xf32>
    %concatenate3A_157 = tpu.concatenate %slice3A_155, %slice3A_156 in 1 : vector<128x128xf32>, vector<128x128xf32> -> vector<128x256xf32>
    %add3A_158 = arith.addf %slice3A_153, %concatenate3A_157 : vector<128x256xf32>
    %slice3A_159 = vector.extract_strided_slice %add3A_158 {offsets = [0, 0], sizes = [64, 256], strides = [1, 1]} : vector<128x256xf32> to vector<64x256xf32>
    %slice3A_160 = vector.extract_strided_slice %add3A_158 {offsets = [64, 0], sizes = [64, 256], strides = [1, 1]} : vector<128x256xf32> to vector<64x256xf32>
    %slice3A_161 = vector.extract_strided_slice %slice3A_160 {offsets = [0, 192], sizes = [64, 64], strides = [1, 1]} : vector<64x256xf32> to vector<64x64xf32>
    %slice3A_162 = vector.extract_strided_slice %slice3A_160 {offsets = [0, 0], sizes = [64, 192], strides = [1, 1]} : vector<64x256xf32> to vector<64x192xf32>
    %concatenate3A_163 = tpu.concatenate %slice3A_161, %slice3A_162 in 1 : vector<64x64xf32>, vector<64x192xf32> -> vector<64x256xf32>
    %add3A_164 = arith.addf %slice3A_159, %concatenate3A_163 : vector<64x256xf32>
    %slice3A_165 = vector.extract_strided_slice %add3A_164 {offsets = [0, 0], sizes = [32, 256], strides = [1, 1]} : vector<64x256xf32> to vector<32x256xf32>
    %slice3A_166 = vector.extract_strided_slice %add3A_164 {offsets = [32, 0], sizes = [32, 256], strides = [1, 1]} : vector<64x256xf32> to vector<32x256xf32>
    %slice3A_167 = vector.extract_strided_slice %slice3A_166 {offsets = [0, 224], sizes = [32, 32], strides = [1, 1]} : vector<32x256xf32> to vector<32x32xf32>
    %slice3A_168 = vector.extract_strided_slice %slice3A_166 {offsets = [0, 0], sizes = [32, 224], strides = [1, 1]} : vector<32x256xf32> to vector<32x224xf32>
    %concatenate3A_169 = tpu.concatenate %slice3A_167, %slice3A_168 in 1 : vector<32x32xf32>, vector<32x224xf32> -> vector<32x256xf32>
    %add3A_170 = arith.addf %slice3A_165, %concatenate3A_169 : vector<32x256xf32>
    %slice3A_171 = vector.extract_strided_slice %add3A_170 {offsets = [0, 0], sizes = [16, 256], strides = [1, 1]} : vector<32x256xf32> to vector<16x256xf32>
    %slice3A_172 = vector.extract_strided_slice %add3A_170 {offsets = [16, 0], sizes = [16, 256], strides = [1, 1]} : vector<32x256xf32> to vector<16x256xf32>
    %slice3A_173 = vector.extract_strided_slice %slice3A_172 {offsets = [0, 240], sizes = [16, 16], strides = [1, 1]} : vector<16x256xf32> to vector<16x16xf32>
    %slice3A_174 = vector.extract_strided_slice %slice3A_172 {offsets = [0, 0], sizes = [16, 240], strides = [1, 1]} : vector<16x256xf32> to vector<16x240xf32>
    %concatenate3A_175 = tpu.concatenate %slice3A_173, %slice3A_174 in 1 : vector<16x16xf32>, vector<16x240xf32> -> vector<16x256xf32>
    %add3A_176 = arith.addf %slice3A_171, %concatenate3A_175 : vector<16x256xf32>
    %slice3A_177 = vector.extract_strided_slice %add3A_176 {offsets = [0, 0], sizes = [8, 256], strides = [1, 1]} : vector<16x256xf32> to vector<8x256xf32>
    %slice3A_178 = vector.extract_strided_slice %add3A_176 {offsets = [8, 0], sizes = [8, 256], strides = [1, 1]} : vector<16x256xf32> to vector<8x256xf32>
    %slice3A_179 = vector.extract_strided_slice %slice3A_178 {offsets = [0, 248], sizes = [8, 8], strides = [1, 1]} : vector<8x256xf32> to vector<8x8xf32>
    %slice3A_180 = vector.extract_strided_slice %slice3A_178 {offsets = [0, 0], sizes = [8, 248], strides = [1, 1]} : vector<8x256xf32> to vector<8x248xf32>
    %concatenate3A_181 = tpu.concatenate %slice3A_179, %slice3A_180 in 1 : vector<8x8xf32>, vector<8x248xf32> -> vector<8x256xf32>
    %add3A_182 = arith.addf %slice3A_177, %concatenate3A_181 : vector<8x256xf32>
    %slice3A_183 = vector.extract_strided_slice %add3A_182 {offsets = [0, 0], sizes = [4, 256], strides = [1, 1]} : vector<8x256xf32> to vector<4x256xf32>
    %slice3A_184 = vector.extract_strided_slice %add3A_182 {offsets = [4, 0], sizes = [4, 256], strides = [1, 1]} : vector<8x256xf32> to vector<4x256xf32>
    %slice3A_185 = vector.extract_strided_slice %slice3A_184 {offsets = [0, 252], sizes = [4, 4], strides = [1, 1]} : vector<4x256xf32> to vector<4x4xf32>
    %slice3A_186 = vector.extract_strided_slice %slice3A_184 {offsets = [0, 0], sizes = [4, 252], strides = [1, 1]} : vector<4x256xf32> to vector<4x252xf32>
    %concatenate3A_187 = tpu.concatenate %slice3A_185, %slice3A_186 in 1 : vector<4x4xf32>, vector<4x252xf32> -> vector<4x256xf32>
    %add3A_188 = arith.addf %slice3A_183, %concatenate3A_187 : vector<4x256xf32>
    %slice3A_189 = vector.extract_strided_slice %add3A_188 {offsets = [0, 0], sizes = [2, 256], strides = [1, 1]} : vector<4x256xf32> to vector<2x256xf32>
    %slice3A_190 = vector.extract_strided_slice %add3A_188 {offsets = [2, 0], sizes = [2, 256], strides = [1, 1]} : vector<4x256xf32> to vector<2x256xf32>
    %slice3A_191 = vector.extract_strided_slice %slice3A_190 {offsets = [0, 254], sizes = [2, 2], strides = [1, 1]} : vector<2x256xf32> to vector<2x2xf32>
    %slice3A_192 = vector.extract_strided_slice %slice3A_190 {offsets = [0, 0], sizes = [2, 254], strides = [1, 1]} : vector<2x256xf32> to vector<2x254xf32>
    %concatenate3A_193 = tpu.concatenate %slice3A_191, %slice3A_192 in 1 : vector<2x2xf32>, vector<2x254xf32> -> vector<2x256xf32>
    %add3A_194 = arith.addf %slice3A_189, %concatenate3A_193 : vector<2x256xf32>
    %slice3A_195 = vector.extract_strided_slice %add3A_194 {offsets = [0, 0], sizes = [1, 256], strides = [1, 1]} : vector<2x256xf32> to vector<1x256xf32>
    %slice3A_196 = vector.extract_strided_slice %add3A_194 {offsets = [1, 0], sizes = [1, 256], strides = [1, 1]} : vector<2x256xf32> to vector<1x256xf32>
    %slice3A_197 = vector.extract_strided_slice %slice3A_196 {offsets = [0, 255], sizes = [1, 1], strides = [1, 1]} : vector<1x256xf32> to vector<1x1xf32>
    %slice3A_198 = vector.extract_strided_slice %slice3A_196 {offsets = [0, 0], sizes = [1, 255], strides = [1, 1]} : vector<1x256xf32> to vector<1x255xf32>
    %concatenate3A_199 = tpu.concatenate %slice3A_197, %slice3A_198 in 1 : vector<1x1xf32>, vector<1x255xf32> -> vector<1x256xf32>
    %add3A_200 = arith.addf %slice3A_195, %concatenate3A_199 : vector<1x256xf32>
    %add3A_201 = arith.addf %add3A_69, %add3A_200 : vector<1x256xf32>
    %get3A_202 = arith.constant 1 : index
    %get3A_203 = arith.constant 1 : index
    %get3A_204 = arith.constant 0 : index
    %get3A_205 = arith.constant 0 : index
    %get3A_206 = vector.load %arg1[%get3A_202, %get3A_203, %get3A_204, %get3A_205] : memref<2x4x256x256xf32, #tpu.memory_space<vmem>>, vector<1x1x256x256xf32>
    %get3A_207 = vector.shape_cast %get3A_206 : vector<1x1x256x256xf32> to vector<256x256xf32>
    %dot_general3A_208 = arith.constant dense<0.000000e+00> : vector<256x256xf32>
    %dot_general3A_209 = tpu.matmul %get3A_207, %select_n3A_144, %dot_general3A_208 {dimension_numbers = #tpu.dot_dimension_numbers<[0], [0], [1], [1], [0, 1, 1, 1], [], []>, transpose_lhs_hint = false} : vector<256x256xf32>, vector<256x256xf32>, vector<256x256xf32> -> vector<256x256xf32>
    %slice3A_210 = vector.extract_strided_slice %dot_general3A_209 {offsets = [0, 0], sizes = [128, 256], strides = [1, 1]} : vector<256x256xf32> to vector<128x256xf32>
    %slice3A_211 = vector.extract_strided_slice %dot_general3A_209 {offsets = [128, 0], sizes = [128, 256], strides = [1, 1]} : vector<256x256xf32> to vector<128x256xf32>
    %slice3A_212 = vector.extract_strided_slice %slice3A_211 {offsets = [0, 128], sizes = [128, 128], strides = [1, 1]} : vector<128x256xf32> to vector<128x128xf32>
    %slice3A_213 = vector.extract_strided_slice %slice3A_211 {offsets = [0, 0], sizes = [128, 128], strides = [1, 1]} : vector<128x256xf32> to vector<128x128xf32>
    %concatenate3A_214 = tpu.concatenate %slice3A_212, %slice3A_213 in 1 : vector<128x128xf32>, vector<128x128xf32> -> vector<128x256xf32>
    %add3A_215 = arith.addf %slice3A_210, %concatenate3A_214 : vector<128x256xf32>
    %slice3A_216 = vector.extract_strided_slice %add3A_215 {offsets = [0, 0], sizes = [64, 256], strides = [1, 1]} : vector<128x256xf32> to vector<64x256xf32>
    %slice3A_217 = vector.extract_strided_slice %add3A_215 {offsets = [64, 0], sizes = [64, 256], strides = [1, 1]} : vector<128x256xf32> to vector<64x256xf32>
    %slice3A_218 = vector.extract_strided_slice %slice3A_217 {offsets = [0, 192], sizes = [64, 64], strides = [1, 1]} : vector<64x256xf32> to vector<64x64xf32>
    %slice3A_219 = vector.extract_strided_slice %slice3A_217 {offsets = [0, 0], sizes = [64, 192], strides = [1, 1]} : vector<64x256xf32> to vector<64x192xf32>
    %concatenate3A_220 = tpu.concatenate %slice3A_218, %slice3A_219 in 1 : vector<64x64xf32>, vector<64x192xf32> -> vector<64x256xf32>
    %add3A_221 = arith.addf %slice3A_216, %concatenate3A_220 : vector<64x256xf32>
    %slice3A_222 = vector.extract_strided_slice %add3A_221 {offsets = [0, 0], sizes = [32, 256], strides = [1, 1]} : vector<64x256xf32> to vector<32x256xf32>
    %slice3A_223 = vector.extract_strided_slice %add3A_221 {offsets = [32, 0], sizes = [32, 256], strides = [1, 1]} : vector<64x256xf32> to vector<32x256xf32>
    %slice3A_224 = vector.extract_strided_slice %slice3A_223 {offsets = [0, 224], sizes = [32, 32], strides = [1, 1]} : vector<32x256xf32> to vector<32x32xf32>
    %slice3A_225 = vector.extract_strided_slice %slice3A_223 {offsets = [0, 0], sizes = [32, 224], strides = [1, 1]} : vector<32x256xf32> to vector<32x224xf32>
    %concatenate3A_226 = tpu.concatenate %slice3A_224, %slice3A_225 in 1 : vector<32x32xf32>, vector<32x224xf32> -> vector<32x256xf32>
    %add3A_227 = arith.addf %slice3A_222, %concatenate3A_226 : vector<32x256xf32>
    %slice3A_228 = vector.extract_strided_slice %add3A_227 {offsets = [0, 0], sizes = [16, 256], strides = [1, 1]} : vector<32x256xf32> to vector<16x256xf32>
    %slice3A_229 = vector.extract_strided_slice %add3A_227 {offsets = [16, 0], sizes = [16, 256], strides = [1, 1]} : vector<32x256xf32> to vector<16x256xf32>
    %slice3A_230 = vector.extract_strided_slice %slice3A_229 {offsets = [0, 240], sizes = [16, 16], strides = [1, 1]} : vector<16x256xf32> to vector<16x16xf32>
    %slice3A_231 = vector.extract_strided_slice %slice3A_229 {offsets = [0, 0], sizes = [16, 240], strides = [1, 1]} : vector<16x256xf32> to vector<16x240xf32>
    %concatenate3A_232 = tpu.concatenate %slice3A_230, %slice3A_231 in 1 : vector<16x16xf32>, vector<16x240xf32> -> vector<16x256xf32>
    %add3A_233 = arith.addf %slice3A_228, %concatenate3A_232 : vector<16x256xf32>
    %slice3A_234 = vector.extract_strided_slice %add3A_233 {offsets = [0, 0], sizes = [8, 256], strides = [1, 1]} : vector<16x256xf32> to vector<8x256xf32>
    %slice3A_235 = vector.extract_strided_slice %add3A_233 {offsets = [8, 0], sizes = [8, 256], strides = [1, 1]} : vector<16x256xf32> to vector<8x256xf32>
    %slice3A_236 = vector.extract_strided_slice %slice3A_235 {offsets = [0, 248], sizes = [8, 8], strides = [1, 1]} : vector<8x256xf32> to vector<8x8xf32>
    %slice3A_237 = vector.extract_strided_slice %slice3A_235 {offsets = [0, 0], sizes = [8, 248], strides = [1, 1]} : vector<8x256xf32> to vector<8x248xf32>
    %concatenate3A_238 = tpu.concatenate %slice3A_236, %slice3A_237 in 1 : vector<8x8xf32>, vector<8x248xf32> -> vector<8x256xf32>
    %add3A_239 = arith.addf %slice3A_234, %concatenate3A_238 : vector<8x256xf32>
    %slice3A_240 = vector.extract_strided_slice %add3A_239 {offsets = [0, 0], sizes = [4, 256], strides = [1, 1]} : vector<8x256xf32> to vector<4x256xf32>
    %slice3A_241 = vector.extract_strided_slice %add3A_239 {offsets = [4, 0], sizes = [4, 256], strides = [1, 1]} : vector<8x256xf32> to vector<4x256xf32>
    %slice3A_242 = vector.extract_strided_slice %slice3A_241 {offsets = [0, 252], sizes = [4, 4], strides = [1, 1]} : vector<4x256xf32> to vector<4x4xf32>
    %slice3A_243 = vector.extract_strided_slice %slice3A_241 {offsets = [0, 0], sizes = [4, 252], strides = [1, 1]} : vector<4x256xf32> to vector<4x252xf32>
    %concatenate3A_244 = tpu.concatenate %slice3A_242, %slice3A_243 in 1 : vector<4x4xf32>, vector<4x252xf32> -> vector<4x256xf32>
    %add3A_245 = arith.addf %slice3A_240, %concatenate3A_244 : vector<4x256xf32>
    %slice3A_246 = vector.extract_strided_slice %add3A_245 {offsets = [0, 0], sizes = [2, 256], strides = [1, 1]} : vector<4x256xf32> to vector<2x256xf32>
    %slice3A_247 = vector.extract_strided_slice %add3A_245 {offsets = [2, 0], sizes = [2, 256], strides = [1, 1]} : vector<4x256xf32> to vector<2x256xf32>
    %slice3A_248 = vector.extract_strided_slice %slice3A_247 {offsets = [0, 254], sizes = [2, 2], strides = [1, 1]} : vector<2x256xf32> to vector<2x2xf32>
    %slice3A_249 = vector.extract_strided_slice %slice3A_247 {offsets = [0, 0], sizes = [2, 254], strides = [1, 1]} : vector<2x256xf32> to vector<2x254xf32>
    %concatenate3A_250 = tpu.concatenate %slice3A_248, %slice3A_249 in 1 : vector<2x2xf32>, vector<2x254xf32> -> vector<2x256xf32>
    %add3A_251 = arith.addf %slice3A_246, %concatenate3A_250 : vector<2x256xf32>
    %slice3A_252 = vector.extract_strided_slice %add3A_251 {offsets = [0, 0], sizes = [1, 256], strides = [1, 1]} : vector<2x256xf32> to vector<1x256xf32>
    %slice3A_253 = vector.extract_strided_slice %add3A_251 {offsets = [1, 0], sizes = [1, 256], strides = [1, 1]} : vector<2x256xf32> to vector<1x256xf32>
    %slice3A_254 = vector.extract_strided_slice %slice3A_253 {offsets = [0, 255], sizes = [1, 1], strides = [1, 1]} : vector<1x256xf32> to vector<1x1xf32>
    %slice3A_255 = vector.extract_strided_slice %slice3A_253 {offsets = [0, 0], sizes = [1, 255], strides = [1, 1]} : vector<1x256xf32> to vector<1x255xf32>
    %concatenate3A_256 = tpu.concatenate %slice3A_254, %slice3A_255 in 1 : vector<1x1xf32>, vector<1x255xf32> -> vector<1x256xf32>
    %add3A_257 = arith.addf %slice3A_252, %concatenate3A_256 : vector<1x256xf32>
    %add3A_258 = arith.addf %add3A_126, %add3A_257 : vector<1x256xf32>
    %get3A_259 = arith.constant 2 : index
    %get3A_260 = arith.index_cast %arg0 : i32 to index
    %get3A_261 = arith.constant 0 : index
    %get3A_262 = memref.load %arg2[%get3A_259, %get3A_260, %get3A_261] : memref<4x20x1xi32, #tpu.memory_space<smem>>
    %add3A_263 = arith.addi %add3A_131, %get3A_262 : i32
    %and3A_264 = arith.constant 255 : i32
    %and3A_265 = arith.andi %get3A_262, %and3A_264 : i32
    %mul3A_266 = vector.broadcast %and3A_265 : i32 to vector<256x256xi32>
    %mul3A_267 = arith.muli %iota3A, %mul3A_266 : vector<256x256xi32>
    %and3A_268 = arith.constant 255 : i32
    %and3A_269 = vector.broadcast %and3A_268 : i32 to vector<256x256xi32>
    %and3A_270 = arith.andi %mul3A_267, %and3A_269 : vector<256x256xi32>
    %eq3A_271 = arith.cmpi eq, %and3A_270, %iota3A_3 : vector<256x256xi32>
    %jit3A_272 = arith.constant 1.000000e+00 : f32
    %jit3A_273 = arith.constant 0.000000e+00 : f32
    %broadcast_in_dim3A_274 = vector.broadcast %jit3A_272 : f32 to vector<256x256xf32>
    %broadcast_in_dim3A_275 = vector.broadcast %jit3A_273 : f32 to vector<256x256xf32>
    %select_n3A_276 = arith.select %eq3A_271, %broadcast_in_dim3A_274, %broadcast_in_dim3A_275 : vector<256x256xi1>, vector<256x256xf32>
    %get3A_277 = arith.constant 0 : index
    %get3A_278 = arith.constant 2 : index
    %get3A_279 = arith.constant 0 : index
    %get3A_280 = arith.constant 0 : index
    %get3A_281 = vector.load %arg1[%get3A_277, %get3A_278, %get3A_279, %get3A_280] : memref<2x4x256x256xf32, #tpu.memory_space<vmem>>, vector<1x1x256x256xf32>
    %get3A_282 = vector.shape_cast %get3A_281 : vector<1x1x256x256xf32> to vector<256x256xf32>
    %dot_general3A_283 = arith.constant dense<0.000000e+00> : vector<256x256xf32>
    %dot_general3A_284 = tpu.matmul %get3A_282, %select_n3A_276, %dot_general3A_283 {dimension_numbers = #tpu.dot_dimension_numbers<[0], [0], [1], [1], [0, 1, 1, 1], [], []>, transpose_lhs_hint = false} : vector<256x256xf32>, vector<256x256xf32>, vector<256x256xf32> -> vector<256x256xf32>
    %slice3A_285 = vector.extract_strided_slice %dot_general3A_284 {offsets = [0, 0], sizes = [128, 256], strides = [1, 1]} : vector<256x256xf32> to vector<128x256xf32>
    %slice3A_286 = vector.extract_strided_slice %dot_general3A_284 {offsets = [128, 0], sizes = [128, 256], strides = [1, 1]} : vector<256x256xf32> to vector<128x256xf32>
    %slice3A_287 = vector.extract_strided_slice %slice3A_286 {offsets = [0, 128], sizes = [128, 128], strides = [1, 1]} : vector<128x256xf32> to vector<128x128xf32>
    %slice3A_288 = vector.extract_strided_slice %slice3A_286 {offsets = [0, 0], sizes = [128, 128], strides = [1, 1]} : vector<128x256xf32> to vector<128x128xf32>
    %concatenate3A_289 = tpu.concatenate %slice3A_287, %slice3A_288 in 1 : vector<128x128xf32>, vector<128x128xf32> -> vector<128x256xf32>
    %add3A_290 = arith.addf %slice3A_285, %concatenate3A_289 : vector<128x256xf32>
    %slice3A_291 = vector.extract_strided_slice %add3A_290 {offsets = [0, 0], sizes = [64, 256], strides = [1, 1]} : vector<128x256xf32> to vector<64x256xf32>
    %slice3A_292 = vector.extract_strided_slice %add3A_290 {offsets = [64, 0], sizes = [64, 256], strides = [1, 1]} : vector<128x256xf32> to vector<64x256xf32>
    %slice3A_293 = vector.extract_strided_slice %slice3A_292 {offsets = [0, 192], sizes = [64, 64], strides = [1, 1]} : vector<64x256xf32> to vector<64x64xf32>
    %slice3A_294 = vector.extract_strided_slice %slice3A_292 {offsets = [0, 0], sizes = [64, 192], strides = [1, 1]} : vector<64x256xf32> to vector<64x192xf32>
    %concatenate3A_295 = tpu.concatenate %slice3A_293, %slice3A_294 in 1 : vector<64x64xf32>, vector<64x192xf32> -> vector<64x256xf32>
    %add3A_296 = arith.addf %slice3A_291, %concatenate3A_295 : vector<64x256xf32>
    %slice3A_297 = vector.extract_strided_slice %add3A_296 {offsets = [0, 0], sizes = [32, 256], strides = [1, 1]} : vector<64x256xf32> to vector<32x256xf32>
    %slice3A_298 = vector.extract_strided_slice %add3A_296 {offsets = [32, 0], sizes = [32, 256], strides = [1, 1]} : vector<64x256xf32> to vector<32x256xf32>
    %slice3A_299 = vector.extract_strided_slice %slice3A_298 {offsets = [0, 224], sizes = [32, 32], strides = [1, 1]} : vector<32x256xf32> to vector<32x32xf32>
    %slice3A_300 = vector.extract_strided_slice %slice3A_298 {offsets = [0, 0], sizes = [32, 224], strides = [1, 1]} : vector<32x256xf32> to vector<32x224xf32>
    %concatenate3A_301 = tpu.concatenate %slice3A_299, %slice3A_300 in 1 : vector<32x32xf32>, vector<32x224xf32> -> vector<32x256xf32>
    %add3A_302 = arith.addf %slice3A_297, %concatenate3A_301 : vector<32x256xf32>
    %slice3A_303 = vector.extract_strided_slice %add3A_302 {offsets = [0, 0], sizes = [16, 256], strides = [1, 1]} : vector<32x256xf32> to vector<16x256xf32>
    %slice3A_304 = vector.extract_strided_slice %add3A_302 {offsets = [16, 0], sizes = [16, 256], strides = [1, 1]} : vector<32x256xf32> to vector<16x256xf32>
    %slice3A_305 = vector.extract_strided_slice %slice3A_304 {offsets = [0, 240], sizes = [16, 16], strides = [1, 1]} : vector<16x256xf32> to vector<16x16xf32>
    %slice3A_306 = vector.extract_strided_slice %slice3A_304 {offsets = [0, 0], sizes = [16, 240], strides = [1, 1]} : vector<16x256xf32> to vector<16x240xf32>
    %concatenate3A_307 = tpu.concatenate %slice3A_305, %slice3A_306 in 1 : vector<16x16xf32>, vector<16x240xf32> -> vector<16x256xf32>
    %add3A_308 = arith.addf %slice3A_303, %concatenate3A_307 : vector<16x256xf32>
    %slice3A_309 = vector.extract_strided_slice %add3A_308 {offsets = [0, 0], sizes = [8, 256], strides = [1, 1]} : vector<16x256xf32> to vector<8x256xf32>
    %slice3A_310 = vector.extract_strided_slice %add3A_308 {offsets = [8, 0], sizes = [8, 256], strides = [1, 1]} : vector<16x256xf32> to vector<8x256xf32>
    %slice3A_311 = vector.extract_strided_slice %slice3A_310 {offsets = [0, 248], sizes = [8, 8], strides = [1, 1]} : vector<8x256xf32> to vector<8x8xf32>
    %slice3A_312 = vector.extract_strided_slice %slice3A_310 {offsets = [0, 0], sizes = [8, 248], strides = [1, 1]} : vector<8x256xf32> to vector<8x248xf32>
    %concatenate3A_313 = tpu.concatenate %slice3A_311, %slice3A_312 in 1 : vector<8x8xf32>, vector<8x248xf32> -> vector<8x256xf32>
    %add3A_314 = arith.addf %slice3A_309, %concatenate3A_313 : vector<8x256xf32>
    %slice3A_315 = vector.extract_strided_slice %add3A_314 {offsets = [0, 0], sizes = [4, 256], strides = [1, 1]} : vector<8x256xf32> to vector<4x256xf32>
    %slice3A_316 = vector.extract_strided_slice %add3A_314 {offsets = [4, 0], sizes = [4, 256], strides = [1, 1]} : vector<8x256xf32> to vector<4x256xf32>
    %slice3A_317 = vector.extract_strided_slice %slice3A_316 {offsets = [0, 252], sizes = [4, 4], strides = [1, 1]} : vector<4x256xf32> to vector<4x4xf32>
    %slice3A_318 = vector.extract_strided_slice %slice3A_316 {offsets = [0, 0], sizes = [4, 252], strides = [1, 1]} : vector<4x256xf32> to vector<4x252xf32>
    %concatenate3A_319 = tpu.concatenate %slice3A_317, %slice3A_318 in 1 : vector<4x4xf32>, vector<4x252xf32> -> vector<4x256xf32>
    %add3A_320 = arith.addf %slice3A_315, %concatenate3A_319 : vector<4x256xf32>
    %slice3A_321 = vector.extract_strided_slice %add3A_320 {offsets = [0, 0], sizes = [2, 256], strides = [1, 1]} : vector<4x256xf32> to vector<2x256xf32>
    %slice3A_322 = vector.extract_strided_slice %add3A_320 {offsets = [2, 0], sizes = [2, 256], strides = [1, 1]} : vector<4x256xf32> to vector<2x256xf32>
    %slice3A_323 = vector.extract_strided_slice %slice3A_322 {offsets = [0, 254], sizes = [2, 2], strides = [1, 1]} : vector<2x256xf32> to vector<2x2xf32>
    %slice3A_324 = vector.extract_strided_slice %slice3A_322 {offsets = [0, 0], sizes = [2, 254], strides = [1, 1]} : vector<2x256xf32> to vector<2x254xf32>
    %concatenate3A_325 = tpu.concatenate %slice3A_323, %slice3A_324 in 1 : vector<2x2xf32>, vector<2x254xf32> -> vector<2x256xf32>
    %add3A_326 = arith.addf %slice3A_321, %concatenate3A_325 : vector<2x256xf32>
    %slice3A_327 = vector.extract_strided_slice %add3A_326 {offsets = [0, 0], sizes = [1, 256], strides = [1, 1]} : vector<2x256xf32> to vector<1x256xf32>
    %slice3A_328 = vector.extract_strided_slice %add3A_326 {offsets = [1, 0], sizes = [1, 256], strides = [1, 1]} : vector<2x256xf32> to vector<1x256xf32>
    %slice3A_329 = vector.extract_strided_slice %slice3A_328 {offsets = [0, 255], sizes = [1, 1], strides = [1, 1]} : vector<1x256xf32> to vector<1x1xf32>
    %slice3A_330 = vector.extract_strided_slice %slice3A_328 {offsets = [0, 0], sizes = [1, 255], strides = [1, 1]} : vector<1x256xf32> to vector<1x255xf32>
    %concatenate3A_331 = tpu.concatenate %slice3A_329, %slice3A_330 in 1 : vector<1x1xf32>, vector<1x255xf32> -> vector<1x256xf32>
    %add3A_332 = arith.addf %slice3A_327, %concatenate3A_331 : vector<1x256xf32>
    %add3A_333 = arith.addf %add3A_201, %add3A_332 : vector<1x256xf32>
    %get3A_334 = arith.constant 1 : index
    %get3A_335 = arith.constant 2 : index
    %get3A_336 = arith.constant 0 : index
    %get3A_337 = arith.constant 0 : index
    %get3A_338 = vector.load %arg1[%get3A_334, %get3A_335, %get3A_336, %get3A_337] : memref<2x4x256x256xf32, #tpu.memory_space<vmem>>, vector<1x1x256x256xf32>
    %get3A_339 = vector.shape_cast %get3A_338 : vector<1x1x256x256xf32> to vector<256x256xf32>
    %dot_general3A_340 = arith.constant dense<0.000000e+00> : vector<256x256xf32>
    %dot_general3A_341 = tpu.matmul %get3A_339, %select_n3A_276, %dot_general3A_340 {dimension_numbers = #tpu.dot_dimension_numbers<[0], [0], [1], [1], [0, 1, 1, 1], [], []>, transpose_lhs_hint = false} : vector<256x256xf32>, vector<256x256xf32>, vector<256x256xf32> -> vector<256x256xf32>
    %slice3A_342 = vector.extract_strided_slice %dot_general3A_341 {offsets = [0, 0], sizes = [128, 256], strides = [1, 1]} : vector<256x256xf32> to vector<128x256xf32>
    %slice3A_343 = vector.extract_strided_slice %dot_general3A_341 {offsets = [128, 0], sizes = [128, 256], strides = [1, 1]} : vector<256x256xf32> to vector<128x256xf32>
    %slice3A_344 = vector.extract_strided_slice %slice3A_343 {offsets = [0, 128], sizes = [128, 128], strides = [1, 1]} : vector<128x256xf32> to vector<128x128xf32>
    %slice3A_345 = vector.extract_strided_slice %slice3A_343 {offsets = [0, 0], sizes = [128, 128], strides = [1, 1]} : vector<128x256xf32> to vector<128x128xf32>
    %concatenate3A_346 = tpu.concatenate %slice3A_344, %slice3A_345 in 1 : vector<128x128xf32>, vector<128x128xf32> -> vector<128x256xf32>
    %add3A_347 = arith.addf %slice3A_342, %concatenate3A_346 : vector<128x256xf32>
    %slice3A_348 = vector.extract_strided_slice %add3A_347 {offsets = [0, 0], sizes = [64, 256], strides = [1, 1]} : vector<128x256xf32> to vector<64x256xf32>
    %slice3A_349 = vector.extract_strided_slice %add3A_347 {offsets = [64, 0], sizes = [64, 256], strides = [1, 1]} : vector<128x256xf32> to vector<64x256xf32>
    %slice3A_350 = vector.extract_strided_slice %slice3A_349 {offsets = [0, 192], sizes = [64, 64], strides = [1, 1]} : vector<64x256xf32> to vector<64x64xf32>
    %slice3A_351 = vector.extract_strided_slice %slice3A_349 {offsets = [0, 0], sizes = [64, 192], strides = [1, 1]} : vector<64x256xf32> to vector<64x192xf32>
    %concatenate3A_352 = tpu.concatenate %slice3A_350, %slice3A_351 in 1 : vector<64x64xf32>, vector<64x192xf32> -> vector<64x256xf32>
    %add3A_353 = arith.addf %slice3A_348, %concatenate3A_352 : vector<64x256xf32>
    %slice3A_354 = vector.extract_strided_slice %add3A_353 {offsets = [0, 0], sizes = [32, 256], strides = [1, 1]} : vector<64x256xf32> to vector<32x256xf32>
    %slice3A_355 = vector.extract_strided_slice %add3A_353 {offsets = [32, 0], sizes = [32, 256], strides = [1, 1]} : vector<64x256xf32> to vector<32x256xf32>
    %slice3A_356 = vector.extract_strided_slice %slice3A_355 {offsets = [0, 224], sizes = [32, 32], strides = [1, 1]} : vector<32x256xf32> to vector<32x32xf32>
    %slice3A_357 = vector.extract_strided_slice %slice3A_355 {offsets = [0, 0], sizes = [32, 224], strides = [1, 1]} : vector<32x256xf32> to vector<32x224xf32>
    %concatenate3A_358 = tpu.concatenate %slice3A_356, %slice3A_357 in 1 : vector<32x32xf32>, vector<32x224xf32> -> vector<32x256xf32>
    %add3A_359 = arith.addf %slice3A_354, %concatenate3A_358 : vector<32x256xf32>
    %slice3A_360 = vector.extract_strided_slice %add3A_359 {offsets = [0, 0], sizes = [16, 256], strides = [1, 1]} : vector<32x256xf32> to vector<16x256xf32>
    %slice3A_361 = vector.extract_strided_slice %add3A_359 {offsets = [16, 0], sizes = [16, 256], strides = [1, 1]} : vector<32x256xf32> to vector<16x256xf32>
    %slice3A_362 = vector.extract_strided_slice %slice3A_361 {offsets = [0, 240], sizes = [16, 16], strides = [1, 1]} : vector<16x256xf32> to vector<16x16xf32>
    %slice3A_363 = vector.extract_strided_slice %slice3A_361 {offsets = [0, 0], sizes = [16, 240], strides = [1, 1]} : vector<16x256xf32> to vector<16x240xf32>
    %concatenate3A_364 = tpu.concatenate %slice3A_362, %slice3A_363 in 1 : vector<16x16xf32>, vector<16x240xf32> -> vector<16x256xf32>
    %add3A_365 = arith.addf %slice3A_360, %concatenate3A_364 : vector<16x256xf32>
    %slice3A_366 = vector.extract_strided_slice %add3A_365 {offsets = [0, 0], sizes = [8, 256], strides = [1, 1]} : vector<16x256xf32> to vector<8x256xf32>
    %slice3A_367 = vector.extract_strided_slice %add3A_365 {offsets = [8, 0], sizes = [8, 256], strides = [1, 1]} : vector<16x256xf32> to vector<8x256xf32>
    %slice3A_368 = vector.extract_strided_slice %slice3A_367 {offsets = [0, 248], sizes = [8, 8], strides = [1, 1]} : vector<8x256xf32> to vector<8x8xf32>
    %slice3A_369 = vector.extract_strided_slice %slice3A_367 {offsets = [0, 0], sizes = [8, 248], strides = [1, 1]} : vector<8x256xf32> to vector<8x248xf32>
    %concatenate3A_370 = tpu.concatenate %slice3A_368, %slice3A_369 in 1 : vector<8x8xf32>, vector<8x248xf32> -> vector<8x256xf32>
    %add3A_371 = arith.addf %slice3A_366, %concatenate3A_370 : vector<8x256xf32>
    %slice3A_372 = vector.extract_strided_slice %add3A_371 {offsets = [0, 0], sizes = [4, 256], strides = [1, 1]} : vector<8x256xf32> to vector<4x256xf32>
    %slice3A_373 = vector.extract_strided_slice %add3A_371 {offsets = [4, 0], sizes = [4, 256], strides = [1, 1]} : vector<8x256xf32> to vector<4x256xf32>
    %slice3A_374 = vector.extract_strided_slice %slice3A_373 {offsets = [0, 252], sizes = [4, 4], strides = [1, 1]} : vector<4x256xf32> to vector<4x4xf32>
    %slice3A_375 = vector.extract_strided_slice %slice3A_373 {offsets = [0, 0], sizes = [4, 252], strides = [1, 1]} : vector<4x256xf32> to vector<4x252xf32>
    %concatenate3A_376 = tpu.concatenate %slice3A_374, %slice3A_375 in 1 : vector<4x4xf32>, vector<4x252xf32> -> vector<4x256xf32>
    %add3A_377 = arith.addf %slice3A_372, %concatenate3A_376 : vector<4x256xf32>
    %slice3A_378 = vector.extract_strided_slice %add3A_377 {offsets = [0, 0], sizes = [2, 256], strides = [1, 1]} : vector<4x256xf32> to vector<2x256xf32>
    %slice3A_379 = vector.extract_strided_slice %add3A_377 {offsets = [2, 0], sizes = [2, 256], strides = [1, 1]} : vector<4x256xf32> to vector<2x256xf32>
    %slice3A_380 = vector.extract_strided_slice %slice3A_379 {offsets = [0, 254], sizes = [2, 2], strides = [1, 1]} : vector<2x256xf32> to vector<2x2xf32>
    %slice3A_381 = vector.extract_strided_slice %slice3A_379 {offsets = [0, 0], sizes = [2, 254], strides = [1, 1]} : vector<2x256xf32> to vector<2x254xf32>
    %concatenate3A_382 = tpu.concatenate %slice3A_380, %slice3A_381 in 1 : vector<2x2xf32>, vector<2x254xf32> -> vector<2x256xf32>
    %add3A_383 = arith.addf %slice3A_378, %concatenate3A_382 : vector<2x256xf32>
    %slice3A_384 = vector.extract_strided_slice %add3A_383 {offsets = [0, 0], sizes = [1, 256], strides = [1, 1]} : vector<2x256xf32> to vector<1x256xf32>
    %slice3A_385 = vector.extract_strided_slice %add3A_383 {offsets = [1, 0], sizes = [1, 256], strides = [1, 1]} : vector<2x256xf32> to vector<1x256xf32>
    %slice3A_386 = vector.extract_strided_slice %slice3A_385 {offsets = [0, 255], sizes = [1, 1], strides = [1, 1]} : vector<1x256xf32> to vector<1x1xf32>
    %slice3A_387 = vector.extract_strided_slice %slice3A_385 {offsets = [0, 0], sizes = [1, 255], strides = [1, 1]} : vector<1x256xf32> to vector<1x255xf32>
    %concatenate3A_388 = tpu.concatenate %slice3A_386, %slice3A_387 in 1 : vector<1x1xf32>, vector<1x255xf32> -> vector<1x256xf32>
    %add3A_389 = arith.addf %slice3A_384, %concatenate3A_388 : vector<1x256xf32>
    %add3A_390 = arith.addf %add3A_258, %add3A_389 : vector<1x256xf32>
    %get3A_391 = arith.constant 3 : index
    %get3A_392 = arith.index_cast %arg0 : i32 to index
    %get3A_393 = arith.constant 0 : index
    %get3A_394 = memref.load %arg2[%get3A_391, %get3A_392, %get3A_393] : memref<4x20x1xi32, #tpu.memory_space<smem>>
    %add3A_395 = arith.addi %add3A_263, %get3A_394 : i32
    %and3A_396 = arith.constant 255 : i32
    %and3A_397 = arith.andi %get3A_394, %and3A_396 : i32
    %mul3A_398 = vector.broadcast %and3A_397 : i32 to vector<256x256xi32>
    %mul3A_399 = arith.muli %iota3A, %mul3A_398 : vector<256x256xi32>
    %and3A_400 = arith.constant 255 : i32
    %and3A_401 = vector.broadcast %and3A_400 : i32 to vector<256x256xi32>
    %and3A_402 = arith.andi %mul3A_399, %and3A_401 : vector<256x256xi32>
    %eq3A_403 = arith.cmpi eq, %and3A_402, %iota3A_3 : vector<256x256xi32>
    %jit3A_404 = arith.constant 1.000000e+00 : f32
    %jit3A_405 = arith.constant 0.000000e+00 : f32
    %broadcast_in_dim3A_406 = vector.broadcast %jit3A_404 : f32 to vector<256x256xf32>
    %broadcast_in_dim3A_407 = vector.broadcast %jit3A_405 : f32 to vector<256x256xf32>
    %select_n3A_408 = arith.select %eq3A_403, %broadcast_in_dim3A_406, %broadcast_in_dim3A_407 : vector<256x256xi1>, vector<256x256xf32>
    %get3A_409 = arith.constant 0 : index
    %get3A_410 = arith.constant 3 : index
    %get3A_411 = arith.constant 0 : index
    %get3A_412 = arith.constant 0 : index
    %get3A_413 = vector.load %arg1[%get3A_409, %get3A_410, %get3A_411, %get3A_412] : memref<2x4x256x256xf32, #tpu.memory_space<vmem>>, vector<1x1x256x256xf32>
    %get3A_414 = vector.shape_cast %get3A_413 : vector<1x1x256x256xf32> to vector<256x256xf32>
    %dot_general3A_415 = arith.constant dense<0.000000e+00> : vector<256x256xf32>
    %dot_general3A_416 = tpu.matmul %get3A_414, %select_n3A_408, %dot_general3A_415 {dimension_numbers = #tpu.dot_dimension_numbers<[0], [0], [1], [1], [0, 1, 1, 1], [], []>, transpose_lhs_hint = false} : vector<256x256xf32>, vector<256x256xf32>, vector<256x256xf32> -> vector<256x256xf32>
    %slice3A_417 = vector.extract_strided_slice %dot_general3A_416 {offsets = [0, 0], sizes = [128, 256], strides = [1, 1]} : vector<256x256xf32> to vector<128x256xf32>
    %slice3A_418 = vector.extract_strided_slice %dot_general3A_416 {offsets = [128, 0], sizes = [128, 256], strides = [1, 1]} : vector<256x256xf32> to vector<128x256xf32>
    %slice3A_419 = vector.extract_strided_slice %slice3A_418 {offsets = [0, 128], sizes = [128, 128], strides = [1, 1]} : vector<128x256xf32> to vector<128x128xf32>
    %slice3A_420 = vector.extract_strided_slice %slice3A_418 {offsets = [0, 0], sizes = [128, 128], strides = [1, 1]} : vector<128x256xf32> to vector<128x128xf32>
    %concatenate3A_421 = tpu.concatenate %slice3A_419, %slice3A_420 in 1 : vector<128x128xf32>, vector<128x128xf32> -> vector<128x256xf32>
    %add3A_422 = arith.addf %slice3A_417, %concatenate3A_421 : vector<128x256xf32>
    %slice3A_423 = vector.extract_strided_slice %add3A_422 {offsets = [0, 0], sizes = [64, 256], strides = [1, 1]} : vector<128x256xf32> to vector<64x256xf32>
    %slice3A_424 = vector.extract_strided_slice %add3A_422 {offsets = [64, 0], sizes = [64, 256], strides = [1, 1]} : vector<128x256xf32> to vector<64x256xf32>
    %slice3A_425 = vector.extract_strided_slice %slice3A_424 {offsets = [0, 192], sizes = [64, 64], strides = [1, 1]} : vector<64x256xf32> to vector<64x64xf32>
    %slice3A_426 = vector.extract_strided_slice %slice3A_424 {offsets = [0, 0], sizes = [64, 192], strides = [1, 1]} : vector<64x256xf32> to vector<64x192xf32>
    %concatenate3A_427 = tpu.concatenate %slice3A_425, %slice3A_426 in 1 : vector<64x64xf32>, vector<64x192xf32> -> vector<64x256xf32>
    %add3A_428 = arith.addf %slice3A_423, %concatenate3A_427 : vector<64x256xf32>
    %slice3A_429 = vector.extract_strided_slice %add3A_428 {offsets = [0, 0], sizes = [32, 256], strides = [1, 1]} : vector<64x256xf32> to vector<32x256xf32>
    %slice3A_430 = vector.extract_strided_slice %add3A_428 {offsets = [32, 0], sizes = [32, 256], strides = [1, 1]} : vector<64x256xf32> to vector<32x256xf32>
    %slice3A_431 = vector.extract_strided_slice %slice3A_430 {offsets = [0, 224], sizes = [32, 32], strides = [1, 1]} : vector<32x256xf32> to vector<32x32xf32>
    %slice3A_432 = vector.extract_strided_slice %slice3A_430 {offsets = [0, 0], sizes = [32, 224], strides = [1, 1]} : vector<32x256xf32> to vector<32x224xf32>
    %concatenate3A_433 = tpu.concatenate %slice3A_431, %slice3A_432 in 1 : vector<32x32xf32>, vector<32x224xf32> -> vector<32x256xf32>
    %add3A_434 = arith.addf %slice3A_429, %concatenate3A_433 : vector<32x256xf32>
    %slice3A_435 = vector.extract_strided_slice %add3A_434 {offsets = [0, 0], sizes = [16, 256], strides = [1, 1]} : vector<32x256xf32> to vector<16x256xf32>
    %slice3A_436 = vector.extract_strided_slice %add3A_434 {offsets = [16, 0], sizes = [16, 256], strides = [1, 1]} : vector<32x256xf32> to vector<16x256xf32>
    %slice3A_437 = vector.extract_strided_slice %slice3A_436 {offsets = [0, 240], sizes = [16, 16], strides = [1, 1]} : vector<16x256xf32> to vector<16x16xf32>
    %slice3A_438 = vector.extract_strided_slice %slice3A_436 {offsets = [0, 0], sizes = [16, 240], strides = [1, 1]} : vector<16x256xf32> to vector<16x240xf32>
    %concatenate3A_439 = tpu.concatenate %slice3A_437, %slice3A_438 in 1 : vector<16x16xf32>, vector<16x240xf32> -> vector<16x256xf32>
    %add3A_440 = arith.addf %slice3A_435, %concatenate3A_439 : vector<16x256xf32>
    %slice3A_441 = vector.extract_strided_slice %add3A_440 {offsets = [0, 0], sizes = [8, 256], strides = [1, 1]} : vector<16x256xf32> to vector<8x256xf32>
    %slice3A_442 = vector.extract_strided_slice %add3A_440 {offsets = [8, 0], sizes = [8, 256], strides = [1, 1]} : vector<16x256xf32> to vector<8x256xf32>
    %slice3A_443 = vector.extract_strided_slice %slice3A_442 {offsets = [0, 248], sizes = [8, 8], strides = [1, 1]} : vector<8x256xf32> to vector<8x8xf32>
    %slice3A_444 = vector.extract_strided_slice %slice3A_442 {offsets = [0, 0], sizes = [8, 248], strides = [1, 1]} : vector<8x256xf32> to vector<8x248xf32>
    %concatenate3A_445 = tpu.concatenate %slice3A_443, %slice3A_444 in 1 : vector<8x8xf32>, vector<8x248xf32> -> vector<8x256xf32>
    %add3A_446 = arith.addf %slice3A_441, %concatenate3A_445 : vector<8x256xf32>
    %slice3A_447 = vector.extract_strided_slice %add3A_446 {offsets = [0, 0], sizes = [4, 256], strides = [1, 1]} : vector<8x256xf32> to vector<4x256xf32>
    %slice3A_448 = vector.extract_strided_slice %add3A_446 {offsets = [4, 0], sizes = [4, 256], strides = [1, 1]} : vector<8x256xf32> to vector<4x256xf32>
    %slice3A_449 = vector.extract_strided_slice %slice3A_448 {offsets = [0, 252], sizes = [4, 4], strides = [1, 1]} : vector<4x256xf32> to vector<4x4xf32>
    %slice3A_450 = vector.extract_strided_slice %slice3A_448 {offsets = [0, 0], sizes = [4, 252], strides = [1, 1]} : vector<4x256xf32> to vector<4x252xf32>
    %concatenate3A_451 = tpu.concatenate %slice3A_449, %slice3A_450 in 1 : vector<4x4xf32>, vector<4x252xf32> -> vector<4x256xf32>
    %add3A_452 = arith.addf %slice3A_447, %concatenate3A_451 : vector<4x256xf32>
    %slice3A_453 = vector.extract_strided_slice %add3A_452 {offsets = [0, 0], sizes = [2, 256], strides = [1, 1]} : vector<4x256xf32> to vector<2x256xf32>
    %slice3A_454 = vector.extract_strided_slice %add3A_452 {offsets = [2, 0], sizes = [2, 256], strides = [1, 1]} : vector<4x256xf32> to vector<2x256xf32>
    %slice3A_455 = vector.extract_strided_slice %slice3A_454 {offsets = [0, 254], sizes = [2, 2], strides = [1, 1]} : vector<2x256xf32> to vector<2x2xf32>
    %slice3A_456 = vector.extract_strided_slice %slice3A_454 {offsets = [0, 0], sizes = [2, 254], strides = [1, 1]} : vector<2x256xf32> to vector<2x254xf32>
    %concatenate3A_457 = tpu.concatenate %slice3A_455, %slice3A_456 in 1 : vector<2x2xf32>, vector<2x254xf32> -> vector<2x256xf32>
    %add3A_458 = arith.addf %slice3A_453, %concatenate3A_457 : vector<2x256xf32>
    %slice3A_459 = vector.extract_strided_slice %add3A_458 {offsets = [0, 0], sizes = [1, 256], strides = [1, 1]} : vector<2x256xf32> to vector<1x256xf32>
    %slice3A_460 = vector.extract_strided_slice %add3A_458 {offsets = [1, 0], sizes = [1, 256], strides = [1, 1]} : vector<2x256xf32> to vector<1x256xf32>
    %slice3A_461 = vector.extract_strided_slice %slice3A_460 {offsets = [0, 255], sizes = [1, 1], strides = [1, 1]} : vector<1x256xf32> to vector<1x1xf32>
    %slice3A_462 = vector.extract_strided_slice %slice3A_460 {offsets = [0, 0], sizes = [1, 255], strides = [1, 1]} : vector<1x256xf32> to vector<1x255xf32>
    %concatenate3A_463 = tpu.concatenate %slice3A_461, %slice3A_462 in 1 : vector<1x1xf32>, vector<1x255xf32> -> vector<1x256xf32>
    %add3A_464 = arith.addf %slice3A_459, %concatenate3A_463 : vector<1x256xf32>
    %add3A_465 = arith.addf %add3A_333, %add3A_464 : vector<1x256xf32>
    %get3A_466 = arith.constant 1 : index
    %get3A_467 = arith.constant 3 : index
    %get3A_468 = arith.constant 0 : index
    %get3A_469 = arith.constant 0 : index
    %get3A_470 = vector.load %arg1[%get3A_466, %get3A_467, %get3A_468, %get3A_469] : memref<2x4x256x256xf32, #tpu.memory_space<vmem>>, vector<1x1x256x256xf32>
    %get3A_471 = vector.shape_cast %get3A_470 : vector<1x1x256x256xf32> to vector<256x256xf32>
    %dot_general3A_472 = arith.constant dense<0.000000e+00> : vector<256x256xf32>
    %dot_general3A_473 = tpu.matmul %get3A_471, %select_n3A_408, %dot_general3A_472 {dimension_numbers = #tpu.dot_dimension_numbers<[0], [0], [1], [1], [0, 1, 1, 1], [], []>, transpose_lhs_hint = false} : vector<256x256xf32>, vector<256x256xf32>, vector<256x256xf32> -> vector<256x256xf32>
    %slice3A_474 = vector.extract_strided_slice %dot_general3A_473 {offsets = [0, 0], sizes = [128, 256], strides = [1, 1]} : vector<256x256xf32> to vector<128x256xf32>
    %slice3A_475 = vector.extract_strided_slice %dot_general3A_473 {offsets = [128, 0], sizes = [128, 256], strides = [1, 1]} : vector<256x256xf32> to vector<128x256xf32>
    %slice3A_476 = vector.extract_strided_slice %slice3A_475 {offsets = [0, 128], sizes = [128, 128], strides = [1, 1]} : vector<128x256xf32> to vector<128x128xf32>
    %slice3A_477 = vector.extract_strided_slice %slice3A_475 {offsets = [0, 0], sizes = [128, 128], strides = [1, 1]} : vector<128x256xf32> to vector<128x128xf32>
    %concatenate3A_478 = tpu.concatenate %slice3A_476, %slice3A_477 in 1 : vector<128x128xf32>, vector<128x128xf32> -> vector<128x256xf32>
    %add3A_479 = arith.addf %slice3A_474, %concatenate3A_478 : vector<128x256xf32>
    %slice3A_480 = vector.extract_strided_slice %add3A_479 {offsets = [0, 0], sizes = [64, 256], strides = [1, 1]} : vector<128x256xf32> to vector<64x256xf32>
    %slice3A_481 = vector.extract_strided_slice %add3A_479 {offsets = [64, 0], sizes = [64, 256], strides = [1, 1]} : vector<128x256xf32> to vector<64x256xf32>
    %slice3A_482 = vector.extract_strided_slice %slice3A_481 {offsets = [0, 192], sizes = [64, 64], strides = [1, 1]} : vector<64x256xf32> to vector<64x64xf32>
    %slice3A_483 = vector.extract_strided_slice %slice3A_481 {offsets = [0, 0], sizes = [64, 192], strides = [1, 1]} : vector<64x256xf32> to vector<64x192xf32>
    %concatenate3A_484 = tpu.concatenate %slice3A_482, %slice3A_483 in 1 : vector<64x64xf32>, vector<64x192xf32> -> vector<64x256xf32>
    %add3A_485 = arith.addf %slice3A_480, %concatenate3A_484 : vector<64x256xf32>
    %slice3A_486 = vector.extract_strided_slice %add3A_485 {offsets = [0, 0], sizes = [32, 256], strides = [1, 1]} : vector<64x256xf32> to vector<32x256xf32>
    %slice3A_487 = vector.extract_strided_slice %add3A_485 {offsets = [32, 0], sizes = [32, 256], strides = [1, 1]} : vector<64x256xf32> to vector<32x256xf32>
    %slice3A_488 = vector.extract_strided_slice %slice3A_487 {offsets = [0, 224], sizes = [32, 32], strides = [1, 1]} : vector<32x256xf32> to vector<32x32xf32>
    %slice3A_489 = vector.extract_strided_slice %slice3A_487 {offsets = [0, 0], sizes = [32, 224], strides = [1, 1]} : vector<32x256xf32> to vector<32x224xf32>
    %concatenate3A_490 = tpu.concatenate %slice3A_488, %slice3A_489 in 1 : vector<32x32xf32>, vector<32x224xf32> -> vector<32x256xf32>
    %add3A_491 = arith.addf %slice3A_486, %concatenate3A_490 : vector<32x256xf32>
    %slice3A_492 = vector.extract_strided_slice %add3A_491 {offsets = [0, 0], sizes = [16, 256], strides = [1, 1]} : vector<32x256xf32> to vector<16x256xf32>
    %slice3A_493 = vector.extract_strided_slice %add3A_491 {offsets = [16, 0], sizes = [16, 256], strides = [1, 1]} : vector<32x256xf32> to vector<16x256xf32>
    %slice3A_494 = vector.extract_strided_slice %slice3A_493 {offsets = [0, 240], sizes = [16, 16], strides = [1, 1]} : vector<16x256xf32> to vector<16x16xf32>
    %slice3A_495 = vector.extract_strided_slice %slice3A_493 {offsets = [0, 0], sizes = [16, 240], strides = [1, 1]} : vector<16x256xf32> to vector<16x240xf32>
    %concatenate3A_496 = tpu.concatenate %slice3A_494, %slice3A_495 in 1 : vector<16x16xf32>, vector<16x240xf32> -> vector<16x256xf32>
    %add3A_497 = arith.addf %slice3A_492, %concatenate3A_496 : vector<16x256xf32>
    %slice3A_498 = vector.extract_strided_slice %add3A_497 {offsets = [0, 0], sizes = [8, 256], strides = [1, 1]} : vector<16x256xf32> to vector<8x256xf32>
    %slice3A_499 = vector.extract_strided_slice %add3A_497 {offsets = [8, 0], sizes = [8, 256], strides = [1, 1]} : vector<16x256xf32> to vector<8x256xf32>
    %slice3A_500 = vector.extract_strided_slice %slice3A_499 {offsets = [0, 248], sizes = [8, 8], strides = [1, 1]} : vector<8x256xf32> to vector<8x8xf32>
    %slice3A_501 = vector.extract_strided_slice %slice3A_499 {offsets = [0, 0], sizes = [8, 248], strides = [1, 1]} : vector<8x256xf32> to vector<8x248xf32>
    %concatenate3A_502 = tpu.concatenate %slice3A_500, %slice3A_501 in 1 : vector<8x8xf32>, vector<8x248xf32> -> vector<8x256xf32>
    %add3A_503 = arith.addf %slice3A_498, %concatenate3A_502 : vector<8x256xf32>
    %slice3A_504 = vector.extract_strided_slice %add3A_503 {offsets = [0, 0], sizes = [4, 256], strides = [1, 1]} : vector<8x256xf32> to vector<4x256xf32>
    %slice3A_505 = vector.extract_strided_slice %add3A_503 {offsets = [4, 0], sizes = [4, 256], strides = [1, 1]} : vector<8x256xf32> to vector<4x256xf32>
    %slice3A_506 = vector.extract_strided_slice %slice3A_505 {offsets = [0, 252], sizes = [4, 4], strides = [1, 1]} : vector<4x256xf32> to vector<4x4xf32>
    %slice3A_507 = vector.extract_strided_slice %slice3A_505 {offsets = [0, 0], sizes = [4, 252], strides = [1, 1]} : vector<4x256xf32> to vector<4x252xf32>
    %concatenate3A_508 = tpu.concatenate %slice3A_506, %slice3A_507 in 1 : vector<4x4xf32>, vector<4x252xf32> -> vector<4x256xf32>
    %add3A_509 = arith.addf %slice3A_504, %concatenate3A_508 : vector<4x256xf32>
    %slice3A_510 = vector.extract_strided_slice %add3A_509 {offsets = [0, 0], sizes = [2, 256], strides = [1, 1]} : vector<4x256xf32> to vector<2x256xf32>
    %slice3A_511 = vector.extract_strided_slice %add3A_509 {offsets = [2, 0], sizes = [2, 256], strides = [1, 1]} : vector<4x256xf32> to vector<2x256xf32>
    %slice3A_512 = vector.extract_strided_slice %slice3A_511 {offsets = [0, 254], sizes = [2, 2], strides = [1, 1]} : vector<2x256xf32> to vector<2x2xf32>
    %slice3A_513 = vector.extract_strided_slice %slice3A_511 {offsets = [0, 0], sizes = [2, 254], strides = [1, 1]} : vector<2x256xf32> to vector<2x254xf32>
    %concatenate3A_514 = tpu.concatenate %slice3A_512, %slice3A_513 in 1 : vector<2x2xf32>, vector<2x254xf32> -> vector<2x256xf32>
    %add3A_515 = arith.addf %slice3A_510, %concatenate3A_514 : vector<2x256xf32>
    %slice3A_516 = vector.extract_strided_slice %add3A_515 {offsets = [0, 0], sizes = [1, 256], strides = [1, 1]} : vector<2x256xf32> to vector<1x256xf32>
    %slice3A_517 = vector.extract_strided_slice %add3A_515 {offsets = [1, 0], sizes = [1, 256], strides = [1, 1]} : vector<2x256xf32> to vector<1x256xf32>
    %slice3A_518 = vector.extract_strided_slice %slice3A_517 {offsets = [0, 255], sizes = [1, 1], strides = [1, 1]} : vector<1x256xf32> to vector<1x1xf32>
    %slice3A_519 = vector.extract_strided_slice %slice3A_517 {offsets = [0, 0], sizes = [1, 255], strides = [1, 1]} : vector<1x256xf32> to vector<1x255xf32>
    %concatenate3A_520 = tpu.concatenate %slice3A_518, %slice3A_519 in 1 : vector<1x1xf32>, vector<1x255xf32> -> vector<1x256xf32>
    %add3A_521 = arith.addf %slice3A_516, %concatenate3A_520 : vector<1x256xf32>
    %add3A_522 = arith.addf %add3A_390, %add3A_521 : vector<1x256xf32>
    %max3A = arith.constant 1 : i32
    %max3A_523 = arith.maxsi %add3A_395, %max3A : i32
    %convert_element_type3A = arith.sitofp %max3A_523 : i32 to f32
    %div3A = vector.broadcast %convert_element_type3A : f32 to vector<1x256xf32>
    %div3A_524 = arith.divf %add3A_465, %div3A : vector<1x256xf32>
    %swap3A = arith.constant 0 : index
    %swap3A_525 = arith.constant 0 : index
    %swap3A_526 = arith.constant 0 : index
    %swap3A_527 = vector.load %arg3[%swap3A, %swap3A_525, %swap3A_526] : memref<1x1x256xf32, #tpu.memory_space<vmem>>, vector<1x1x256xf32>
    %swap3A_528 = vector.shape_cast %swap3A_527 : vector<1x1x256xf32> to vector<1x256xf32>
    %swap3A_529 = vector.shape_cast %div3A_524 : vector<1x256xf32> to vector<1x1x256xf32>
    tpu.vector_store %arg3[%swap3A, %swap3A_525, %swap3A_526], %swap3A_529 {strides = array<i32>} : memref<1x1x256xf32, #tpu.memory_space<vmem>>, vector<1x1x256xf32>,
    %div3A_530 = vector.broadcast %convert_element_type3A : f32 to vector<1x256xf32>
    %div3A_531 = arith.divf %add3A_522, %div3A_530 : vector<1x256xf32>
    %swap3A_532 = arith.constant 0 : index
    %swap3A_533 = arith.constant 0 : index
    %swap3A_534 = arith.constant 0 : index
    %swap3A_535 = vector.load %arg4[%swap3A_532, %swap3A_533, %swap3A_534] : memref<1x1x256xf32, #tpu.memory_space<vmem>>, vector<1x1x256xf32>
    %swap3A_536 = vector.shape_cast %swap3A_535 : vector<1x1x256xf32> to vector<1x256xf32>
    %swap3A_537 = vector.shape_cast %div3A_531 : vector<1x256xf32> to vector<1x1x256xf32>
    tpu.vector_store %arg4[%swap3A_532, %swap3A_533, %swap3A_534], %swap3A_537 {strides = array<i32>} : memref<1x1x256xf32, #tpu.memory_space<vmem>>, vector<1x1x256xf32>,
    return
  }
  func.func @transform_0(%arg0: i32) -> (i32, i32, i32, i32) {
    %c0_i32 = arith.constant 0 : i32
    %c0_i32_0 = arith.constant 0 : i32
    %c0_i32_1 = arith.constant 0 : i32
    %c0_i32_2 = arith.constant 0 : i32
    return %c0_i32, %c0_i32_0, %c0_i32_1, %arg0 : i32, i32, i32, i32
  }
  func.func @transform_1(%arg0: i32) -> (i32, i32, i32) {
    %c0_i32 = arith.constant 0 : i32
    %c0_i32_0 = arith.constant 0 : i32
    %c0_i32_1 = arith.constant 0 : i32
    %c0_i32_2 = arith.constant 0 : i32
    return %c0_i32, %c0_i32_0, %c0_i32_1 : i32, i32, i32
  }
  func.func @transform_2(%arg0: i32) -> (i32, i32, i32) {
    %c0_i32 = arith.constant 0 : i32
    %c0_i32_0 = arith.constant 0 : i32
    %c0_i32_1 = arith.constant 0 : i32
    return %arg0, %c0_i32, %c0_i32_0 : i32, i32, i32
  }
  func.func @transform_3(%arg0: i32) -> (i32, i32, i32) {
    %c0_i32 = arith.constant 0 : i32
    %c0_i32_0 = arith.constant 0 : i32
    %c0_i32_1 = arith.constant 0 : i32
    return %arg0, %c0_i32, %c0_i32_0 : i32, i32, i32
  }
}

module attributes {stable_mosaic.version = 14 : i64} {
  func.func @_prep_body(%arg0: i32, %arg1: i32, %arg2: memref<1x16x128x512xf32, #tpu.memory_space<vmem>>, %arg3: memref<1x128x512xi32, #tpu.memory_space<vmem>>, %arg4: memref<1x32x128xi32, #tpu.memory_space<vmem>>, %arg5: memref<1x20x1xi32, #tpu.memory_space<vmem>>, %arg6: memref<20x1xf32, #tpu.memory_space<vmem>>) attributes {dimension_semantics = [#tpu.dimension_semantics<arbitrary>, #tpu.dimension_semantics<arbitrary>], iteration_bounds = array<i64: 4, 4>, scalar_prefetch = 0 : i64, scratch_operands = 1 : i64, tpu.core_type = #tpu.core_type<tc>, window_params = [{transform_indices = @transform_0, window_bounds = array<i64: 1, 16, 128, 512>}, {transform_indices = @transform_1, window_bounds = array<i64: 1, 128, 512>}, {transform_indices = @transform_2, window_bounds = array<i64: 1, 32, 128>}, {transform_indices = @transform_3, window_bounds = array<i64: 1, 20, 1>}]} {
    %get3A = arith.constant 0 : index
    %get3A_0 = arith.constant 0 : index
    %get3A_1 = arith.constant 0 : index
    %get3A_2 = arith.constant 0 : index
    %get3A_3 = vector.load %arg2[%get3A, %get3A_0, %get3A_1, %get3A_2] : memref<1x16x128x512xf32, #tpu.memory_space<vmem>>, vector<1x16x128x512xf32>
    %get3A_4 = vector.shape_cast %get3A_3 : vector<1x16x128x512xf32> to vector<16x128x512xf32>
    %get3A_5 = arith.constant 0 : index
    %get3A_6 = arith.constant 0 : index
    %get3A_7 = arith.constant 0 : index
    %get3A_8 = vector.load %arg3[%get3A_5, %get3A_6, %get3A_7] : memref<1x128x512xi32, #tpu.memory_space<vmem>>, vector<1x128x512xi32>
    %get3A_9 = vector.shape_cast %get3A_8 : vector<1x128x512xi32> to vector<128x512xi32>
    %lt3A = arith.constant 5.000000e-01 : f32
    %lt3A_10 = vector.broadcast %lt3A : f32 to vector<16x128x512xf32>
    %lt3A_11 = arith.cmpf olt, %get3A_4, %lt3A_10 : vector<16x128x512xf32>
    %jit3A = arith.constant 0.000000e+00 : f32
    %broadcast_in_dim3A = vector.broadcast %jit3A : f32 to vector<16x128x512xf32>
    %select_n3A = arith.select %lt3A_11, %broadcast_in_dim3A, %get3A_4 : vector<16x128x512xi1>, vector<16x128x512xf32>
    %reduce_max3A = arith.constant dense<0xFF800000> : vector<128x512xf32>
    %reduce_max3A_12 = vector.multi_reduction <maximumf>, %select_n3A, %reduce_max3A [0] : vector<16x128x512xf32> to vector<128x512xf32>
    %iota3A = tpu.iota {dimensions = array<i32: 0>} : vector<16x128x512xi32>
    %broadcast_in_dim3A_13 = vector.shape_cast %reduce_max3A_12 : vector<128x512xf32> to vector<1x128x512xf32>
    %eq3A = vector.broadcast %broadcast_in_dim3A_13 : vector<1x128x512xf32> to vector<16x128x512xf32>
    %eq3A_14 = arith.cmpf oeq, %select_n3A, %eq3A : vector<16x128x512xf32>
    %jit3A_15 = arith.constant 127 : i32
    %broadcast_in_dim3A_16 = vector.broadcast %jit3A_15 : i32 to vector<16x128x512xi32>
    %select_n3A_17 = arith.select %eq3A_14, %iota3A, %broadcast_in_dim3A_16 : vector<16x128x512xi1>, vector<16x128x512xi32>
    %reduce_min3A = arith.constant dense<2147483647> : vector<128x512xi32>
    %reduce_min3A_18 = vector.multi_reduction <minsi>, %select_n3A_17, %reduce_min3A [0] : vector<16x128x512xi32> to vector<128x512xi32>
    %eq3A_19 = arith.constant 0 : i32
    %eq3A_20 = vector.broadcast %eq3A_19 : i32 to vector<128x512xi32>
    %eq3A_21 = arith.cmpi eq, %get3A_9, %eq3A_20 : vector<128x512xi32>
    %select_n3A_22 = arith.select %eq3A_21, %reduce_min3A_18, %get3A_9 : vector<128x512xi1>, vector<128x512xi32>
    %iota3A_23 = tpu.iota {dimensions = array<i32: 0>} : vector<512x128xi32>
    %iota3A_24 = tpu.iota {dimensions = array<i32: 1>} : vector<512x128xi32>
    %mul3A = arith.constant 4 : i32
    %mul3A_25 = vector.broadcast %mul3A : i32 to vector<512x128xi32>
    %mul3A_26 = arith.muli %iota3A_24, %mul3A_25 : vector<512x128xi32>
    %eq3A_27 = arith.cmpi eq, %iota3A_23, %mul3A_26 : vector<512x128xi32>
    %convert_element_type3A = arith.extui %eq3A_27 : vector<512x128xi1> to vector<512x128xi32>
    %convert_element_type3A_28 = arith.sitofp %convert_element_type3A : vector<512x128xi32> to vector<512x128xf32>
    %iota3A_29 = tpu.iota {dimensions = array<i32: 0>} : vector<32x128xi32>
    %iota3A_30 = tpu.iota {dimensions = array<i32: 1>} : vector<32x128xi32>
    %mul3A_31 = arith.constant 4 : i32
    %mul3A_32 = vector.broadcast %mul3A_31 : i32 to vector<32x128xi32>
    %mul3A_33 = arith.muli %iota3A_29, %mul3A_32 : vector<32x128xi32>
    %eq3A_34 = arith.cmpi eq, %iota3A_30, %mul3A_33 : vector<32x128xi32>
    %convert_element_type3A_35 = arith.extui %eq3A_34 : vector<32x128xi1> to vector<32x128xi32>
    %convert_element_type3A_36 = arith.sitofp %convert_element_type3A_35 : vector<32x128xi32> to vector<32x128xf32>
    %convert_element_type3A_37 = arith.sitofp %select_n3A_22 : vector<128x512xi32> to vector<128x512xf32>
    %dot_general3A = arith.constant dense<0.000000e+00> : vector<128x128xf32>
    %dot_general3A_38 = tpu.matmul %convert_element_type3A_37, %convert_element_type3A_28, %dot_general3A {dimension_numbers = #tpu.dot_dimension_numbers<[1], [0], [0], [1], [0, 0, 1, 1], [], []>, transpose_lhs_hint = false} : vector<128x512xf32>, vector<512x128xf32>, vector<128x128xf32> -> vector<128x128xf32>
    %dot_general3A_39 = arith.constant dense<0.000000e+00> : vector<32x128xf32>
    %dot_general3A_40 = tpu.matmul %convert_element_type3A_36, %dot_general3A_38, %dot_general3A_39 {dimension_numbers = #tpu.dot_dimension_numbers<[1], [0], [0], [1], [0, 0, 1, 1], [], []>, transpose_lhs_hint = false} : vector<32x128xf32>, vector<128x128xf32>, vector<32x128xf32> -> vector<32x128xf32>
    %convert_element_type3A_41 = arith.fptosi %dot_general3A_40 : vector<32x128xf32> to vector<32x128xi32>
    %iota3A_42 = tpu.iota {dimensions = array<i32: 0>} : vector<20x32x128xi32>
    %broadcast_in_dim3A_43 = vector.shape_cast %convert_element_type3A_41 : vector<32x128xi32> to vector<1x32x128xi32>
    %add3A = arith.constant 1 : i32
    %add3A_44 = vector.broadcast %add3A : i32 to vector<20x32x128xi32>
    %add3A_45 = arith.addi %iota3A_42, %add3A_44 : vector<20x32x128xi32>
    %eq3A_46 = vector.broadcast %broadcast_in_dim3A_43 : vector<1x32x128xi32> to vector<20x32x128xi32>
    %eq3A_47 = arith.cmpi eq, %eq3A_46, %add3A_45 : vector<20x32x128xi32>
    %convert_element_type3A_48 = arith.extui %eq3A_47 : vector<20x32x128xi1> to vector<20x32x128xi32>
    %convert_element_type3A_49 = arith.sitofp %convert_element_type3A_48 : vector<20x32x128xi32> to vector<20x32x128xf32>
    %iota3A_50 = tpu.iota {dimensions = array<i32: 0>} : vector<128x128xi32>
    %iota3A_51 = tpu.iota {dimensions = array<i32: 1>} : vector<128x128xi32>
    %le3A = arith.cmpi sle, %iota3A_50, %iota3A_51 : vector<128x128xi32>
    %convert_element_type3A_52 = arith.extui %le3A : vector<128x128xi1> to vector<128x128xi32>
    %convert_element_type3A_53 = arith.sitofp %convert_element_type3A_52 : vector<128x128xi32> to vector<128x128xf32>
    %iota3A_54 = tpu.iota {dimensions = array<i32: 0>} : vector<32x32xi32>
    %iota3A_55 = tpu.iota {dimensions = array<i32: 1>} : vector<32x32xi32>
    %lt3A_56 = arith.cmpi slt, %iota3A_54, %iota3A_55 : vector<32x32xi32>
    %convert_element_type3A_57 = arith.extui %lt3A_56 : vector<32x32xi1> to vector<32x32xi32>
    %convert_element_type3A_58 = arith.sitofp %convert_element_type3A_57 : vector<32x32xi32> to vector<32x32xf32>
    %reshape3A = vector.shape_cast %convert_element_type3A_49 : vector<20x32x128xf32> to vector<640x128xf32>
    %dot_general3A_59 = arith.constant dense<0.000000e+00> : vector<640x128xf32>
    %dot_general3A_60 = tpu.matmul %reshape3A, %convert_element_type3A_53, %dot_general3A_59 {dimension_numbers = #tpu.dot_dimension_numbers<[1], [0], [0], [1], [0, 0, 1, 1], [], []>, transpose_lhs_hint = false} : vector<640x128xf32>, vector<128x128xf32>, vector<640x128xf32> -> vector<640x128xf32>
    %reshape3A_61 = vector.shape_cast %dot_general3A_60 : vector<640x128xf32> to vector<20x32x128xf32>
    %slice3A = vector.extract_strided_slice %reshape3A_61 {offsets = [0, 0, 127], sizes = [20, 32, 1], strides = [1, 1, 1]} : vector<20x32x128xf32> to vector<20x32x1xf32>
    %squeeze3A = vector.shape_cast %slice3A : vector<20x32x1xf32> to vector<20x32xf32>
    %dot_general3A_62 = arith.constant dense<0.000000e+00> : vector<20x32xf32>
    %dot_general3A_63 = tpu.matmul %squeeze3A, %convert_element_type3A_58, %dot_general3A_62 {dimension_numbers = #tpu.dot_dimension_numbers<[1], [0], [0], [1], [0, 0, 1, 1], [], []>, transpose_lhs_hint = false} : vector<20x32xf32>, vector<32x32xf32>, vector<20x32xf32> -> vector<20x32xf32>
    %eq3A_64 = arith.constant 0 : i32
    %eq3A_65 = arith.cmpi eq, %arg1, %eq3A_64 : i32
    %convert_element_type3A_66 = arith.extui %eq3A_65 : i1 to i32
    %cond3A = arith.constant 0 : i32
    %cond3A_67 = arith.cmpi ne, %convert_element_type3A_66, %cond3A : i32
    scf.if %cond3A_67 {
      %broadcast_in_dim3A_119 = arith.constant 0.000000e+00 : f32
      %broadcast_in_dim3A_120 = vector.broadcast %broadcast_in_dim3A_119 : f32 to vector<20x1xf32>
      %swap3A_121 = arith.constant 0 : index
      %swap3A_122 = arith.constant 0 : index
      %swap3A_123 = vector.load %arg6[%swap3A_121, %swap3A_122] : memref<20x1xf32, #tpu.memory_space<vmem>>, vector<20x1xf32>
      tpu.vector_store %arg6[%swap3A_121, %swap3A_122], %broadcast_in_dim3A_120 {strides = array<i32>} : memref<20x1xf32, #tpu.memory_space<vmem>>, vector<20x1xf32>,
    } else {
    }
    %get3A_68 = arith.constant 0 : index
    %get3A_69 = arith.constant 0 : index
    %get3A_70 = vector.load %arg6[%get3A_68, %get3A_69] : memref<20x1xf32, #tpu.memory_space<vmem>>, vector<20x1xf32>
    %broadcast_in_dim3A_71 = vector.shape_cast %get3A_70 : vector<20x1xf32> to vector<20x1x1xf32>
    %broadcast_in_dim3A_72 = vector.shape_cast %dot_general3A_63 : vector<20x32xf32> to vector<20x32x1xf32>
    %add3A_73 = vector.broadcast %broadcast_in_dim3A_71 : vector<20x1x1xf32> to vector<20x32x1xf32>
    %add3A_74 = arith.addf %add3A_73, %broadcast_in_dim3A_72 : vector<20x32x1xf32>
    %add3A_75 = vector.broadcast %add3A_74 : vector<20x32x1xf32> to vector<20x32x128xf32>
    %add3A_76 = arith.addf %add3A_75, %reshape3A_61 : vector<20x32x128xf32>
    %convert_element_type3A_77 = arith.fptosi %add3A_76 : vector<20x32x128xf32> to vector<20x32x128xi32>
    %sub3A = arith.constant 1 : i32
    %sub3A_78 = vector.broadcast %sub3A : i32 to vector<20x32x128xi32>
    %sub3A_79 = arith.subi %convert_element_type3A_77, %sub3A_78 : vector<20x32x128xi32>
    %and3A = arith.constant 255 : i32
    %and3A_80 = vector.broadcast %and3A : i32 to vector<20x32x128xi32>
    %and3A_81 = arith.andi %sub3A_79, %and3A_80 : vector<20x32x128xi32>
    %mul3A_82 = arith.constant 256 : i32
    %mul3A_83 = vector.broadcast %mul3A_82 : i32 to vector<20x32x128xi32>
    %mul3A_84 = arith.muli %iota3A_42, %mul3A_83 : vector<20x32x128xi32>
    %add3A_85 = arith.addi %mul3A_84, %and3A_81 : vector<20x32x128xi32>
    %jit3A_86 = arith.constant 0 : i32
    %broadcast_in_dim3A_87 = vector.broadcast %jit3A_86 : i32 to vector<20x32x128xi32>
    %select_n3A_88 = arith.select %eq3A_47, %add3A_85, %broadcast_in_dim3A_87 : vector<20x32x128xi1>, vector<20x32x128xi32>
    %reduce_sum3A = arith.constant dense<0> : vector<32x128xi32>
    %reduce_sum3A_89 = vector.multi_reduction <add>, %select_n3A_88, %reduce_sum3A [0] : vector<20x32x128xi32> to vector<32x128xi32>
    %iota3A_90 = tpu.iota {dimensions = array<i32: 1>} : vector<32x128xi32>
    %and3A_91 = arith.constant 15 : i32
    %and3A_92 = vector.broadcast %and3A_91 : i32 to vector<32x128xi32>
    %and3A_93 = arith.andi %iota3A_90, %and3A_92 : vector<32x128xi32>
    %gt3A = arith.constant 0 : i32
    %gt3A_94 = vector.broadcast %gt3A : i32 to vector<32x128xi32>
    %gt3A_95 = arith.cmpi sgt, %convert_element_type3A_41, %gt3A_94 : vector<32x128xi32>
    %add3A_96 = arith.constant 5120 : i32
    %add3A_97 = vector.broadcast %add3A_96 : i32 to vector<32x128xi32>
    %add3A_98 = arith.addi %add3A_97, %and3A_93 : vector<32x128xi32>
    %select_n3A_99 = arith.select %gt3A_95, %reduce_sum3A_89, %add3A_98 : vector<32x128xi1>, vector<32x128xi32>
    %swap3A = arith.constant 0 : index
    %swap3A_100 = arith.constant 0 : index
    %swap3A_101 = arith.constant 0 : index
    %swap3A_102 = vector.load %arg4[%swap3A, %swap3A_100, %swap3A_101] : memref<1x32x128xi32, #tpu.memory_space<vmem>>, vector<1x32x128xi32>
    %swap3A_103 = vector.shape_cast %swap3A_102 : vector<1x32x128xi32> to vector<32x128xi32>
    %swap3A_104 = vector.shape_cast %select_n3A_99 : vector<32x128xi32> to vector<1x32x128xi32>
    tpu.vector_store %arg4[%swap3A, %swap3A_100, %swap3A_101], %swap3A_104 {strides = array<i32>} : memref<1x32x128xi32, #tpu.memory_space<vmem>>, vector<1x32x128xi32>,
    %reduce_sum3A_105 = arith.constant dense<0.000000e+00> : vector<20xf32>
    %reduce_sum3A_106 = vector.multi_reduction <add>, %squeeze3A, %reduce_sum3A_105 [1] : vector<20x32xf32> to vector<20xf32>
    %broadcast_in_dim3A_107 = vector.shape_cast %reduce_sum3A_106 : vector<20xf32> to vector<20x1xf32>
    %add3A_108 = arith.addf %get3A_70, %broadcast_in_dim3A_107 : vector<20x1xf32>
    %swap3A_109 = arith.constant 0 : index
    %swap3A_110 = arith.constant 0 : index
    %swap3A_111 = vector.load %arg6[%swap3A_109, %swap3A_110] : memref<20x1xf32, #tpu.memory_space<vmem>>, vector<20x1xf32>
    tpu.vector_store %arg6[%swap3A_109, %swap3A_110], %add3A_108 {strides = array<i32>} : memref<20x1xf32, #tpu.memory_space<vmem>>, vector<20x1xf32>,
    %convert_element_type3A_112 = arith.fptosi %add3A_108 : vector<20x1xf32> to vector<20x1xi32>
    %swap3A_113 = arith.constant 0 : index
    %swap3A_114 = arith.constant 0 : index
    %swap3A_115 = arith.constant 0 : index
    %swap3A_116 = vector.load %arg5[%swap3A_113, %swap3A_114, %swap3A_115] : memref<1x20x1xi32, #tpu.memory_space<vmem>>, vector<1x20x1xi32>
    %swap3A_117 = vector.shape_cast %swap3A_116 : vector<1x20x1xi32> to vector<20x1xi32>
    %swap3A_118 = vector.shape_cast %convert_element_type3A_112 : vector<20x1xi32> to vector<1x20x1xi32>
    tpu.vector_store %arg5[%swap3A_113, %swap3A_114, %swap3A_115], %swap3A_118 {strides = array<i32>} : memref<1x20x1xi32, #tpu.memory_space<vmem>>, vector<1x20x1xi32>,
    return
  }
  func.func @transform_0(%arg0: i32, %arg1: i32) -> (i32, i32, i32, i32) {
    %c0_i32 = arith.constant 0 : i32
    %c0_i32_0 = arith.constant 0 : i32
    %c0_i32_1 = arith.constant 0 : i32
    return %arg0, %c0_i32, %arg1, %c0_i32_0 : i32, i32, i32, i32
  }
  func.func @transform_1(%arg0: i32, %arg1: i32) -> (i32, i32, i32) {
    %c0_i32 = arith.constant 0 : i32
    %c0_i32_0 = arith.constant 0 : i32
    return %arg0, %arg1, %c0_i32 : i32, i32, i32
  }
  func.func @transform_2(%arg0: i32, %arg1: i32) -> (i32, i32, i32) {
    %c0_i32 = arith.constant 0 : i32
    %c0_i32_0 = arith.constant 0 : i32
    return %arg0, %arg1, %c0_i32 : i32, i32, i32
  }
  func.func @transform_3(%arg0: i32, %arg1: i32) -> (i32, i32, i32) {
    %c0_i32 = arith.constant 0 : i32
    %c0_i32_0 = arith.constant 0 : i32
    %c0_i32_1 = arith.constant 0 : i32
    return %arg0, %c0_i32, %c0_i32_0 : i32, i32, i32
  }
}

module attributes {stable_mosaic.version = 14 : i64} {
  func.func @_loss_body(%arg0: memref<20x1x256xf32, #tpu.memory_space<vmem>>, %arg1: memref<20x1x256xf32, #tpu.memory_space<vmem>>, %arg2: memref<4x20x1xi32, #tpu.memory_space<vmem>>, %arg3: memref<1x1xf32, #tpu.memory_space<vmem>>) attributes {dimension_semantics = [], scalar_prefetch = 0 : i64, scratch_operands = 0 : i64, tpu.core_type = #tpu.core_type<tc>} {
    %get3A = arith.constant 0 : index
    %get3A_0 = arith.constant 0 : index
    %get3A_1 = arith.constant 0 : index
    %get3A_2 = vector.load %arg0[%get3A, %get3A_0, %get3A_1] : memref<20x1x256xf32, #tpu.memory_space<vmem>>, vector<20x1x256xf32>
    %get3A_3 = vector.shape_cast %get3A_2 : vector<20x1x256xf32> to vector<20x256xf32>
    %get3A_4 = arith.constant 0 : index
    %get3A_5 = arith.constant 0 : index
    %get3A_6 = arith.constant 0 : index
    %get3A_7 = vector.load %arg1[%get3A_4, %get3A_5, %get3A_6] : memref<20x1x256xf32, #tpu.memory_space<vmem>>, vector<20x1x256xf32>
    %get3A_8 = vector.shape_cast %get3A_7 : vector<20x1x256xf32> to vector<20x256xf32>
    %sub3A = arith.subf %get3A_8, %get3A_3 : vector<20x256xf32>
    %add3A = arith.constant 9.99999997E-7 : f32
    %add3A_9 = vector.broadcast %add3A : f32 to vector<20x256xf32>
    %add3A_10 = arith.addf %sub3A, %add3A_9 : vector<20x256xf32>
    %integer_pow3A = arith.mulf %add3A_10, %add3A_10 : vector<20x256xf32>
    %reduce_sum3A = arith.constant dense<0.000000e+00> : vector<20xf32>
    %reduce_sum3A_11 = vector.multi_reduction <add>, %integer_pow3A, %reduce_sum3A [1] : vector<20x256xf32> to vector<20xf32>
    %broadcast_in_dim3A = vector.shape_cast %reduce_sum3A_11 : vector<20xf32> to vector<20x1xf32>
    %sqrt3A = math.sqrt %broadcast_in_dim3A : vector<20x1xf32>
    %broadcast_in_dim3A_12 = vector.shape_cast %get3A_8 : vector<20x256xf32> to vector<20x1x256xf32>
    %broadcast_in_dim3A_13 = vector.shape_cast %get3A_8 : vector<20x256xf32> to vector<1x20x256xf32>
    %sub3A_14 = vector.broadcast %broadcast_in_dim3A_12 : vector<20x1x256xf32> to vector<20x20x256xf32>
    %sub3A_15 = vector.broadcast %broadcast_in_dim3A_13 : vector<1x20x256xf32> to vector<20x20x256xf32>
    %sub3A_16 = arith.subf %sub3A_14, %sub3A_15 : vector<20x20x256xf32>
    %add3A_17 = arith.constant 9.99999997E-7 : f32
    %add3A_18 = vector.broadcast %add3A_17 : f32 to vector<20x20x256xf32>
    %add3A_19 = arith.addf %sub3A_16, %add3A_18 : vector<20x20x256xf32>
    %integer_pow3A_20 = arith.mulf %add3A_19, %add3A_19 : vector<20x20x256xf32>
    %reduce_sum3A_21 = arith.constant dense<0.000000e+00> : vector<20x20xf32>
    %reduce_sum3A_22 = vector.multi_reduction <add>, %integer_pow3A_20, %reduce_sum3A_21 [2] : vector<20x20x256xf32> to vector<20x20xf32>
    %sqrt3A_23 = math.sqrt %reduce_sum3A_22 : vector<20x20xf32>
    %get3A_24 = arith.constant 0 : index
    %get3A_25 = arith.constant 0 : index
    %get3A_26 = arith.constant 0 : index
    %get3A_27 = vector.load %arg2[%get3A_24, %get3A_25, %get3A_26] : memref<4x20x1xi32, #tpu.memory_space<vmem>>, vector<4x20x1xi32>
    %reduce_sum3A_28 = arith.constant dense<0> : vector<20x1xi32>
    %reduce_sum3A_29 = vector.multi_reduction <add>, %get3A_27, %reduce_sum3A_28 [0] : vector<4x20x1xi32> to vector<20x1xi32>
    %gt3A = arith.constant 0 : i32
    %gt3A_30 = vector.broadcast %gt3A : i32 to vector<20x1xi32>
    %gt3A_31 = arith.cmpi sgt, %reduce_sum3A_29, %gt3A_30 : vector<20x1xi32>
    %convert_element_type3A = arith.extui %gt3A_31 : vector<20x1xi1> to vector<20x1xi32>
    %convert_element_type3A_32 = arith.sitofp %convert_element_type3A : vector<20x1xi32> to vector<20x1xf32>
    %dot_general3A = arith.constant dense<0.000000e+00> : vector<20x20xf32>
    %dot_general3A_33 = tpu.matmul %convert_element_type3A_32, %convert_element_type3A_32, %dot_general3A {dimension_numbers = #tpu.dot_dimension_numbers<[1], [1], [0], [0], [0, 0, 1, 0], [], []>, transpose_lhs_hint = false} : vector<20x1xf32>, vector<20x1xf32>, vector<20x20xf32> -> vector<20x20xf32>
    %iota3A = tpu.iota {dimensions = array<i32: 0>} : vector<20x20xi32>
    %iota3A_34 = tpu.iota {dimensions = array<i32: 1>} : vector<20x20xi32>
    %eq3A = arith.cmpi eq, %iota3A, %iota3A_34 : vector<20x20xi32>
    %jit3A = arith.constant 0.000000e+00 : f32
    %jit3A_35 = arith.constant 1.000000e+00 : f32
    %broadcast_in_dim3A_36 = vector.broadcast %jit3A : f32 to vector<20x20xf32>
    %broadcast_in_dim3A_37 = vector.broadcast %jit3A_35 : f32 to vector<20x20xf32>
    %select_n3A = arith.select %eq3A, %broadcast_in_dim3A_36, %broadcast_in_dim3A_37 : vector<20x20xi1>, vector<20x20xf32>
    %mul3A = arith.mulf %dot_general3A_33, %select_n3A : vector<20x20xf32>
    %sub3A_38 = vector.broadcast %sqrt3A : vector<20x1xf32> to vector<20x20xf32>
    %sub3A_39 = arith.subf %sub3A_38, %sqrt3A_23 : vector<20x20xf32>
    %add3A_40 = arith.constant 1.000000e+00 : f32
    %add3A_41 = vector.broadcast %add3A_40 : f32 to vector<20x20xf32>
    %add3A_42 = arith.addf %sub3A_39, %add3A_41 : vector<20x20xf32>
    %max3A = arith.constant 0.000000e+00 : f32
    %max3A_43 = vector.broadcast %max3A : f32 to vector<20x20xf32>
    %max3A_44 = arith.maximumf %add3A_42, %max3A_43 : vector<20x20xf32>
    %mul3A_45 = arith.mulf %max3A_44, %mul3A : vector<20x20xf32>
    %reduce_sum3A_46 = vector.shape_cast %mul3A_45 : vector<20x20xf32> to vector<1x20x20xf32>
    %reduce_sum3A_47 = arith.constant dense<0.000000e+00> : vector<1xf32>
    %reduce_sum3A_48 = vector.multi_reduction <add>, %reduce_sum3A_46, %reduce_sum3A_47 [1, 2] : vector<1x20x20xf32> to vector<1xf32>
    %reduce_sum3A_49 = vector.shape_cast %reduce_sum3A_48 : vector<1xf32> to vector<1x1x1xf32>
    %reduce_sum3A_50 = vector.extract %reduce_sum3A_49[0, 0, 0] : f32 from vector<1x1x1xf32>
    %reduce_sum3A_51 = vector.shape_cast %convert_element_type3A_32 : vector<20x1xf32> to vector<1x20x1xf32>
    %reduce_sum3A_52 = arith.constant dense<0.000000e+00> : vector<1xf32>
    %reduce_sum3A_53 = vector.multi_reduction <add>, %reduce_sum3A_51, %reduce_sum3A_52 [1, 2] : vector<1x20x1xf32> to vector<1xf32>
    %reduce_sum3A_54 = vector.shape_cast %reduce_sum3A_53 : vector<1xf32> to vector<1x1x1xf32>
    %reduce_sum3A_55 = vector.extract %reduce_sum3A_54[0, 0, 0] : f32 from vector<1x1x1xf32>
    %gt3A_56 = arith.constant 1.500000e+00 : f32
    %gt3A_57 = arith.cmpf ogt, %reduce_sum3A_55, %gt3A_56 : f32
    %div3A = arith.divf %reduce_sum3A_50, %reduce_sum3A_55 : f32
    %sub3A_58 = arith.constant 1.000000e+00 : f32
    %sub3A_59 = arith.subf %reduce_sum3A_55, %sub3A_58 : f32
    %max3A_60 = arith.constant 1.000000e+00 : f32
    %max3A_61 = arith.maximumf %sub3A_59, %max3A_60 : f32
    %div3A_62 = arith.divf %div3A, %max3A_61 : f32
    %jit3A_63 = arith.constant 0.000000e+00 : f32
    %select_n3A_64 = arith.select %gt3A_57, %div3A_62, %jit3A_63 : f32
    %reshape3A = vector.broadcast %select_n3A_64 : f32 to vector<1x1xf32>
    %swap3A = arith.constant 0 : index
    %swap3A_65 = arith.constant 0 : index
    %swap3A_66 = vector.load %arg3[%swap3A, %swap3A_65] : memref<1x1xf32, #tpu.memory_space<vmem>>, vector<1x1xf32>
    tpu.vector_store %arg3[%swap3A, %swap3A_65], %reshape3A {strides = array<i32>} : memref<1x1xf32, #tpu.memory_space<vmem>>, vector<1x1xf32>,
    return
  }
}

</mosaic_0001>

<sc_bundles>
// kernel: kernel.6.cloned.1.call-start
scs
__scs_entry_jumppad:
0x0: {  	(pc) =	sbr.rel $0x88, $3  }
0x1: {  	(tag) =	ssettag $0x0;
	lr =	simm.s32 $0x1  }
0x2: {  	[smem:$0x3F9D] =	sst lr;
	_ =	strace $0xD0000000  }
0x3: {  	_ = 	snop  }
0x4: {  	_ = 	snop  }
0x5: {  	_ = 	snop  }
0x6: {  	_ = 	snop  }
0x7: {  	_ = 	snop  }
__scs_overlays_trampoline_lowered:
0x8: {  	[smem:$0x3FAC] =	sst s0  }
0x9: {  	[smem:$0x3FAD] =	sst s1  }
0xa: {  	[smem:$0x3FAE] =	sst s2  }
0xb: {  	[smem:$0x3FAF] =	sst s3  }
0xc: {  	[smem:$0x3FB0] =	sst s4  }
0xd: {  	[smem:$0x3FB1] =	sst s5  }
0xe: {  	[smem:$0x3FB2] =	sst s6  }
0xf: {  	[smem:$0x3FB3] =	sst s7  }
0x10: {  	[smem:$0x3FB4] =	sst s8  }
0x11: {  	[smem:$0x3FB5] =	sst s9;
	s0 =	simm.s32 @!p0 $0x0  }
0x12: {  	s1 =	sld [smem:$0x3F9B];
	s0 =	simm.s32 @p0 $0x1  }
0x13: {  	[smem:$0x3FB6] =	sst s0;
	s0 =	simm.s32 @!p1 $0x0  }
0x14: {  	s2 =	sld [smem:$0x3F9A];
	s0 =	simm.s32 @p1 $0x1  }
0x15: {  	[smem:$0x3FB7] =	sst s0;
	s0 =	simm.s32 @!p2 $0x0  }
0x16: {  	s3 =	sld [smem:$0x3FDB];
	s0 =	simm.s32 @p2 $0x1  }
0x17: {  	s4 =	simm.s32 $0x1BF5;
	[smem:$0x3FB9] =	sst s0  }
0x18: {  	s0 =	sld [smem:$0x3F9C];
	_ =	swait.ge [sflag:s4], $0x0  }
0x19: {  	s7 =	sld [smem:$0x3F9D]  }
0x1a: {  	s8 =	sadd.s32 $0xFFFFE003, lr  }
0x1b: {  	s9 =	sadd.s32 $0xFFFFFEF7, lr;
	s5 =	simm.s32 $0xFFFFFFFF;
	p2 =	slt.u32 s8, $0xFFFFF086  }
0x1c: {  	p1 =	slt.u32 s9, $0xF7A;
	s5 =	simm.s32 @!p2 $0x0  }
0x1d: {  	s5 =	simm.s32 @p1 $0x1;
	p0 =	seq.s32 s7, s2  }
0x1e: {  	s7 =	smul.u32 @!p0 $0xF7A, s2;
	p2 =	seq.s32 @!p0 s5, $0x0  }
0x1f: {  	s9 =	smul.u32 $0xF7A, s1;
	s8 =	simm.s32 @!p0 $0x1BF5;
	p2 =	por !p2, p0  }
0x20: {  	[sflag:s8] =	ssyncset.s32 @!p0 $0xFFFFF086;
	s6 =	sadd.s32 @!p0 s3, s7;
	s7 =	simm.s32 @!p0 $0x108  }
0x21: {  	s3 =	sadd.s32 s3, s9;
	s6 =	sadd.s32 @!p0 $0x88, s6;
	s7 =	simm.s32 @p2 $0x1082  }
0x22: {  	[simem:s7], [sflag:s8] =	dma.local @!p0 [hbm:s6], $0xF7A  }
0x23: {  	s9 =	sor.u32 $0xD0000000, s2;
	s6 =	simm.s32 $0x108;
	_ =	swait.ge @!p0 [sflag:s8], $0x0  }
0x24: {  	s3 =	sadd.s32 $0x88, s3;
	s6 =	simm.s32 @!p1 $0x1082;
	[sflag:s4] =	ssyncset.s32 $0xFFFFF086  }
0x25: {  	[simem:s6], [sflag:s4] =	dma.local [hbm:s3], $0xF7A  }
0x26: {  	[smem:$0x3F9D] =	sst s1;
	(tag) =	ssettag s2;
	_ =	strace s9  }
0x27: {  	s1 =	sld [smem:$0x3FAD]  }
0x28: {  	s2 =	sld [smem:$0x3FAE]  }
0x29: {  	s4 =	sld [smem:$0x3FB0]  }
0x2a: {  	p0 =	seq.s32 s5, $0x0;
	s5 =	sld [smem:$0x3FB1]  }
0x2b: {  	s6 =	sld [smem:$0x3FB2]  }
0x2c: {  	s7 =	sld [smem:$0x3FB3]  }
0x2d: {  	s3 =	simm.s32 $0x108;
	s8 =	sld [smem:$0x3FB4]  }
0x2e: {  	s3 =	simm.s32 @!p0 $0x1082;
	s9 =	sld [smem:$0x3FB5]  }
0x2f: {  	lr =	sadd.s32 s0, s3;
	s0 =	sld [smem:$0x3FAC]  }
0x30: {  	s3 =	sld [smem:$0x3FAF]  }
0x31: {  	[smem:$0x3FB8] =	sst s10  }
0x32: {  	s10 =	sld [smem:$0x3FB6];
	_ =	sdelay $0x3  }
0x33: {  	p0 =	seq.s32 s10, $0x1;
	s10 =	sld [smem:$0x3FB8];
	_ =	sdelay $0x3  }
0x34: {  	[smem:$0x3FB8] =	sst s10  }
0x35: {  	s10 =	sld [smem:$0x3FB7];
	_ =	sdelay $0x3  }
0x36: {  	p1 =	seq.s32 s10, $0x1;
	s10 =	sld [smem:$0x3FB8];
	_ =	sdelay $0x3  }
0x37: {  	[smem:$0x3FB8] =	sst s10  }
0x38: {  	s10 =	sld [smem:$0x3FB9]  }
0x39: {  	_ = 	snop;
	(pc) =	sbr.ind lr, $3  }
0x3a: {  	_ = 	snop  }
0x3b: {  	_ = 	snop  }
0x3c: {  	p2 =	seq.s32 s10, $0x1;
	s10 =	sld [smem:$0x3FB8]  }
0x3d: {  	_ =	shalt  }
0x3e: {  	_ =	shalt  }
0x3f: {  	_ =	shalt  }
0x40: {  	_ =	shalt  }
0x41: {  	_ =	shalt  }
0x42: {  	_ =	shalt  }
0x43: {  	_ =	shalt  }
0x44: {  	_ =	shalt  }
0x45: {  	_ =	shalt  }
0x46: {  	_ =	shalt  }
0x47: {  	_ =	shalt  }
0x48: {  	_ =	shalt  }
0x49: {  	_ =	shalt  }
0x4a: {  	_ =	shalt  }
0x4b: {  	_ =	shalt  }
0x4c: {  	_ =	shalt  }
0x4d: {  	_ =	shalt  }
0x4e: {  	_ =	shalt  }
0x4f: {  	_ =	shalt  }
0x50: {  	_ =	shalt  }
0x51: {  	_ =	shalt  }
0x52: {  	_ =	shalt  }
0x53: {  	_ =	shalt  }
0x54: {  	_ =	shalt  }
0x55: {  	_ =	shalt  }
0x56: {  	_ =	shalt  }
0x57: {  	_ =	shalt  }
0x58: {  	_ =	shalt  }
0x59: {  	_ =	shalt  }
0x5a: {  	_ =	shalt  }
0x5b: {  	_ =	shalt  }
0x5c: {  	_ =	shalt  }
0x5d: {  	_ =	shalt  }
0x5e: {  	_ =	shalt  }
0x5f: {  	_ =	shalt  }
0x60: {  	_ =	shalt  }
0x61: {  	_ =	shalt  }
0x62: {  	_ =	shalt  }
0x63: {  	_ =	shalt  }
0x64: {  	_ =	shalt  }
0x65: {  	_ =	shalt  }
0x66: {  	_ =	shalt  }
0x67: {  	_ =	shalt  }
0x68: {  	_ =	shalt  }
0x69: {  	_ =	shalt  }
0x6a: {  	_ =	shalt  }
0x6b: {  	_ =	shalt  }
0x6c: {  	_ =	shalt  }
0x6d: {  	_ =	shalt  }
0x6e: {  	_ =	shalt  }
0x6f: {  	_ =	shalt  }
0x70: {  	_ =	shalt  }
0x71: {  	_ =	shalt  }
0x72: {  	_ =	shalt  }
0x73: {  	_ =	shalt  }
0x74: {  	_ =	shalt  }
0x75: {  	_ =	shalt  }
0x76: {  	_ =	shalt  }
0x77: {  	_ =	shalt  }
0x78: {  	_ =	shalt  }
0x79: {  	_ =	shalt  }
0x7a: {  	_ =	shalt  }
0x7b: {  	_ =	shalt  }
0x7c: {  	_ =	shalt  }
0x7d: {  	_ =	shalt  }
0x7e: {  	_ =	shalt  }
0x7f: {  	_ =	shalt  }
0x80: {  	_ =	shalt  }
0x81: {  	_ =	shalt  }
0x82: {  	_ =	shalt  }
0x83: {  	_ =	shalt  }
0x84: {  	_ =	shalt  }
0x85: {  	_ =	shalt  }
0x86: {  	_ =	shalt  }
0x87: {  	_ =	shalt  }
.Lfunc_end0:
.L_simem_size_0:
called_computation_lowered:
.L_overlay_start_0:
0x88: {  	s2 =	sld [smem:$0x3FD9]  }
0x89: {  	s3 =	sld [smem:$0x3FFE];
	_ =	sdelay $0x1  }
0x8a: {  	s1 =	srdreg.scid  }
0x8b: {  	s0 =	sand.u32 $0x1, s1  }
0x8c: {  	s16 =	sshll.u32 s0, $0xA;
	s2 =	sadd.s32 s3, s2  }
0x8d: {  	s2 =	sadd.s32 s2, s16  }
0x8e: {  	[smem:$0x3FC4] =	sst s2  }
0x8f: {  	_ = 	snop  }
0x90: {  	(tm) =	ssettm $0x1  }
0x91: {  	s17 =	sld [smem:$0x3FFB];
	_ =	sdelay $0x3  }
0x92: {  	_ =	strace s17  }
0x93: {  	s2 =	sld [smem:$0x3FFC];
	_ =	sdelay $0x3  }
0x94: {  	_ =	strace s2  }
0x95: {  	s2 =	sld [smem:$0x3FFD];
	_ =	sdelay $0x3  }
0x96: {  	_ =	strace s2  }
0x97: {  	_ =	strace $0x8FFFFFFF  }
0x98: {  	s18 =	sld [smem:$0x3FDB];
	_ =	sdelay $0x1  }
0x99: {  	s19 =	simm.s32 $_scs_section_size  }
0x9a: {  	s4 =	simm.s32 $_size__tile_overlayer_lowered;
	s5 =	simm.s32 $_tile_overlayer_lowered  }
0x9b: {  	s22 =	simm.s32 $0x1BFF;
	s21 =	sshll.u32 s5, $0x1;
	s2 =	sadd.s32 s19, s18  }
0x9c: {  	s6 =	simm.s32 $0x0;
	s20 =	sshll.u32 s4, $0x1;
	s4 =	sadd.s32 s21, s2  }
0x9d: {  	[timem:s6], [sflag:s22] =	dma.local [hbm:s4], s20  }
0x9e: {  	_ =	swait.ge [sflag:s22], s20  }
0x9f: {  	s3 =	ssub.s32 $0x0, s20;
	[sflag:s22] =	ssyncset.done $0x0  }
0xa0: {  	[sflag:s22] =	ssyncadd.s32 s3;
	_ =	sdelay $0x1  }
0xa1: {  	s23 =	simm.s32 $0x1B8B  }
0xa2: {  	_ =	swait.ge [sflag:s23], $0x1  }
0xa3: {  	[sflag:s23] =	ssyncset.done $0x0  }
0xa4: {  	s25 =	simm.s32 $0x1B8E;
	s24 =	sld [smem:$0x3FFE];
	[sflag:s23] =	ssyncadd.s32 $0xFFFFFFFF  }
0xa5: {  	s26 =	simm.s32 $execute0_lowered;
	[smem:$0x3FD2] =	sst s25  }
0xa6: {  	s4 =	sshll.u32 s26, $0x1;
	_ =	strace $0x80000046;
	[dreg:$0x1] =	wrdreg $0xFFFFFFFF  }
0xa7: {  	s28 =	simm.s32 $_size_execute0_lowered;
	s2 =	sadd.s32 s2, s4;
	[dreg:$0x0] =	wrdreg $0x0  }
0xa8: {  	s4 =	sshll.u32 s28, $0x1;
	[dreg:$0x2] =	wrdreg s2  }
0xa9: {  	[dreg:$0x3] =	wrdreg s4  }
0xaa: {  	[dreg:$0x4] =	wrdreg $0xC0  }
0xab: {  	_ =	task [dreg:s6], $0x5FFFF  }
0xac: {  	[dreg:$0x1] =	wrdreg $0xFFFFFFFF  }
0xad: {  	[dreg:$0x0] =	wrdreg $0x60  }
0xae: {  	[dreg:$0x2] =	wrdreg s24  }
0xaf: {  	[dreg:$0x3] =	wrdreg $0x9  }
0xb0: {  	_ =	task.clear_ibuf [dreg:s6], $0x4FFFF;
	_ =	strace $0x90000046  }
0xb1: {  	s29 =	simm.s32 $0x9;
	_ =	strace $0x80000048  }
0xb2: {  	_ =	swait.ge [sflag:s29], $0x1  }
0xb3: {  	[sflag:s29] =	ssyncadd.s32 $0xFFFFFFFF  }
0xb4: {  	_ =	strace $0x90000048  }
0xb5: {  	_ =	sfence  }
0xb6: {  	s30 =	sld [smem:$0x0];
	_ =	sdelay $0x2  }
0xb7: {  	s31 =	sshll.u32 s1, $0xD;
	s1 =	sshrl.u32 s1, $0x2  }
0xb8: {  	s3 =	sand.u32 $0x4000, s31;
	s1 =	sadd.s32 s1, s30  }
0xb9: {  	s0 =	sor.u32 s3, s0;
	s1 =	sshll.u32 s1, $0x11  }
0xba: {  	s0 =	sor.u32 s1, s0  }
0xbb: {  	s0 =	sadd.s32 $0x8F2B, s0  }
0xbc: {  	[sflag:s0] =	ssyncadd.remote.s32 $0x1  }
0xbd: {  	_ =	sfence.sel $0xFFFF  }
0xbe: {  	[dreg:$0x0] =	wrdreg $0xFFFFFFFF;
	(pc) =	sbr.abs _section_cstart, $3  }
0xbf: {  	[dreg:$0x1] =	wrdreg $0xFFFFFFFF  }
0xc0: {  	_ =	task.clear_ibuf [dreg:s6], $0x2FFFF;
	_ =	strace $0x9FFFFFFF  }
0xc1: {  	(tm) =	ssettm $0x7FFFFFFF  }
tec
execute0_lowered:
.L_overlay_start_1:
0x0: {  	(tag) =	ssettag $0x1  }
0x1: {  	s0 =	rddreg [dreg:$0x0]  }
0x2: {  	s1 =	simm.s32 $0x0;
	s4 =	stileid.u32;
	s21 =	srdreg.scid  }
0x3: {  	s16 =	simm.s32 $0x80;
	s19 =	simm.s32 $0x400;
	s29 =	simm.s32 $0x12000  }
0x4: {  	s30 =	simm.s32 $0x14000;
	s31 =	simm.s32 $0x15480;
	s17 =	simm.s32 $0x19200  }
0x5: {  	s13 =	simm.s32 $0x0;
	[smem:$0x7FF] =	sst s1;
	s3 =	sadd.s32 $0x3400, s0  }
0x6: {  	s2 =	sshll.u32 s4, $0x1;
	s8 =	sshrl.u32 s4, $0x2;
	s1 =	sand.u32 $0x1, s21  }
0x7: {  	s4 =	sadd.s32 $0x203400, s0;
	_ =	strace $0x80000047;
	s2 =	sand.u32 $0x6, s2  }
0x8: {  	s6 =	sshll.u32 s8, $0x4;
	s5 =	sshll.u32 s8, $0x16;
	s8 =	smul.u32 $0x148000, s8  }
0x9: {  	s2 =	sor.u32 s1, s2;
	s1 =	ssub.s32 $0x2, s1;
	s9 =	sadd.s32 s6, s0  }
0xa: {  	s6 =	sadd.s32 $0x403400, s0;
	s7 =	sshll.u32 s2, $0x13;
	s10 =	sshrl.u32 s1, $0x1  }
0xb: {  	s9 =	sadd.s32 $0x1400, s9;
	s14 =	sadd.s32 $0x520000, s8;
	s7 =	sor.u32 s5, s7  }
0xc: {  	s22 =	ssub.s32 s1, s10;
	[dreg:$0x2] =	wrdreg s9;
	s9 =	simm.s32 $0x1BB00  }
0xd: {  	s10 =	simm.s32 $0x1CF80;
	s23 =	sshrl.u32 s7, $0x3;
	s0 =	smax.u32 s22, $0x1  }
0xe: {  	s7 =	sshll.u32 s2, $0x5;
	s25 =	sadd.s32 s3, s23;
	[dreg:$0x7] =	wrdreg s0  }
0xf: {  	s24 =	sor.u32 $0x10, s23;
	s1 =	sadd.s32 s4, s23;
	[dreg:$0x3] =	wrdreg s25  }
0x10: {  	s2 =	simm.s32 $0x1A680;
	s26 =	sadd.s32 s3, s24;
	[dreg:$0x5] =	wrdreg s1  }
0x11: {  	s0 =	simm.s32 $0x16900;
	s28 =	sadd.s32 s4, s24;
	[dreg:$0x4] =	wrdreg s26  }
0x12: {  	v0 =	vimm.f32 $0.0e+00;
	s24 =	simm.s32 $0x1;
	s1 =	simm.s32 $0x17D80;
	[dreg:$0x6] =	wrdreg s28  }
.LBB2_1:
0x13: {  	[dreg:$0x8] =	wrdreg s13;
	s11 =	simm.s32 $0x0  }
0x14: {  	s12 =	rddreg [dreg:$0x2];
	s28 =	simm.s32 $0x200;
	s15 =	simm.s32 $0x3  }
0x15: {  	[tilespmem:s11], [sflag:$0x3] =	stream.strided.gather [hbm4b:s12+s16], $0x4000, s28, s16, $0x38;
	[tilespmem:$0x1E400] =	vst v63  }
0x16: {  	_ =	swait.ge [sflag:s15], $0x4000  }
0x17: {  	[sflag:s15] =	ssyncset.done $0x0  }
0x18: {  	s20 =	simm.s32 $0x4000;
	s18 =	rddreg [dreg:$0x3];
	[sflag:s15] =	ssyncadd.s32 $0xFFFFC000  }
0x19: {  	[tilespmem:s20], [sflag:$0x1] =	stream.strided.gather [hbm4b:s18+s16], $0x2000, s19, s16, $0x38;
	[tilespmem:$0x1E400] =	vst v63  }
0x1a: {  	s22 =	simm.s32 $0x8000;
	s21 =	rddreg [dreg:$0x4]  }
0x1b: {  	[tilespmem:s22], [sflag:$0x1] =	stream.strided.gather [hbm4b:s21+s16], $0x2000, s19, s16, $0x38;
	[tilespmem:$0x1E400] =	vst v63  }
0x1c: {  	s25 =	simm.s32 $0xC000;
	s23 =	rddreg [dreg:$0x5]  }
0x1d: {  	[tilespmem:s25], [sflag:$0x1] =	stream.strided.gather [hbm4b:s23+s16], $0x2000, s19, s16, $0x38;
	[tilespmem:$0x1E400] =	vst v63  }
0x1e: {  	s13 =	simm.s32 $0x0;
	s28 =	simm.s32 $0x10000;
	s26 =	rddreg [dreg:$0x6]  }
0x1f: {  	[tilespmem:s28], [sflag:$0x1] =	stream.strided.gather [hbm4b:s26+s16], $0x2000, s19, s16, $0x38;
	[tilespmem:$0x1E400] =	vst v63  }
.LBB2_2:
0x20: {  	p0 =	seq.s32 s13, $0x0  }
0x21: {  	s11 =	simm.s32 @!p0 $0x2  }
0x22: {  	_ =	swait.ge @!p0 [sflag:s11], $0x1480  }
0x23: {  	[sflag:s11] =	ssyncset.done @!p0 $0x0  }
0x24: {  	[sflag:s11] =	ssyncadd.s32 @!p0 $0xFFFFEB80  }
0x25: {  	_ =	swait.ge @!p0 [sflag:s11], $0x1480  }
0x26: {  	[sflag:s11] =	ssyncset.done @!p0 $0x0  }
0x27: {  	[sflag:s11] =	ssyncadd.s32 @!p0 $0xFFFFEB80  }
0x28: {  	_ =	swait.ge @!p0 [sflag:s11], $0x1480  }
0x29: {  	[sflag:s11] =	ssyncset.done @!p0 $0x0  }
0x2a: {  	[sflag:s11] =	ssyncadd.s32 @!p0 $0xFFFFEB80  }
0x2b: {  	_ =	swait.ge @!p0 [sflag:s11], $0x1480  }
0x2c: {  	[sflag:s11] =	ssyncset.done @!p0 $0x0  }
0x2d: {  	[sflag:s11] =	ssyncadd.s32 @!p0 $0xFFFFEB80;
	s11 =	simm.s32 $0x14010  }
0x2e: {  	[tilespmem:s11+$0x0] =	vst v0  }
0x2f: {  	[tilespmem:s11+$0xFFFFFFF0] =	vst v0  }
0x30: {  	s12 =	simm.s32 $0x154A0;
	[tilespmem:s11+$0x10] =	vst v0  }
0x31: {  	[tilespmem:s12+$0x0] =	vst v0  }
0x32: {  	[tilespmem:s12+$0xFFFFFFF0] =	vst v0  }
0x33: {  	s21 =	simm.s32 $0x16920;
	[tilespmem:s12+$0xFFFFFFE0] =	vst v0  }
0x34: {  	[tilespmem:s21+$0x0] =	vst v0  }
0x35: {  	s18 =	simm.s32 $0x17DA0;
	[tilespmem:s21+$0xFFFFFFF0] =	vst v0  }
0x36: {  	s20 =	sshll.u32 s13, $0x2;
	s15 =	sshll.u32 s13, $0x1;
	s22 =	simm.s32 $0x0;
	[tilespmem:s18+$0x0] =	vst v0  }
0x37: {  	s23 =	simm.s32 $0x16950;
	s25 =	simm.s32 $0x17DD0;
	s20 =	sadd.s32 s7, s20;
	[tilespmem:s18+$0xFFFFFFF0] =	vst v0  }
.LBB2_3:
0x38: {  	s22 =	sadd.s32 $0x30, s22;
	[tilespmem:s21+$0xFFFFFFE0] =	vst v0;
	s11 =	sadd.s32 $0x30, s11;
	s12 =	sadd.s32 $0x30, s12  }
0x39: {  	s21 =	smov.u32 s23;
	p1 =	slt.u32 s22, $0x13E0;
	[tilespmem:s18+$0xFFFFFFE0] =	vst v0;
	s18 =	smov.u32 s25  }
0x3a: {  	[tilespmem:s11+$0x0] =	vst v0  }
0x3b: {  	[tilespmem:s11+$0xFFFFFFF0] =	vst v0  }
0x3c: {  	[tilespmem:s11+$0x10] =	vst v0  }
0x3d: {  	[tilespmem:s12+$0x0] =	vst v0  }
0x3e: {  	[tilespmem:s23+$0x0] =	vst v0  }
.Ltmp0:
0x3f: {  	[tilespmem:s25+$0x0] =	vst v0;
	(pc) =	sbr.rel @p1 .LBB2_3-.Ltmp0, $4  }
0x40: {  	[tilespmem:s12+$0xFFFFFFF0] =	vst v0  }
0x41: {  	[tilespmem:s23+$0xFFFFFFF0] =	vst v0  }
0x42: {  	[tilespmem:s25+$0xFFFFFFF0] =	vst v0  }
0x43: {  	s23 =	sadd.s32 $0x30, s23;
	s25 =	sadd.s32 $0x30, s25;
	[tilespmem:s12+$0xFFFFFFE0] =	vst v0  }
0x44: {  	[tilespmem:s21+$0xFFFFFFE0] =	vst v0  }
0x45: {  	[tilespmem:s18+$0xFFFFFFE0] =	vst v0  }
0x46: {  	_ =	swait.ge [sflag:s24], $0x2000  }
0x47: {  	[sflag:s24] =	ssyncset.done $0x0  }
0x48: {  	[sflag:s24] =	ssyncadd.s32 $0xFFFFE000  }
0x49: {  	s11 =	sshrl.u32 s20, $0x3;
	_ =	swait.ge [sflag:s24], $0x2000  }
0x4a: {  	s12 =	sshll.u32 s13, $0x9;
	s25 =	sshll.u32 s11, $0x11;
	[sflag:s24] =	ssyncset.done $0x0  }
0x4b: {  	s12 =	sand.u32 $0x200, s12;
	s26 =	sadd.s32 s5, s25;
	[sflag:s24] =	ssyncadd.s32 $0xFFFFE000  }
0x4c: {  	s18 =	sor.u32 s12, s26;
	_ =	swait.ge [sflag:s24], $0x2000  }
0x4d: {  	s18 =	sshrl.u32 s18, $0x3;
	[sflag:s24] =	ssyncset.done $0x0  }
0x4e: {  	s22 =	sor.u32 $0x2000, s18;
	s18 =	sor.u32 $0x80, s12;
	[sflag:s24] =	ssyncadd.s32 $0xFFFFE000  }
0x4f: {  	s21 =	sor.u32 s18, s26;
	_ =	swait.ge [sflag:s24], $0x2000  }
0x50: {  	s25 =	simm.s32 $0x6000;
	s21 =	sshrl.u32 s21, $0x3;
	[sflag:s24] =	ssyncset.done $0x0  }
0x51: {  	s23 =	sadd.s32 s3, s22;
	s21 =	sor.u32 $0x2000, s21;
	[sflag:s24] =	ssyncadd.s32 $0xFFFFE000  }
0x52: {  	[tilespmem:s25], [sflag:$0x1] =	stream.strided.gather [hbm4b:s23+s16], $0x2000, s19, s16, $0x38;
	[tilespmem:$0x1E400] =	vst v63  }
0x53: {  	s26 =	simm.s32 $0xA000;
	s25 =	sadd.s32 s3, s21  }
0x54: {  	[tilespmem:s26], [sflag:$0x1] =	stream.strided.gather [hbm4b:s25+s16], $0x2000, s19, s16, $0x38;
	[tilespmem:$0x1E400] =	vst v63  }
0x55: {  	s22 =	sadd.s32 s4, s22;
	s25 =	simm.s32 $0xE000  }
0x56: {  	[tilespmem:s25], [sflag:$0x1] =	stream.strided.gather [hbm4b:s22+s16], $0x2000, s19, s16, $0x38;
	[tilespmem:$0x1E400] =	vst v63  }
0x57: {  	s21 =	sadd.s32 s4, s21;
	s26 =	simm.s32 $0x40  }
0x58: {  	[tilespmem:s29], [sflag:$0x1] =	stream.strided.gather [hbm4b:s21+s16], $0x2000, s19, s16, $0x38;
	[tilespmem:$0x1E400] =	vst v63  }
0x59: {  	v1 =	vld [tilespmem:s26+$0x30]  }
0x5a: {  	v2 =	vld [tilespmem:s26+$0xFFFFFFD0]  }
0x5b: {  	s21 =	simm.s32 $0x4040;
	v3 =	vld [tilespmem:s26+$0xFFFFFFE0]  }
0x5c: {  	v4 =	vld [tilespmem:s21+$0x30]  }
0x5d: {  	v5 =	vld [tilespmem:s26+$0xFFFFFFF0]  }
0x5e: {  	v6 =	vld [tilespmem:s26+$0x0]  }
0x5f: {  	v7 =	vld [tilespmem:s26+$0x10]  }
0x60: {  	v8 =	vld [tilespmem:s26+$0x20]  }
0x61: {  	v9 =	vld [tilespmem:s26+$0xFFFFFFC0]  }
0x62: {  	v10 =	vld [tilespmem:s21+$0xFFFFFFC0]  }
0x63: {  	v11 =	vld [tilespmem:s21+$0xFFFFFFD0]  }
0x64: {  	v12 =	vld [tilespmem:s21+$0xFFFFFFE0]  }
0x65: {  	v13 =	vld [tilespmem:s21+$0xFFFFFFF0]  }
0x66: {  	v14 =	vld [tilespmem:s21+$0x0]  }
0x67: {  	v15 =	vld [tilespmem:s21+$0x10]  }
0x68: {  	v16 =	vld [tilespmem:s21+$0x20]  }
0x69: {  	[tilespmem:v1+s30+$0x0] =	vst.idx.add.f32.msk $0xffff, v4  }
0x6a: {  	[tilespmem:v9+s30+$0x0] =	vst.idx.add.f32.msk $0xffff, v10  }
0x6b: {  	[tilespmem:v2+s30+$0x0] =	vst.idx.add.f32.msk $0xffff, v11  }
0x6c: {  	[tilespmem:v3+s30+$0x0] =	vst.idx.add.f32.msk $0xffff, v12  }
0x6d: {  	[tilespmem:v5+s30+$0x0] =	vst.idx.add.f32.msk $0xffff, v13  }
0x6e: {  	[tilespmem:v6+s30+$0x0] =	vst.idx.add.f32.msk $0xffff, v14  }
0x6f: {  	[tilespmem:v7+s30+$0x0] =	vst.idx.add.f32.msk $0xffff, v15  }
0x70: {  	s22 =	simm.s32 $0x8040;
	[tilespmem:v8+s30+$0x0] =	vst.idx.add.f32.msk $0xffff, v16  }
0x71: {  	v4 =	vld [tilespmem:s22+$0x30]  }
0x72: {  	v58 =	vld [tilespmem:s22+$0xFFFFFFD0]  }
0x73: {  	v59 =	vld [tilespmem:s22+$0xFFFFFFE0]  }
0x74: {  	v60 =	vld [tilespmem:s22+$0xFFFFFFF0]  }
0x75: {  	v61 =	vld [tilespmem:s22+$0x0]  }
0x76: {  	v62 =	vld [tilespmem:s22+$0x10]  }
0x77: {  	v63 =	vld [tilespmem:s22+$0x20]  }
0x78: {  	[tilespmem:v1+s31+$0x0] =	vst.idx.add.f32.msk $0xffff, v4  }
0x79: {  	[tilespmem:v2+s31+$0x0] =	vst.idx.add.f32.msk $0xffff, v58  }
0x7a: {  	[tilespmem:v3+s31+$0x0] =	vst.idx.add.f32.msk $0xffff, v59  }
0x7b: {  	[tilespmem:v5+s31+$0x0] =	vst.idx.add.f32.msk $0xffff, v60  }
0x7c: {  	[tilespmem:v6+s31+$0x0] =	vst.idx.add.f32.msk $0xffff, v61  }
0x7d: {  	[tilespmem:v7+s31+$0x0] =	vst.idx.add.f32.msk $0xffff, v62  }
0x7e: {  	s23 =	simm.s32 $0xC040;
	[tilespmem:v8+s31+$0x0] =	vst.idx.add.f32.msk $0xffff, v63  }
0x7f: {  	v4 =	vld [tilespmem:s23+$0x30]  }
0x80: {  	v10 =	vld [tilespmem:s23+$0xFFFFFFE0]  }
0x81: {  	v11 =	vld [tilespmem:s23+$0xFFFFFFF0]  }
0x82: {  	v12 =	vld [tilespmem:s23+$0x0]  }
0x83: {  	v13 =	vld [tilespmem:s23+$0x10]  }
0x84: {  	v14 =	vld [tilespmem:s23+$0x20]  }
0x85: {  	[tilespmem:v1+s0+$0x0] =	vst.idx.add.f32.msk $0xffff, v4  }
0x86: {  	[tilespmem:v3+s0+$0x0] =	vst.idx.add.f32.msk $0xffff, v10  }
0x87: {  	[tilespmem:v5+s0+$0x0] =	vst.idx.add.f32.msk $0xffff, v11  }
0x88: {  	s25 =	simm.s32 $0x10040;
	[tilespmem:v6+s0+$0x0] =	vst.idx.add.f32.msk $0xffff, v12  }
0x89: {  	v4 =	vld [tilespmem:s25+$0x30]  }
0x8a: {  	[tilespmem:v7+s0+$0x0] =	vst.idx.add.f32.msk $0xffff, v13  }
0x8b: {  	[tilespmem:v8+s0+$0x0] =	vst.idx.add.f32.msk $0xffff, v14  }
0x8c: {  	v10 =	vld [tilespmem:s25+$0xFFFFFFE0]  }
0x8d: {  	v11 =	vld [tilespmem:s25+$0xFFFFFFF0]  }
0x8e: {  	[tilespmem:v1+s1+$0x0] =	vst.idx.add.f32.msk $0xffff, v4  }
0x8f: {  	v1 =	vld [tilespmem:s22+$0xFFFFFFC0]  }
0x90: {  	v12 =	vld [tilespmem:s25+$0x0]  }
0x91: {  	v13 =	vld [tilespmem:s25+$0x10]  }
0x92: {  	v14 =	vld [tilespmem:s25+$0x20]  }
0x93: {  	v4 =	vld [tilespmem:s23+$0xFFFFFFD0]  }
0x94: {  	[tilespmem:v9+s31+$0x0] =	vst.idx.add.f32.msk $0xffff, v1  }
0x95: {  	v1 =	vld [tilespmem:s23+$0xFFFFFFC0]  }
0x96: {  	[tilespmem:v3+s1+$0x0] =	vst.idx.add.f32.msk $0xffff, v10  }
0x97: {  	[tilespmem:v5+s1+$0x0] =	vst.idx.add.f32.msk $0xffff, v11  }
0x98: {  	[tilespmem:v2+s0+$0x0] =	vst.idx.add.f32.msk $0xffff, v4  }
0x99: {  	v4 =	vld [tilespmem:s25+$0xFFFFFFD0]  }
0x9a: {  	[tilespmem:v9+s0+$0x0] =	vst.idx.add.f32.msk $0xffff, v1  }
0x9b: {  	v1 =	vld [tilespmem:s25+$0xFFFFFFC0]  }
0x9c: {  	[tilespmem:v6+s1+$0x0] =	vst.idx.add.f32.msk $0xffff, v12  }
0x9d: {  	[tilespmem:v7+s1+$0x0] =	vst.idx.add.f32.msk $0xffff, v13  }
0x9e: {  	[tilespmem:v8+s1+$0x0] =	vst.idx.add.f32.msk $0xffff, v14  }
0x9f: {  	[tilespmem:v2+s1+$0x0] =	vst.idx.add.f32.msk $0xffff, v4  }
0xa0: {  	s28 =	simm.s32 $0xC0;
	s26 =	simm.s32 $0x0;
	[tilespmem:v9+s1+$0x0] =	vst.idx.add.f32.msk $0xffff, v1  }
.LBB2_5:
0xa1: {  	v7 =	vld [tilespmem:s28+$0x30];
	s26 =	sadd.s32 $0x80, s26  }
0xa2: {  	v1 =	vld [tilespmem:s28+$0xFFFFFFD0];
	p1 =	slt.u32 s26, $0x1F80  }
0xa3: {  	s21 =	sadd.s32 $0x80, s21;
	v2 =	vld [tilespmem:s28+$0xFFFFFFE0]  }
0xa4: {  	v8 =	vld [tilespmem:s21+$0x30]  }
0xa5: {  	v3 =	vld [tilespmem:s28+$0xFFFFFFF0]  }
0xa6: {  	v4 =	vld [tilespmem:s28+$0x0]  }
0xa7: {  	v5 =	vld [tilespmem:s28+$0x10]  }
0xa8: {  	v6 =	vld [tilespmem:s28+$0x20]  }
0xa9: {  	s22 =	sadd.s32 $0x80, s22;
	[tilespmem:v7+s30+$0x0] =	vst.idx.add.f32.msk $0xffff, v8  }
0xaa: {  	v8 =	vld [tilespmem:s22+$0x30]  }
0xab: {  	v9 =	vld [tilespmem:s28+$0xFFFFFFC0]  }
0xac: {  	v10 =	vld [tilespmem:s21+$0xFFFFFFC0]  }
0xad: {  	v11 =	vld [tilespmem:s21+$0xFFFFFFD0]  }
0xae: {  	v12 =	vld [tilespmem:s21+$0xFFFFFFE0]  }
0xaf: {  	s23 =	sadd.s32 $0x80, s23;
	[tilespmem:v7+s31+$0x0] =	vst.idx.add.f32.msk $0xffff, v8  }
0xb0: {  	v8 =	vld [tilespmem:s23+$0x30]  }
0xb1: {  	v13 =	vld [tilespmem:s21+$0xFFFFFFF0]  }
0xb2: {  	v14 =	vld [tilespmem:s21+$0x0]  }
0xb3: {  	v15 =	vld [tilespmem:s21+$0x10]  }
0xb4: {  	v16 =	vld [tilespmem:s21+$0x20]  }
0xb5: {  	s25 =	sadd.s32 $0x80, s25;
	[tilespmem:v7+s0+$0x0] =	vst.idx.add.f32.msk $0xffff, v8  }
0xb6: {  	v8 =	vld [tilespmem:s25+$0x30]  }
0xb7: {  	[tilespmem:v9+s30+$0x0] =	vst.idx.add.f32.msk $0xffff, v10  }
0xb8: {  	[tilespmem:v1+s30+$0x0] =	vst.idx.add.f32.msk $0xffff, v11  }
0xb9: {  	[tilespmem:v2+s30+$0x0] =	vst.idx.add.f32.msk $0xffff, v12  }
0xba: {  	[tilespmem:v3+s30+$0x0] =	vst.idx.add.f32.msk $0xffff, v13  }
0xbb: {  	[tilespmem:v7+s1+$0x0] =	vst.idx.add.f32.msk $0xffff, v8  }
0xbc: {  	[tilespmem:v4+s30+$0x0] =	vst.idx.add.f32.msk $0xffff, v14  }
0xbd: {  	[tilespmem:v5+s30+$0x0] =	vst.idx.add.f32.msk $0xffff, v15  }
0xbe: {  	[tilespmem:v6+s30+$0x0] =	vst.idx.add.f32.msk $0xffff, v16  }
0xbf: {  	v7 =	vld [tilespmem:s22+$0xFFFFFFC0]  }
0xc0: {  	v8 =	vld [tilespmem:s22+$0xFFFFFFD0]  }
0xc1: {  	v10 =	vld [tilespmem:s22+$0xFFFFFFE0]  }
0xc2: {  	v11 =	vld [tilespmem:s22+$0xFFFFFFF0]  }
0xc3: {  	v12 =	vld [tilespmem:s22+$0x0]  }
0xc4: {  	v13 =	vld [tilespmem:s22+$0x10]  }
0xc5: {  	v14 =	vld [tilespmem:s22+$0x20]  }
0xc6: {  	[tilespmem:v9+s31+$0x0] =	vst.idx.add.f32.msk $0xffff, v7  }
0xc7: {  	[tilespmem:v1+s31+$0x0] =	vst.idx.add.f32.msk $0xffff, v8  }
0xc8: {  	[tilespmem:v2+s31+$0x0] =	vst.idx.add.f32.msk $0xffff, v10  }
0xc9: {  	[tilespmem:v3+s31+$0x0] =	vst.idx.add.f32.msk $0xffff, v11  }
0xca: {  	[tilespmem:v4+s31+$0x0] =	vst.idx.add.f32.msk $0xffff, v12  }
0xcb: {  	[tilespmem:v5+s31+$0x0] =	vst.idx.add.f32.msk $0xffff, v13  }
0xcc: {  	[tilespmem:v6+s31+$0x0] =	vst.idx.add.f32.msk $0xffff, v14  }
0xcd: {  	v7 =	vld [tilespmem:s23+$0xFFFFFFC0]  }
0xce: {  	v8 =	vld [tilespmem:s23+$0xFFFFFFD0]  }
0xcf: {  	v10 =	vld [tilespmem:s23+$0xFFFFFFE0]  }
0xd0: {  	v11 =	vld [tilespmem:s23+$0xFFFFFFF0]  }
0xd1: {  	v12 =	vld [tilespmem:s23+$0x0]  }
0xd2: {  	v13 =	vld [tilespmem:s23+$0x10]  }
0xd3: {  	v14 =	vld [tilespmem:s23+$0x20]  }
0xd4: {  	[tilespmem:v9+s0+$0x0] =	vst.idx.add.f32.msk $0xffff, v7  }
0xd5: {  	[tilespmem:v1+s0+$0x0] =	vst.idx.add.f32.msk $0xffff, v8  }
0xd6: {  	[tilespmem:v2+s0+$0x0] =	vst.idx.add.f32.msk $0xffff, v10  }
0xd7: {  	[tilespmem:v3+s0+$0x0] =	vst.idx.add.f32.msk $0xffff, v11  }
0xd8: {  	[tilespmem:v4+s0+$0x0] =	vst.idx.add.f32.msk $0xffff, v12  }
0xd9: {  	[tilespmem:v5+s0+$0x0] =	vst.idx.add.f32.msk $0xffff, v13  }
0xda: {  	[tilespmem:v6+s0+$0x0] =	vst.idx.add.f32.msk $0xffff, v14  }
0xdb: {  	v7 =	vld [tilespmem:s25+$0xFFFFFFC0]  }
0xdc: {  	v8 =	vld [tilespmem:s25+$0xFFFFFFD0]  }
0xdd: {  	v10 =	vld [tilespmem:s25+$0xFFFFFFE0]  }
0xde: {  	v11 =	vld [tilespmem:s25+$0xFFFFFFF0]  }
0xdf: {  	v12 =	vld [tilespmem:s25+$0x0]  }
0xe0: {  	v13 =	vld [tilespmem:s25+$0x10]  }
0xe1: {  	v14 =	vld [tilespmem:s25+$0x20]  }
0xe2: {  	[tilespmem:v9+s1+$0x0] =	vst.idx.add.f32.msk $0xffff, v7  }
0xe3: {  	[tilespmem:v1+s1+$0x0] =	vst.idx.add.f32.msk $0xffff, v8  }
.Ltmp1:
0xe4: {  	[tilespmem:v2+s1+$0x0] =	vst.idx.add.f32.msk $0xffff, v10;
	(pc) =	sbr.rel @p1 .LBB2_5-.Ltmp1, $4  }
0xe5: {  	[tilespmem:v3+s1+$0x0] =	vst.idx.add.f32.msk $0xffff, v11  }
0xe6: {  	[tilespmem:v4+s1+$0x0] =	vst.idx.add.f32.msk $0xffff, v12  }
0xe7: {  	[tilespmem:v5+s1+$0x0] =	vst.idx.add.f32.msk $0xffff, v13  }
0xe8: {  	s28 =	sadd.s32 $0x80, s28;
	[tilespmem:v6+s1+$0x0] =	vst.idx.add.f32.msk $0xffff, v14  }
0xe9: {  	_ =	swait.ge [sflag:s24], $0x2000  }
0xea: {  	[sflag:s24] =	ssyncset.done $0x0  }
0xeb: {  	[sflag:s24] =	ssyncadd.s32 $0xFFFFE000  }
0xec: {  	_ =	swait.ge [sflag:s24], $0x2000  }
0xed: {  	[sflag:s24] =	ssyncset.done $0x0  }
0xee: {  	s20 =	sshll.u32 s20, $0xE;
	[sflag:s24] =	ssyncadd.s32 $0xFFFFE000  }
0xef: {  	s20 =	sand.u32 $0x3E0000, s20;
	_ =	swait.ge [sflag:s24], $0x2000  }
0xf0: {  	s20 =	sor.u32 s20, s12;
	[sflag:s24] =	ssyncset.done $0x0  }
0xf1: {  	s20 =	sor.u32 s5, s20;
	[sflag:s24] =	ssyncadd.s32 $0xFFFFE000  }
0xf2: {  	s20 =	sshrl.u32 s20, $0x3;
	_ =	swait.ge [sflag:s24], $0x2000  }
0xf3: {  	s23 =	simm.s32 $0x4000;
	s21 =	sor.u32 $0x20, s20;
	[sflag:s24] =	ssyncset.done $0x0  }
0xf4: {  	s20 =	sor.u32 $0x30, s20;
	s22 =	sadd.s32 s3, s21;
	[sflag:s24] =	ssyncadd.s32 $0xFFFFE000  }
0xf5: {  	[tilespmem:s23], [sflag:$0x1] =	stream.strided.gather [hbm4b:s22+s16], $0x2000, s19, s16, $0x38;
	[tilespmem:$0x1E400] =	vst v63  }
0xf6: {  	s28 =	simm.s32 $0x8000;
	s26 =	sadd.s32 s3, s20  }
0xf7: {  	[tilespmem:s28], [sflag:$0x1] =	stream.strided.gather [hbm4b:s26+s16], $0x2000, s19, s16, $0x38;
	[tilespmem:$0x1E400] =	vst v63  }
0xf8: {  	s25 =	simm.s32 $0xC000;
	s21 =	sadd.s32 s4, s21  }
0xf9: {  	[tilespmem:s25], [sflag:$0x1] =	stream.strided.gather [hbm4b:s21+s16], $0x2000, s19, s16, $0x38;
	[tilespmem:$0x1E400] =	vst v63  }
0xfa: {  	s20 =	sadd.s32 s4, s20;
	s26 =	simm.s32 $0x10000;
	s28 =	simm.s32 $0x2070  }
0xfb: {  	[tilespmem:s26], [sflag:$0x1] =	stream.strided.gather [hbm4b:s20+s16], $0x2000, s19, s16, $0x38;
	[tilespmem:$0x1E400] =	vst v63  }
0xfc: {  	v1 =	vld [tilespmem:s28+$0x0]  }
0xfd: {  	v2 =	vld [tilespmem:s28+$0xFFFFFFA0]  }
0xfe: {  	s20 =	simm.s32 $0x6040;
	v3 =	vld [tilespmem:s28+$0xFFFFFFB0]  }
0xff: {  	v4 =	vld [tilespmem:s20+$0x30]  }
0x100: {  	v5 =	vld [tilespmem:s28+$0xFFFFFFC0]  }
0x101: {  	v6 =	vld [tilespmem:s28+$0xFFFFFFD0]  }
0x102: {  	v7 =	vld [tilespmem:s28+$0xFFFFFFE0]  }
0x103: {  	v8 =	vld [tilespmem:s28+$0xFFFFFFF0]  }
0x104: {  	v9 =	vld [tilespmem:s28+$0xFFFFFF90]  }
0x105: {  	v10 =	vld [tilespmem:s20+$0xFFFFFFC0]  }
0x106: {  	v11 =	vld [tilespmem:s20+$0xFFFFFFD0]  }
0x107: {  	v12 =	vld [tilespmem:s20+$0xFFFFFFE0]  }
0x108: {  	v13 =	vld [tilespmem:s20+$0xFFFFFFF0]  }
0x109: {  	v14 =	vld [tilespmem:s20+$0x0]  }
0x10a: {  	v15 =	vld [tilespmem:s20+$0x10]  }
0x10b: {  	v16 =	vld [tilespmem:s20+$0x20]  }
0x10c: {  	[tilespmem:v1+s30+$0x0] =	vst.idx.add.f32.msk $0xffff, v4  }
0x10d: {  	[tilespmem:v9+s30+$0x0] =	vst.idx.add.f32.msk $0xffff, v10  }
0x10e: {  	[tilespmem:v2+s30+$0x0] =	vst.idx.add.f32.msk $0xffff, v11  }
0x10f: {  	[tilespmem:v3+s30+$0x0] =	vst.idx.add.f32.msk $0xffff, v12  }
0x110: {  	[tilespmem:v5+s30+$0x0] =	vst.idx.add.f32.msk $0xffff, v13  }
0x111: {  	[tilespmem:v6+s30+$0x0] =	vst.idx.add.f32.msk $0xffff, v14  }
0x112: {  	[tilespmem:v7+s30+$0x0] =	vst.idx.add.f32.msk $0xffff, v15  }
0x113: {  	s21 =	simm.s32 $0xA040;
	[tilespmem:v8+s30+$0x0] =	vst.idx.add.f32.msk $0xffff, v16  }
0x114: {  	v4 =	vld [tilespmem:s21+$0x30]  }
0x115: {  	v58 =	vld [tilespmem:s21+$0xFFFFFFD0]  }
0x116: {  	v59 =	vld [tilespmem:s21+$0xFFFFFFE0]  }
0x117: {  	v60 =	vld [tilespmem:s21+$0xFFFFFFF0]  }
0x118: {  	v61 =	vld [tilespmem:s21+$0x0]  }
0x119: {  	v62 =	vld [tilespmem:s21+$0x10]  }
0x11a: {  	v63 =	vld [tilespmem:s21+$0x20]  }
0x11b: {  	[tilespmem:v1+s31+$0x0] =	vst.idx.add.f32.msk $0xffff, v4  }
0x11c: {  	[tilespmem:v2+s31+$0x0] =	vst.idx.add.f32.msk $0xffff, v58  }
0x11d: {  	[tilespmem:v3+s31+$0x0] =	vst.idx.add.f32.msk $0xffff, v59  }
0x11e: {  	[tilespmem:v5+s31+$0x0] =	vst.idx.add.f32.msk $0xffff, v60  }
0x11f: {  	[tilespmem:v6+s31+$0x0] =	vst.idx.add.f32.msk $0xffff, v61  }
0x120: {  	[tilespmem:v7+s31+$0x0] =	vst.idx.add.f32.msk $0xffff, v62  }
0x121: {  	s22 =	simm.s32 $0xE040;
	[tilespmem:v8+s31+$0x0] =	vst.idx.add.f32.msk $0xffff, v63  }
0x122: {  	v4 =	vld [tilespmem:s22+$0x30]  }
0x123: {  	v10 =	vld [tilespmem:s22+$0xFFFFFFE0]  }
0x124: {  	v11 =	vld [tilespmem:s22+$0xFFFFFFF0]  }
0x125: {  	v12 =	vld [tilespmem:s22+$0x0]  }
0x126: {  	v13 =	vld [tilespmem:s22+$0x10]  }
0x127: {  	v14 =	vld [tilespmem:s22+$0x20]  }
0x128: {  	[tilespmem:v1+s0+$0x0] =	vst.idx.add.f32.msk $0xffff, v4  }
0x129: {  	[tilespmem:v3+s0+$0x0] =	vst.idx.add.f32.msk $0xffff, v10  }
0x12a: {  	[tilespmem:v5+s0+$0x0] =	vst.idx.add.f32.msk $0xffff, v11  }
0x12b: {  	s23 =	simm.s32 $0x12040;
	[tilespmem:v6+s0+$0x0] =	vst.idx.add.f32.msk $0xffff, v12  }
0x12c: {  	v4 =	vld [tilespmem:s23+$0x30]  }
0x12d: {  	[tilespmem:v7+s0+$0x0] =	vst.idx.add.f32.msk $0xffff, v13  }
0x12e: {  	[tilespmem:v8+s0+$0x0] =	vst.idx.add.f32.msk $0xffff, v14  }
0x12f: {  	v10 =	vld [tilespmem:s23+$0xFFFFFFE0]  }
0x130: {  	v11 =	vld [tilespmem:s23+$0xFFFFFFF0]  }
0x131: {  	[tilespmem:v1+s1+$0x0] =	vst.idx.add.f32.msk $0xffff, v4  }
0x132: {  	v1 =	vld [tilespmem:s21+$0xFFFFFFC0]  }
0x133: {  	v12 =	vld [tilespmem:s23+$0x0]  }
0x134: {  	v13 =	vld [tilespmem:s23+$0x10]  }
0x135: {  	v14 =	vld [tilespmem:s23+$0x20]  }
0x136: {  	v4 =	vld [tilespmem:s22+$0xFFFFFFD0]  }
0x137: {  	[tilespmem:v9+s31+$0x0] =	vst.idx.add.f32.msk $0xffff, v1  }
0x138: {  	v1 =	vld [tilespmem:s22+$0xFFFFFFC0]  }
0x139: {  	[tilespmem:v3+s1+$0x0] =	vst.idx.add.f32.msk $0xffff, v10  }
0x13a: {  	[tilespmem:v5+s1+$0x0] =	vst.idx.add.f32.msk $0xffff, v11  }
0x13b: {  	[tilespmem:v2+s0+$0x0] =	vst.idx.add.f32.msk $0xffff, v4  }
0x13c: {  	v4 =	vld [tilespmem:s23+$0xFFFFFFD0]  }
0x13d: {  	[tilespmem:v9+s0+$0x0] =	vst.idx.add.f32.msk $0xffff, v1  }
0x13e: {  	v1 =	vld [tilespmem:s23+$0xFFFFFFC0]  }
0x13f: {  	[tilespmem:v6+s1+$0x0] =	vst.idx.add.f32.msk $0xffff, v12  }
0x140: {  	[tilespmem:v7+s1+$0x0] =	vst.idx.add.f32.msk $0xffff, v13  }
0x141: {  	[tilespmem:v8+s1+$0x0] =	vst.idx.add.f32.msk $0xffff, v14  }
0x142: {  	[tilespmem:v2+s1+$0x0] =	vst.idx.add.f32.msk $0xffff, v4  }
0x143: {  	s25 =	simm.s32 $0x0;
	s26 =	simm.s32 $0x20F0;
	[tilespmem:v9+s1+$0x0] =	vst.idx.add.f32.msk $0xffff, v1  }
.LBB2_7:
0x144: {  	v7 =	vld [tilespmem:s26+$0x0];
	s25 =	sadd.s32 $0x80, s25  }
0x145: {  	v1 =	vld [tilespmem:s26+$0xFFFFFFA0];
	p1 =	slt.u32 s25, $0x1F80  }
0x146: {  	s20 =	sadd.s32 $0x80, s20;
	v2 =	vld [tilespmem:s26+$0xFFFFFFB0]  }
0x147: {  	v8 =	vld [tilespmem:s20+$0x30]  }
0x148: {  	v3 =	vld [tilespmem:s26+$0xFFFFFFC0]  }
0x149: {  	v4 =	vld [tilespmem:s26+$0xFFFFFFD0]  }
0x14a: {  	v5 =	vld [tilespmem:s26+$0xFFFFFFE0]  }
0x14b: {  	v6 =	vld [tilespmem:s26+$0xFFFFFFF0]  }
0x14c: {  	s21 =	sadd.s32 $0x80, s21;
	[tilespmem:v7+s30+$0x0] =	vst.idx.add.f32.msk $0xffff, v8  }
0x14d: {  	v8 =	vld [tilespmem:s21+$0x30]  }
0x14e: {  	v9 =	vld [tilespmem:s26+$0xFFFFFF90]  }
0x14f: {  	v10 =	vld [tilespmem:s20+$0xFFFFFFC0]  }
0x150: {  	v11 =	vld [tilespmem:s20+$0xFFFFFFD0]  }
0x151: {  	v12 =	vld [tilespmem:s20+$0xFFFFFFE0]  }
0x152: {  	s22 =	sadd.s32 $0x80, s22;
	[tilespmem:v7+s31+$0x0] =	vst.idx.add.f32.msk $0xffff, v8  }
0x153: {  	v8 =	vld [tilespmem:s22+$0x30]  }
0x154: {  	v13 =	vld [tilespmem:s20+$0xFFFFFFF0]  }
0x155: {  	v14 =	vld [tilespmem:s20+$0x0]  }
0x156: {  	v15 =	vld [tilespmem:s20+$0x10]  }
0x157: {  	v16 =	vld [tilespmem:s20+$0x20]  }
0x158: {  	s23 =	sadd.s32 $0x80, s23;
	[tilespmem:v7+s0+$0x0] =	vst.idx.add.f32.msk $0xffff, v8  }
0x159: {  	v8 =	vld [tilespmem:s23+$0x30]  }
0x15a: {  	[tilespmem:v9+s30+$0x0] =	vst.idx.add.f32.msk $0xffff, v10  }
0x15b: {  	[tilespmem:v1+s30+$0x0] =	vst.idx.add.f32.msk $0xffff, v11  }
0x15c: {  	[tilespmem:v2+s30+$0x0] =	vst.idx.add.f32.msk $0xffff, v12  }
0x15d: {  	[tilespmem:v3+s30+$0x0] =	vst.idx.add.f32.msk $0xffff, v13  }
0x15e: {  	[tilespmem:v7+s1+$0x0] =	vst.idx.add.f32.msk $0xffff, v8  }
0x15f: {  	[tilespmem:v4+s30+$0x0] =	vst.idx.add.f32.msk $0xffff, v14  }
0x160: {  	[tilespmem:v5+s30+$0x0] =	vst.idx.add.f32.msk $0xffff, v15  }
0x161: {  	[tilespmem:v6+s30+$0x0] =	vst.idx.add.f32.msk $0xffff, v16  }
0x162: {  	v7 =	vld [tilespmem:s21+$0xFFFFFFC0]  }
0x163: {  	v8 =	vld [tilespmem:s21+$0xFFFFFFD0]  }
0x164: {  	v10 =	vld [tilespmem:s21+$0xFFFFFFE0]  }
0x165: {  	v11 =	vld [tilespmem:s21+$0xFFFFFFF0]  }
0x166: {  	v12 =	vld [tilespmem:s21+$0x0]  }
0x167: {  	v13 =	vld [tilespmem:s21+$0x10]  }
0x168: {  	v14 =	vld [tilespmem:s21+$0x20]  }
0x169: {  	[tilespmem:v9+s31+$0x0] =	vst.idx.add.f32.msk $0xffff, v7  }
0x16a: {  	[tilespmem:v1+s31+$0x0] =	vst.idx.add.f32.msk $0xffff, v8  }
0x16b: {  	[tilespmem:v2+s31+$0x0] =	vst.idx.add.f32.msk $0xffff, v10  }
0x16c: {  	[tilespmem:v3+s31+$0x0] =	vst.idx.add.f32.msk $0xffff, v11  }
0x16d: {  	[tilespmem:v4+s31+$0x0] =	vst.idx.add.f32.msk $0xffff, v12  }
0x16e: {  	[tilespmem:v5+s31+$0x0] =	vst.idx.add.f32.msk $0xffff, v13  }
0x16f: {  	[tilespmem:v6+s31+$0x0] =	vst.idx.add.f32.msk $0xffff, v14  }
0x170: {  	v7 =	vld [tilespmem:s22+$0xFFFFFFC0]  }
0x171: {  	v8 =	vld [tilespmem:s22+$0xFFFFFFD0]  }
0x172: {  	v10 =	vld [tilespmem:s22+$0xFFFFFFE0]  }
0x173: {  	v11 =	vld [tilespmem:s22+$0xFFFFFFF0]  }
0x174: {  	v12 =	vld [tilespmem:s22+$0x0]  }
0x175: {  	v13 =	vld [tilespmem:s22+$0x10]  }
0x176: {  	v14 =	vld [tilespmem:s22+$0x20]  }
0x177: {  	[tilespmem:v9+s0+$0x0] =	vst.idx.add.f32.msk $0xffff, v7  }
0x178: {  	[tilespmem:v1+s0+$0x0] =	vst.idx.add.f32.msk $0xffff, v8  }
0x179: {  	[tilespmem:v2+s0+$0x0] =	vst.idx.add.f32.msk $0xffff, v10  }
0x17a: {  	[tilespmem:v3+s0+$0x0] =	vst.idx.add.f32.msk $0xffff, v11  }
0x17b: {  	[tilespmem:v4+s0+$0x0] =	vst.idx.add.f32.msk $0xffff, v12  }
0x17c: {  	[tilespmem:v5+s0+$0x0] =	vst.idx.add.f32.msk $0xffff, v13  }
0x17d: {  	[tilespmem:v6+s0+$0x0] =	vst.idx.add.f32.msk $0xffff, v14  }
0x17e: {  	v7 =	vld [tilespmem:s23+$0xFFFFFFC0]  }
0x17f: {  	v8 =	vld [tilespmem:s23+$0xFFFFFFD0]  }
0x180: {  	v10 =	vld [tilespmem:s23+$0xFFFFFFE0]  }
0x181: {  	v11 =	vld [tilespmem:s23+$0xFFFFFFF0]  }
0x182: {  	v12 =	vld [tilespmem:s23+$0x0]  }
0x183: {  	v13 =	vld [tilespmem:s23+$0x10]  }
0x184: {  	v14 =	vld [tilespmem:s23+$0x20]  }
0x185: {  	[tilespmem:v9+s1+$0x0] =	vst.idx.add.f32.msk $0xffff, v7  }
0x186: {  	[tilespmem:v1+s1+$0x0] =	vst.idx.add.f32.msk $0xffff, v8  }
.Ltmp2:
0x187: {  	[tilespmem:v2+s1+$0x0] =	vst.idx.add.f32.msk $0xffff, v10;
	(pc) =	sbr.rel @p1 .LBB2_7-.Ltmp2, $4  }
0x188: {  	[tilespmem:v3+s1+$0x0] =	vst.idx.add.f32.msk $0xffff, v11  }
0x189: {  	[tilespmem:v4+s1+$0x0] =	vst.idx.add.f32.msk $0xffff, v12  }
0x18a: {  	[tilespmem:v5+s1+$0x0] =	vst.idx.add.f32.msk $0xffff, v13  }
0x18b: {  	s26 =	sadd.s32 $0x80, s26;
	[tilespmem:v6+s1+$0x0] =	vst.idx.add.f32.msk $0xffff, v14  }
0x18c: {  	s11 =	smul.u32 $0xA400, s11;
	_ =	sdelay $0x1  }
0x18d: {  	s20 =	sadd.s32 s8, s11  }
0x18e: {  	s21 =	sor.u32 s12, s20  }
0x18f: {  	s11 =	sadd.s32 s14, s11;
	s20 =	sor.u32 s18, s20;
	s21 =	sshrl.u32 s21, $0x3  }
0x190: {  	s26 =	sor.u32 s12, s11;
	s20 =	sshrl.u32 s20, $0x3;
	s21 =	sadd.s32 s6, s21  }
0x191: {  	[hbm4b:s21+s16] =	stream.strided.scatter [tilespmem:s30], [sflag:$0x2], $0x1480, s19, s16, $0x38;
	[tilespmem:$0x1E400] =	vst v63  }
0x192: {  	s11 =	sor.u32 s18, s11;
	s12 =	sshrl.u32 s26, $0x3;
	s20 =	sadd.s32 s6, s20  }
0x193: {  	[hbm4b:s20+s16] =	stream.strided.scatter [tilespmem:s31], [sflag:$0x2], $0x1480, s19, s16, $0x38;
	[tilespmem:$0x1E400] =	vst v63  }
0x194: {  	s11 =	sshrl.u32 s11, $0x3;
	s12 =	sadd.s32 s6, s12  }
0x195: {  	[hbm4b:s12+s16] =	stream.strided.scatter [tilespmem:s0], [sflag:$0x2], $0x1480, s19, s16, $0x38;
	[tilespmem:$0x1E400] =	vst v63  }
0x196: {  	s11 =	sadd.s32 s6, s11  }
0x197: {  	[hbm4b:s11+s16] =	stream.strided.scatter [tilespmem:s1], [sflag:$0x2], $0x1480, s19, s16, $0x38;
	[tilespmem:$0x1E400] =	vst v63  }
0x198: {  	s11 =	simm.s32 @!p0 $0x2  }
0x199: {  	_ =	swait.ge @!p0 [sflag:s11], $0x1480  }
0x19a: {  	[sflag:s11] =	ssyncset.done @!p0 $0x0  }
0x19b: {  	[sflag:s11] =	ssyncadd.s32 @!p0 $0xFFFFEB80  }
0x19c: {  	_ =	swait.ge @!p0 [sflag:s11], $0x1480  }
0x19d: {  	[sflag:s11] =	ssyncset.done @!p0 $0x0  }
0x19e: {  	[sflag:s11] =	ssyncadd.s32 @!p0 $0xFFFFEB80  }
0x19f: {  	_ =	swait.ge @!p0 [sflag:s11], $0x1480  }
0x1a0: {  	[sflag:s11] =	ssyncset.done @!p0 $0x0  }
0x1a1: {  	[sflag:s11] =	ssyncadd.s32 @!p0 $0xFFFFEB80  }
0x1a2: {  	_ =	swait.ge @!p0 [sflag:s11], $0x1480  }
0x1a3: {  	[sflag:s11] =	ssyncset.done @!p0 $0x0  }
0x1a4: {  	s12 =	simm.s32 $0x19210;
	[sflag:s11] =	ssyncadd.s32 @!p0 $0xFFFFEB80  }
0x1a5: {  	[tilespmem:s12+$0x0] =	vst v0  }
0x1a6: {  	[tilespmem:s12+$0xFFFFFFF0] =	vst v0  }
0x1a7: {  	s18 =	simm.s32 $0x1A6A0;
	[tilespmem:s12+$0x10] =	vst v0  }
0x1a8: {  	[tilespmem:s18+$0x0] =	vst v0  }
0x1a9: {  	[tilespmem:s18+$0xFFFFFFF0] =	vst v0  }
0x1aa: {  	s22 =	simm.s32 $0x1BB20;
	[tilespmem:s18+$0xFFFFFFE0] =	vst v0  }
0x1ab: {  	[tilespmem:s22+$0x0] =	vst v0  }
0x1ac: {  	s21 =	simm.s32 $0x1CFA0;
	s20 =	sor.u32 $0x1, s15;
	[tilespmem:s22+$0xFFFFFFF0] =	vst v0  }
0x1ad: {  	s23 =	simm.s32 $0x1BB50;
	s28 =	sshll.u32 s20, $0x1;
	[tilespmem:s21+$0x0] =	vst v0  }
0x1ae: {  	s25 =	simm.s32 $0x1CFD0;
	s15 =	simm.s32 $0x0;
	s11 =	sadd.s32 s7, s28;
	[tilespmem:s21+$0xFFFFFFF0] =	vst v0  }
.LBB2_9:
0x1af: {  	s15 =	sadd.s32 $0x30, s15;
	[tilespmem:s22+$0xFFFFFFE0] =	vst v0;
	s12 =	sadd.s32 $0x30, s12;
	s18 =	sadd.s32 $0x30, s18  }
0x1b0: {  	s22 =	smov.u32 s23;
	p0 =	slt.u32 s15, $0x13E0;
	[tilespmem:s21+$0xFFFFFFE0] =	vst v0;
	s21 =	smov.u32 s25  }
0x1b1: {  	[tilespmem:s12+$0x0] =	vst v0  }
0x1b2: {  	[tilespmem:s12+$0xFFFFFFF0] =	vst v0  }
0x1b3: {  	[tilespmem:s12+$0x10] =	vst v0  }
0x1b4: {  	[tilespmem:s18+$0x0] =	vst v0  }
0x1b5: {  	[tilespmem:s23+$0x0] =	vst v0  }
.Ltmp3:
0x1b6: {  	[tilespmem:s25+$0x0] =	vst v0;
	(pc) =	sbr.rel @p0 .LBB2_9-.Ltmp3, $4  }
0x1b7: {  	[tilespmem:s18+$0xFFFFFFF0] =	vst v0  }
0x1b8: {  	[tilespmem:s23+$0xFFFFFFF0] =	vst v0  }
0x1b9: {  	[tilespmem:s25+$0xFFFFFFF0] =	vst v0  }
0x1ba: {  	s23 =	sadd.s32 $0x30, s23;
	s25 =	sadd.s32 $0x30, s25;
	[tilespmem:s18+$0xFFFFFFE0] =	vst v0  }
0x1bb: {  	[tilespmem:s22+$0xFFFFFFE0] =	vst v0  }
0x1bc: {  	[tilespmem:s21+$0xFFFFFFE0] =	vst v0  }
0x1bd: {  	_ =	swait.ge [sflag:s24], $0x2000  }
0x1be: {  	[sflag:s24] =	ssyncset.done $0x0  }
0x1bf: {  	[sflag:s24] =	ssyncadd.s32 $0xFFFFE000  }
0x1c0: {  	s12 =	sshrl.u32 s11, $0x3;
	_ =	swait.ge [sflag:s24], $0x2000  }
0x1c1: {  	s15 =	sshll.u32 s20, $0x8;
	s18 =	sshll.u32 s12, $0x11;
	[sflag:s24] =	ssyncset.done $0x0  }
0x1c2: {  	s15 =	sand.u32 $0x300, s15;
	s26 =	sadd.s32 s5, s18;
	[sflag:s24] =	ssyncadd.s32 $0xFFFFE000  }
0x1c3: {  	s18 =	sor.u32 s15, s26;
	_ =	swait.ge [sflag:s24], $0x2000  }
0x1c4: {  	s18 =	sshrl.u32 s18, $0x3;
	[sflag:s24] =	ssyncset.done $0x0  }
0x1c5: {  	s22 =	sor.u32 $0x2000, s18;
	s18 =	sor.u32 $0x80, s15;
	[sflag:s24] =	ssyncadd.s32 $0xFFFFE000  }
0x1c6: {  	s21 =	sor.u32 s18, s26;
	_ =	swait.ge [sflag:s24], $0x2000  }
0x1c7: {  	s25 =	simm.s32 $0x6000;
	s21 =	sshrl.u32 s21, $0x3;
	[sflag:s24] =	ssyncset.done $0x0  }
0x1c8: {  	s23 =	sadd.s32 s3, s22;
	s21 =	sor.u32 $0x2000, s21;
	[sflag:s24] =	ssyncadd.s32 $0xFFFFE000  }
0x1c9: {  	[tilespmem:s25], [sflag:$0x1] =	stream.strided.gather [hbm4b:s23+s16], $0x2000, s19, s16, $0x38;
	[tilespmem:$0x1E400] =	vst v63  }
0x1ca: {  	s26 =	simm.s32 $0xA000;
	s25 =	sadd.s32 s3, s21  }
0x1cb: {  	[tilespmem:s26], [sflag:$0x1] =	stream.strided.gather [hbm4b:s25+s16], $0x2000, s19, s16, $0x38;
	[tilespmem:$0x1E400] =	vst v63  }
0x1cc: {  	s22 =	sadd.s32 s4, s22;
	s25 =	simm.s32 $0xE000  }
0x1cd: {  	[tilespmem:s25], [sflag:$0x1] =	stream.strided.gather [hbm4b:s22+s16], $0x2000, s19, s16, $0x38;
	[tilespmem:$0x1E400] =	vst v63  }
0x1ce: {  	s21 =	sadd.s32 s4, s21;
	s26 =	simm.s32 $0x40  }
0x1cf: {  	[tilespmem:s29], [sflag:$0x1] =	stream.strided.gather [hbm4b:s21+s16], $0x2000, s19, s16, $0x38;
	[tilespmem:$0x1E400] =	vst v63  }
0x1d0: {  	v1 =	vld [tilespmem:s26+$0x30]  }
0x1d1: {  	v2 =	vld [tilespmem:s26+$0xFFFFFFD0]  }
0x1d2: {  	s21 =	simm.s32 $0x4040;
	v3 =	vld [tilespmem:s26+$0xFFFFFFE0]  }
0x1d3: {  	v4 =	vld [tilespmem:s21+$0x30]  }
0x1d4: {  	v5 =	vld [tilespmem:s26+$0xFFFFFFF0]  }
0x1d5: {  	v6 =	vld [tilespmem:s26+$0x0]  }
0x1d6: {  	v7 =	vld [tilespmem:s26+$0x10]  }
0x1d7: {  	v8 =	vld [tilespmem:s26+$0x20]  }
0x1d8: {  	v9 =	vld [tilespmem:s26+$0xFFFFFFC0]  }
0x1d9: {  	v10 =	vld [tilespmem:s21+$0xFFFFFFC0]  }
0x1da: {  	v11 =	vld [tilespmem:s21+$0xFFFFFFD0]  }
0x1db: {  	v12 =	vld [tilespmem:s21+$0xFFFFFFE0]  }
0x1dc: {  	v13 =	vld [tilespmem:s21+$0xFFFFFFF0]  }
0x1dd: {  	v14 =	vld [tilespmem:s21+$0x0]  }
0x1de: {  	v15 =	vld [tilespmem:s21+$0x10]  }
0x1df: {  	v16 =	vld [tilespmem:s21+$0x20]  }
0x1e0: {  	[tilespmem:v1+s17+$0x0] =	vst.idx.add.f32.msk $0xffff, v4  }
0x1e1: {  	[tilespmem:v9+s17+$0x0] =	vst.idx.add.f32.msk $0xffff, v10  }
0x1e2: {  	[tilespmem:v2+s17+$0x0] =	vst.idx.add.f32.msk $0xffff, v11  }
0x1e3: {  	[tilespmem:v3+s17+$0x0] =	vst.idx.add.f32.msk $0xffff, v12  }
0x1e4: {  	[tilespmem:v5+s17+$0x0] =	vst.idx.add.f32.msk $0xffff, v13  }
0x1e5: {  	[tilespmem:v6+s17+$0x0] =	vst.idx.add.f32.msk $0xffff, v14  }
0x1e6: {  	[tilespmem:v7+s17+$0x0] =	vst.idx.add.f32.msk $0xffff, v15  }
0x1e7: {  	s22 =	simm.s32 $0x8040;
	[tilespmem:v8+s17+$0x0] =	vst.idx.add.f32.msk $0xffff, v16  }
0x1e8: {  	v4 =	vld [tilespmem:s22+$0x30]  }
0x1e9: {  	v58 =	vld [tilespmem:s22+$0xFFFFFFD0]  }
0x1ea: {  	v59 =	vld [tilespmem:s22+$0xFFFFFFE0]  }
0x1eb: {  	v60 =	vld [tilespmem:s22+$0xFFFFFFF0]  }
0x1ec: {  	v61 =	vld [tilespmem:s22+$0x0]  }
0x1ed: {  	v62 =	vld [tilespmem:s22+$0x10]  }
0x1ee: {  	v63 =	vld [tilespmem:s22+$0x20]  }
0x1ef: {  	[tilespmem:v1+s2+$0x0] =	vst.idx.add.f32.msk $0xffff, v4  }
0x1f0: {  	[tilespmem:v2+s2+$0x0] =	vst.idx.add.f32.msk $0xffff, v58  }
0x1f1: {  	[tilespmem:v3+s2+$0x0] =	vst.idx.add.f32.msk $0xffff, v59  }
0x1f2: {  	[tilespmem:v5+s2+$0x0] =	vst.idx.add.f32.msk $0xffff, v60  }
0x1f3: {  	[tilespmem:v6+s2+$0x0] =	vst.idx.add.f32.msk $0xffff, v61  }
0x1f4: {  	[tilespmem:v7+s2+$0x0] =	vst.idx.add.f32.msk $0xffff, v62  }
0x1f5: {  	s23 =	simm.s32 $0xC040;
	[tilespmem:v8+s2+$0x0] =	vst.idx.add.f32.msk $0xffff, v63  }
0x1f6: {  	v4 =	vld [tilespmem:s23+$0x30]  }
0x1f7: {  	v10 =	vld [tilespmem:s23+$0xFFFFFFE0]  }
0x1f8: {  	v11 =	vld [tilespmem:s23+$0xFFFFFFF0]  }
0x1f9: {  	v12 =	vld [tilespmem:s23+$0x0]  }
0x1fa: {  	v13 =	vld [tilespmem:s23+$0x10]  }
0x1fb: {  	v14 =	vld [tilespmem:s23+$0x20]  }
0x1fc: {  	[tilespmem:v1+s9+$0x0] =	vst.idx.add.f32.msk $0xffff, v4  }
0x1fd: {  	[tilespmem:v3+s9+$0x0] =	vst.idx.add.f32.msk $0xffff, v10  }
0x1fe: {  	[tilespmem:v5+s9+$0x0] =	vst.idx.add.f32.msk $0xffff, v11  }
0x1ff: {  	s25 =	simm.s32 $0x10040;
	[tilespmem:v6+s9+$0x0] =	vst.idx.add.f32.msk $0xffff, v12  }
0x200: {  	v4 =	vld [tilespmem:s25+$0x30]  }
0x201: {  	[tilespmem:v7+s9+$0x0] =	vst.idx.add.f32.msk $0xffff, v13  }
0x202: {  	[tilespmem:v8+s9+$0x0] =	vst.idx.add.f32.msk $0xffff, v14  }
0x203: {  	v10 =	vld [tilespmem:s25+$0xFFFFFFE0]  }
0x204: {  	v11 =	vld [tilespmem:s25+$0xFFFFFFF0]  }
0x205: {  	[tilespmem:v1+s10+$0x0] =	vst.idx.add.f32.msk $0xffff, v4  }
0x206: {  	v1 =	vld [tilespmem:s22+$0xFFFFFFC0]  }
0x207: {  	v12 =	vld [tilespmem:s25+$0x0]  }
0x208: {  	v13 =	vld [tilespmem:s25+$0x10]  }
0x209: {  	v14 =	vld [tilespmem:s25+$0x20]  }
0x20a: {  	v4 =	vld [tilespmem:s23+$0xFFFFFFD0]  }
0x20b: {  	[tilespmem:v9+s2+$0x0] =	vst.idx.add.f32.msk $0xffff, v1  }
0x20c: {  	v1 =	vld [tilespmem:s23+$0xFFFFFFC0]  }
0x20d: {  	[tilespmem:v3+s10+$0x0] =	vst.idx.add.f32.msk $0xffff, v10  }
0x20e: {  	[tilespmem:v5+s10+$0x0] =	vst.idx.add.f32.msk $0xffff, v11  }
0x20f: {  	[tilespmem:v2+s9+$0x0] =	vst.idx.add.f32.msk $0xffff, v4  }
0x210: {  	v4 =	vld [tilespmem:s25+$0xFFFFFFD0]  }
0x211: {  	[tilespmem:v9+s9+$0x0] =	vst.idx.add.f32.msk $0xffff, v1  }
0x212: {  	v1 =	vld [tilespmem:s25+$0xFFFFFFC0]  }
0x213: {  	[tilespmem:v6+s10+$0x0] =	vst.idx.add.f32.msk $0xffff, v12  }
0x214: {  	[tilespmem:v7+s10+$0x0] =	vst.idx.add.f32.msk $0xffff, v13  }
0x215: {  	[tilespmem:v8+s10+$0x0] =	vst.idx.add.f32.msk $0xffff, v14  }
0x216: {  	[tilespmem:v2+s10+$0x0] =	vst.idx.add.f32.msk $0xffff, v4  }
0x217: {  	s28 =	simm.s32 $0xC0;
	s26 =	simm.s32 $0x0;
	[tilespmem:v9+s10+$0x0] =	vst.idx.add.f32.msk $0xffff, v1  }
.LBB2_11:
0x218: {  	v7 =	vld [tilespmem:s28+$0x30];
	s26 =	sadd.s32 $0x80, s26  }
0x219: {  	v1 =	vld [tilespmem:s28+$0xFFFFFFD0];
	p0 =	slt.u32 s26, $0x1F80  }
0x21a: {  	s21 =	sadd.s32 $0x80, s21;
	v2 =	vld [tilespmem:s28+$0xFFFFFFE0]  }
0x21b: {  	v8 =	vld [tilespmem:s21+$0x30]  }
0x21c: {  	v3 =	vld [tilespmem:s28+$0xFFFFFFF0]  }
0x21d: {  	v4 =	vld [tilespmem:s28+$0x0]  }
0x21e: {  	v5 =	vld [tilespmem:s28+$0x10]  }
0x21f: {  	v6 =	vld [tilespmem:s28+$0x20]  }
0x220: {  	s22 =	sadd.s32 $0x80, s22;
	[tilespmem:v7+s17+$0x0] =	vst.idx.add.f32.msk $0xffff, v8  }
0x221: {  	v8 =	vld [tilespmem:s22+$0x30]  }
0x222: {  	v9 =	vld [tilespmem:s28+$0xFFFFFFC0]  }
0x223: {  	v10 =	vld [tilespmem:s21+$0xFFFFFFC0]  }
0x224: {  	v11 =	vld [tilespmem:s21+$0xFFFFFFD0]  }
0x225: {  	v12 =	vld [tilespmem:s21+$0xFFFFFFE0]  }
0x226: {  	s23 =	sadd.s32 $0x80, s23;
	[tilespmem:v7+s2+$0x0] =	vst.idx.add.f32.msk $0xffff, v8  }
0x227: {  	v8 =	vld [tilespmem:s23+$0x30]  }
0x228: {  	v13 =	vld [tilespmem:s21+$0xFFFFFFF0]  }
0x229: {  	v14 =	vld [tilespmem:s21+$0x0]  }
0x22a: {  	v15 =	vld [tilespmem:s21+$0x10]  }
0x22b: {  	v16 =	vld [tilespmem:s21+$0x20]  }
0x22c: {  	s25 =	sadd.s32 $0x80, s25;
	[tilespmem:v7+s9+$0x0] =	vst.idx.add.f32.msk $0xffff, v8  }
0x22d: {  	v8 =	vld [tilespmem:s25+$0x30]  }
0x22e: {  	[tilespmem:v9+s17+$0x0] =	vst.idx.add.f32.msk $0xffff, v10  }
0x22f: {  	[tilespmem:v1+s17+$0x0] =	vst.idx.add.f32.msk $0xffff, v11  }
0x230: {  	[tilespmem:v2+s17+$0x0] =	vst.idx.add.f32.msk $0xffff, v12  }
0x231: {  	[tilespmem:v3+s17+$0x0] =	vst.idx.add.f32.msk $0xffff, v13  }
0x232: {  	[tilespmem:v7+s10+$0x0] =	vst.idx.add.f32.msk $0xffff, v8  }
0x233: {  	[tilespmem:v4+s17+$0x0] =	vst.idx.add.f32.msk $0xffff, v14  }
0x234: {  	[tilespmem:v5+s17+$0x0] =	vst.idx.add.f32.msk $0xffff, v15  }
0x235: {  	[tilespmem:v6+s17+$0x0] =	vst.idx.add.f32.msk $0xffff, v16  }
0x236: {  	v7 =	vld [tilespmem:s22+$0xFFFFFFC0]  }
0x237: {  	v8 =	vld [tilespmem:s22+$0xFFFFFFD0]  }
0x238: {  	v10 =	vld [tilespmem:s22+$0xFFFFFFE0]  }
0x239: {  	v11 =	vld [tilespmem:s22+$0xFFFFFFF0]  }
0x23a: {  	v12 =	vld [tilespmem:s22+$0x0]  }
0x23b: {  	v13 =	vld [tilespmem:s22+$0x10]  }
0x23c: {  	v14 =	vld [tilespmem:s22+$0x20]  }
0x23d: {  	[tilespmem:v9+s2+$0x0] =	vst.idx.add.f32.msk $0xffff, v7  }
0x23e: {  	[tilespmem:v1+s2+$0x0] =	vst.idx.add.f32.msk $0xffff, v8  }
0x23f: {  	[tilespmem:v2+s2+$0x0] =	vst.idx.add.f32.msk $0xffff, v10  }
0x240: {  	[tilespmem:v3+s2+$0x0] =	vst.idx.add.f32.msk $0xffff, v11  }
0x241: {  	[tilespmem:v4+s2+$0x0] =	vst.idx.add.f32.msk $0xffff, v12  }
0x242: {  	[tilespmem:v5+s2+$0x0] =	vst.idx.add.f32.msk $0xffff, v13  }
0x243: {  	[tilespmem:v6+s2+$0x0] =	vst.idx.add.f32.msk $0xffff, v14  }
0x244: {  	v7 =	vld [tilespmem:s23+$0xFFFFFFC0]  }
0x245: {  	v8 =	vld [tilespmem:s23+$0xFFFFFFD0]  }
0x246: {  	v10 =	vld [tilespmem:s23+$0xFFFFFFE0]  }
0x247: {  	v11 =	vld [tilespmem:s23+$0xFFFFFFF0]  }
0x248: {  	v12 =	vld [tilespmem:s23+$0x0]  }
0x249: {  	v13 =	vld [tilespmem:s23+$0x10]  }
0x24a: {  	v14 =	vld [tilespmem:s23+$0x20]  }
0x24b: {  	[tilespmem:v9+s9+$0x0] =	vst.idx.add.f32.msk $0xffff, v7  }
0x24c: {  	[tilespmem:v1+s9+$0x0] =	vst.idx.add.f32.msk $0xffff, v8  }
0x24d: {  	[tilespmem:v2+s9+$0x0] =	vst.idx.add.f32.msk $0xffff, v10  }
0x24e: {  	[tilespmem:v3+s9+$0x0] =	vst.idx.add.f32.msk $0xffff, v11  }
0x24f: {  	[tilespmem:v4+s9+$0x0] =	vst.idx.add.f32.msk $0xffff, v12  }
0x250: {  	[tilespmem:v5+s9+$0x0] =	vst.idx.add.f32.msk $0xffff, v13  }
0x251: {  	[tilespmem:v6+s9+$0x0] =	vst.idx.add.f32.msk $0xffff, v14  }
0x252: {  	v7 =	vld [tilespmem:s25+$0xFFFFFFC0]  }
0x253: {  	v8 =	vld [tilespmem:s25+$0xFFFFFFD0]  }
0x254: {  	v10 =	vld [tilespmem:s25+$0xFFFFFFE0]  }
0x255: {  	v11 =	vld [tilespmem:s25+$0xFFFFFFF0]  }
0x256: {  	v12 =	vld [tilespmem:s25+$0x0]  }
0x257: {  	v13 =	vld [tilespmem:s25+$0x10]  }
0x258: {  	v14 =	vld [tilespmem:s25+$0x20]  }
0x259: {  	[tilespmem:v9+s10+$0x0] =	vst.idx.add.f32.msk $0xffff, v7  }
0x25a: {  	[tilespmem:v1+s10+$0x0] =	vst.idx.add.f32.msk $0xffff, v8  }
.Ltmp4:
0x25b: {  	[tilespmem:v2+s10+$0x0] =	vst.idx.add.f32.msk $0xffff, v10;
	(pc) =	sbr.rel @p0 .LBB2_11-.Ltmp4, $4  }
0x25c: {  	[tilespmem:v3+s10+$0x0] =	vst.idx.add.f32.msk $0xffff, v11  }
0x25d: {  	[tilespmem:v4+s10+$0x0] =	vst.idx.add.f32.msk $0xffff, v12  }
0x25e: {  	[tilespmem:v5+s10+$0x0] =	vst.idx.add.f32.msk $0xffff, v13  }
0x25f: {  	s28 =	sadd.s32 $0x80, s28;
	[tilespmem:v6+s10+$0x0] =	vst.idx.add.f32.msk $0xffff, v14  }
0x260: {  	_ =	swait.ge [sflag:s24], $0x2000  }
0x261: {  	[sflag:s24] =	ssyncset.done $0x0  }
0x262: {  	[sflag:s24] =	ssyncadd.s32 $0xFFFFE000  }
0x263: {  	_ =	swait.ge [sflag:s24], $0x2000  }
0x264: {  	p0 =	sgt.u32 s20, $0xE;
	[sflag:s24] =	ssyncset.done $0x0  }
0x265: {  	s20 =	sadd.s32 @!p0 $0x2, s11;
	[sflag:s24] =	ssyncadd.s32 $0xFFFFE000  }
0x266: {  	s22 =	simm.s32 @!p0 $0x80;
	s21 =	sshll.u32 @!p0 s20, $0xE;
	_ =	swait.ge [sflag:s24], $0x2000  }
0x267: {  	s20 =	sshll.u32 @!p0 s20, $0x7;
	s21 =	sand.u32 @!p0 $0x7FFE0000, s21;
	[sflag:s24] =	ssyncset.done $0x0  }
0x268: {  	s20 =	sand.u32 @!p0 $0x200, s20;
	s21 =	sadd.s32 @!p0 s5, s21;
	[sflag:s24] =	ssyncadd.s32 $0xFFFFE000  }
0x269: {  	s23 =	simm.s32 @!p0 $0x400;
	s20 =	sor.u32 @!p0 s20, s21;
	_ =	swait.ge [sflag:s24], $0x2000  }
0x26a: {  	s25 =	simm.s32 @!p0 $0x4000;
	s20 =	sshrl.u32 @!p0 s20, $0x3;
	[sflag:s24] =	ssyncset.done $0x0  }
0x26b: {  	s11 =	sadd.s32 @!p0 $0x3, s11;
	s21 =	sadd.s32 @!p0 s3, s20;
	[sflag:s24] =	ssyncadd.s32 $0xFFFFE000  }
0x26c: {  	[tilespmem:s25], [sflag:$0x1] =	stream.strided.gather @!p0 [hbm4b:s21+s22], $0x2000, s23, s22, $0x38;
	[tilespmem:$0x1E400] =	vst v63  }
0x26d: {  	s21 =	sshll.u32 @!p0 s11, $0xE  }
0x26e: {  	s11 =	sshll.u32 @!p0 s11, $0x7;
	s21 =	sand.u32 @!p0 $0x7FFE0000, s21  }
0x26f: {  	s11 =	sand.u32 @!p0 $0x280, s11;
	s21 =	sadd.s32 @!p0 s5, s21  }
0x270: {  	s11 =	sor.u32 @!p0 s11, s21  }
0x271: {  	s11 =	sshrl.u32 @!p0 s11, $0x3  }
0x272: {  	s25 =	simm.s32 @!p0 $0x8000;
	s21 =	sadd.s32 @!p0 s3, s11  }
0x273: {  	[tilespmem:s25], [sflag:$0x1] =	stream.strided.gather @!p0 [hbm4b:s21+s22], $0x2000, s23, s22, $0x38;
	[tilespmem:$0x1E400] =	vst v63  }
0x274: {  	s20 =	sadd.s32 @!p0 s4, s20;
	s21 =	simm.s32 @!p0 $0xC000  }
0x275: {  	[tilespmem:s21], [sflag:$0x1] =	stream.strided.gather @!p0 [hbm4b:s20+s22], $0x2000, s23, s22, $0x38;
	[tilespmem:$0x1E400] =	vst v63  }
0x276: {  	s28 =	simm.s32 $0x2070;
	s11 =	sadd.s32 @!p0 s4, s11;
	s20 =	simm.s32 @!p0 $0x10000  }
0x277: {  	[tilespmem:s20], [sflag:$0x1] =	stream.strided.gather @!p0 [hbm4b:s11+s22], $0x2000, s23, s22, $0x38;
	[tilespmem:$0x1E400] =	vst v63  }
0x278: {  	v1 =	vld [tilespmem:s28+$0x0]  }
0x279: {  	v2 =	vld [tilespmem:s28+$0xFFFFFFA0]  }
0x27a: {  	s11 =	simm.s32 $0x6040;
	v3 =	vld [tilespmem:s28+$0xFFFFFFB0]  }
0x27b: {  	v4 =	vld [tilespmem:s11+$0x30]  }
0x27c: {  	v5 =	vld [tilespmem:s28+$0xFFFFFFC0]  }
0x27d: {  	v6 =	vld [tilespmem:s28+$0xFFFFFFD0]  }
0x27e: {  	v7 =	vld [tilespmem:s28+$0xFFFFFFE0]  }
0x27f: {  	v8 =	vld [tilespmem:s28+$0xFFFFFFF0]  }
0x280: {  	v9 =	vld [tilespmem:s28+$0xFFFFFF90]  }
0x281: {  	v10 =	vld [tilespmem:s11+$0xFFFFFFC0]  }
0x282: {  	v11 =	vld [tilespmem:s11+$0xFFFFFFD0]  }
0x283: {  	v12 =	vld [tilespmem:s11+$0xFFFFFFE0]  }
0x284: {  	v13 =	vld [tilespmem:s11+$0xFFFFFFF0]  }
0x285: {  	v14 =	vld [tilespmem:s11+$0x0]  }
0x286: {  	v15 =	vld [tilespmem:s11+$0x10]  }
0x287: {  	v16 =	vld [tilespmem:s11+$0x20]  }
0x288: {  	[tilespmem:v1+s17+$0x0] =	vst.idx.add.f32.msk $0xffff, v4  }
0x289: {  	[tilespmem:v9+s17+$0x0] =	vst.idx.add.f32.msk $0xffff, v10  }
0x28a: {  	[tilespmem:v2+s17+$0x0] =	vst.idx.add.f32.msk $0xffff, v11  }
0x28b: {  	[tilespmem:v3+s17+$0x0] =	vst.idx.add.f32.msk $0xffff, v12  }
0x28c: {  	[tilespmem:v5+s17+$0x0] =	vst.idx.add.f32.msk $0xffff, v13  }
0x28d: {  	[tilespmem:v6+s17+$0x0] =	vst.idx.add.f32.msk $0xffff, v14  }
0x28e: {  	[tilespmem:v7+s17+$0x0] =	vst.idx.add.f32.msk $0xffff, v15  }
0x28f: {  	s20 =	simm.s32 $0xA040;
	[tilespmem:v8+s17+$0x0] =	vst.idx.add.f32.msk $0xffff, v16  }
0x290: {  	v4 =	vld [tilespmem:s20+$0x30]  }
0x291: {  	v58 =	vld [tilespmem:s20+$0xFFFFFFD0]  }
0x292: {  	v59 =	vld [tilespmem:s20+$0xFFFFFFE0]  }
0x293: {  	v60 =	vld [tilespmem:s20+$0xFFFFFFF0]  }
0x294: {  	v61 =	vld [tilespmem:s20+$0x0]  }
0x295: {  	v62 =	vld [tilespmem:s20+$0x10]  }
0x296: {  	v63 =	vld [tilespmem:s20+$0x20]  }
0x297: {  	[tilespmem:v1+s2+$0x0] =	vst.idx.add.f32.msk $0xffff, v4  }
0x298: {  	[tilespmem:v2+s2+$0x0] =	vst.idx.add.f32.msk $0xffff, v58  }
0x299: {  	[tilespmem:v3+s2+$0x0] =	vst.idx.add.f32.msk $0xffff, v59  }
0x29a: {  	[tilespmem:v5+s2+$0x0] =	vst.idx.add.f32.msk $0xffff, v60  }
0x29b: {  	[tilespmem:v6+s2+$0x0] =	vst.idx.add.f32.msk $0xffff, v61  }
0x29c: {  	[tilespmem:v7+s2+$0x0] =	vst.idx.add.f32.msk $0xffff, v62  }
0x29d: {  	s21 =	simm.s32 $0xE040;
	[tilespmem:v8+s2+$0x0] =	vst.idx.add.f32.msk $0xffff, v63  }
0x29e: {  	v4 =	vld [tilespmem:s21+$0x30]  }
0x29f: {  	v10 =	vld [tilespmem:s21+$0xFFFFFFE0]  }
0x2a0: {  	v11 =	vld [tilespmem:s21+$0xFFFFFFF0]  }
0x2a1: {  	v12 =	vld [tilespmem:s21+$0x0]  }
0x2a2: {  	v13 =	vld [tilespmem:s21+$0x10]  }
0x2a3: {  	v14 =	vld [tilespmem:s21+$0x20]  }
0x2a4: {  	[tilespmem:v1+s9+$0x0] =	vst.idx.add.f32.msk $0xffff, v4  }
0x2a5: {  	[tilespmem:v3+s9+$0x0] =	vst.idx.add.f32.msk $0xffff, v10  }
0x2a6: {  	[tilespmem:v5+s9+$0x0] =	vst.idx.add.f32.msk $0xffff, v11  }
0x2a7: {  	s22 =	simm.s32 $0x12040;
	[tilespmem:v6+s9+$0x0] =	vst.idx.add.f32.msk $0xffff, v12  }
0x2a8: {  	v4 =	vld [tilespmem:s22+$0x30]  }
0x2a9: {  	[tilespmem:v7+s9+$0x0] =	vst.idx.add.f32.msk $0xffff, v13  }
0x2aa: {  	[tilespmem:v8+s9+$0x0] =	vst.idx.add.f32.msk $0xffff, v14  }
0x2ab: {  	v10 =	vld [tilespmem:s22+$0xFFFFFFE0]  }
0x2ac: {  	v11 =	vld [tilespmem:s22+$0xFFFFFFF0]  }
0x2ad: {  	[tilespmem:v1+s10+$0x0] =	vst.idx.add.f32.msk $0xffff, v4  }
0x2ae: {  	v1 =	vld [tilespmem:s20+$0xFFFFFFC0]  }
0x2af: {  	v12 =	vld [tilespmem:s22+$0x0]  }
0x2b0: {  	v13 =	vld [tilespmem:s22+$0x10]  }
0x2b1: {  	v14 =	vld [tilespmem:s22+$0x20]  }
0x2b2: {  	v4 =	vld [tilespmem:s21+$0xFFFFFFD0]  }
0x2b3: {  	[tilespmem:v9+s2+$0x0] =	vst.idx.add.f32.msk $0xffff, v1  }
0x2b4: {  	v1 =	vld [tilespmem:s21+$0xFFFFFFC0]  }
0x2b5: {  	[tilespmem:v3+s10+$0x0] =	vst.idx.add.f32.msk $0xffff, v10  }
0x2b6: {  	[tilespmem:v5+s10+$0x0] =	vst.idx.add.f32.msk $0xffff, v11  }
0x2b7: {  	[tilespmem:v2+s9+$0x0] =	vst.idx.add.f32.msk $0xffff, v4  }
0x2b8: {  	v4 =	vld [tilespmem:s22+$0xFFFFFFD0]  }
0x2b9: {  	[tilespmem:v9+s9+$0x0] =	vst.idx.add.f32.msk $0xffff, v1  }
0x2ba: {  	v1 =	vld [tilespmem:s22+$0xFFFFFFC0]  }
0x2bb: {  	[tilespmem:v6+s10+$0x0] =	vst.idx.add.f32.msk $0xffff, v12  }
0x2bc: {  	[tilespmem:v7+s10+$0x0] =	vst.idx.add.f32.msk $0xffff, v13  }
0x2bd: {  	[tilespmem:v8+s10+$0x0] =	vst.idx.add.f32.msk $0xffff, v14  }
0x2be: {  	[tilespmem:v2+s10+$0x0] =	vst.idx.add.f32.msk $0xffff, v4  }
0x2bf: {  	s25 =	simm.s32 $0x20F0;
	s23 =	simm.s32 $0x0;
	[tilespmem:v9+s10+$0x0] =	vst.idx.add.f32.msk $0xffff, v1  }
.LBB2_13:
0x2c0: {  	v7 =	vld [tilespmem:s25+$0x0];
	s23 =	sadd.s32 $0x80, s23  }
0x2c1: {  	v1 =	vld [tilespmem:s25+$0xFFFFFFA0];
	p0 =	slt.u32 s23, $0x1F80  }
0x2c2: {  	s11 =	sadd.s32 $0x80, s11;
	v2 =	vld [tilespmem:s25+$0xFFFFFFB0]  }
0x2c3: {  	v8 =	vld [tilespmem:s11+$0x30]  }
0x2c4: {  	v3 =	vld [tilespmem:s25+$0xFFFFFFC0]  }
0x2c5: {  	v4 =	vld [tilespmem:s25+$0xFFFFFFD0]  }
0x2c6: {  	v5 =	vld [tilespmem:s25+$0xFFFFFFE0]  }
0x2c7: {  	v6 =	vld [tilespmem:s25+$0xFFFFFFF0]  }
0x2c8: {  	s20 =	sadd.s32 $0x80, s20;
	[tilespmem:v7+s17+$0x0] =	vst.idx.add.f32.msk $0xffff, v8  }
0x2c9: {  	v8 =	vld [tilespmem:s20+$0x30]  }
0x2ca: {  	v9 =	vld [tilespmem:s25+$0xFFFFFF90]  }
0x2cb: {  	v10 =	vld [tilespmem:s11+$0xFFFFFFC0]  }
0x2cc: {  	v11 =	vld [tilespmem:s11+$0xFFFFFFD0]  }
0x2cd: {  	v12 =	vld [tilespmem:s11+$0xFFFFFFE0]  }
0x2ce: {  	s21 =	sadd.s32 $0x80, s21;
	[tilespmem:v7+s2+$0x0] =	vst.idx.add.f32.msk $0xffff, v8  }
0x2cf: {  	v8 =	vld [tilespmem:s21+$0x30]  }
0x2d0: {  	v13 =	vld [tilespmem:s11+$0xFFFFFFF0]  }
0x2d1: {  	v14 =	vld [tilespmem:s11+$0x0]  }
0x2d2: {  	v15 =	vld [tilespmem:s11+$0x10]  }
0x2d3: {  	v16 =	vld [tilespmem:s11+$0x20]  }
0x2d4: {  	s22 =	sadd.s32 $0x80, s22;
	[tilespmem:v7+s9+$0x0] =	vst.idx.add.f32.msk $0xffff, v8  }
0x2d5: {  	v8 =	vld [tilespmem:s22+$0x30]  }
0x2d6: {  	[tilespmem:v9+s17+$0x0] =	vst.idx.add.f32.msk $0xffff, v10  }
0x2d7: {  	[tilespmem:v1+s17+$0x0] =	vst.idx.add.f32.msk $0xffff, v11  }
0x2d8: {  	[tilespmem:v2+s17+$0x0] =	vst.idx.add.f32.msk $0xffff, v12  }
0x2d9: {  	[tilespmem:v3+s17+$0x0] =	vst.idx.add.f32.msk $0xffff, v13  }
0x2da: {  	[tilespmem:v7+s10+$0x0] =	vst.idx.add.f32.msk $0xffff, v8  }
0x2db: {  	[tilespmem:v4+s17+$0x0] =	vst.idx.add.f32.msk $0xffff, v14  }
0x2dc: {  	[tilespmem:v5+s17+$0x0] =	vst.idx.add.f32.msk $0xffff, v15  }
0x2dd: {  	[tilespmem:v6+s17+$0x0] =	vst.idx.add.f32.msk $0xffff, v16  }
0x2de: {  	v7 =	vld [tilespmem:s20+$0xFFFFFFC0]  }
0x2df: {  	v8 =	vld [tilespmem:s20+$0xFFFFFFD0]  }
0x2e0: {  	v10 =	vld [tilespmem:s20+$0xFFFFFFE0]  }
0x2e1: {  	v11 =	vld [tilespmem:s20+$0xFFFFFFF0]  }
0x2e2: {  	v12 =	vld [tilespmem:s20+$0x0]  }
0x2e3: {  	v13 =	vld [tilespmem:s20+$0x10]  }
0x2e4: {  	v14 =	vld [tilespmem:s20+$0x20]  }
0x2e5: {  	[tilespmem:v9+s2+$0x0] =	vst.idx.add.f32.msk $0xffff, v7  }
0x2e6: {  	[tilespmem:v1+s2+$0x0] =	vst.idx.add.f32.msk $0xffff, v8  }
0x2e7: {  	[tilespmem:v2+s2+$0x0] =	vst.idx.add.f32.msk $0xffff, v10  }
0x2e8: {  	[tilespmem:v3+s2+$0x0] =	vst.idx.add.f32.msk $0xffff, v11  }
0x2e9: {  	[tilespmem:v4+s2+$0x0] =	vst.idx.add.f32.msk $0xffff, v12  }
0x2ea: {  	[tilespmem:v5+s2+$0x0] =	vst.idx.add.f32.msk $0xffff, v13  }
0x2eb: {  	[tilespmem:v6+s2+$0x0] =	vst.idx.add.f32.msk $0xffff, v14  }
0x2ec: {  	v7 =	vld [tilespmem:s21+$0xFFFFFFC0]  }
0x2ed: {  	v8 =	vld [tilespmem:s21+$0xFFFFFFD0]  }
0x2ee: {  	v10 =	vld [tilespmem:s21+$0xFFFFFFE0]  }
0x2ef: {  	v11 =	vld [tilespmem:s21+$0xFFFFFFF0]  }
0x2f0: {  	v12 =	vld [tilespmem:s21+$0x0]  }
0x2f1: {  	v13 =	vld [tilespmem:s21+$0x10]  }
0x2f2: {  	v14 =	vld [tilespmem:s21+$0x20]  }
0x2f3: {  	[tilespmem:v9+s9+$0x0] =	vst.idx.add.f32.msk $0xffff, v7  }
0x2f4: {  	[tilespmem:v1+s9+$0x0] =	vst.idx.add.f32.msk $0xffff, v8  }
0x2f5: {  	[tilespmem:v2+s9+$0x0] =	vst.idx.add.f32.msk $0xffff, v10  }
0x2f6: {  	[tilespmem:v3+s9+$0x0] =	vst.idx.add.f32.msk $0xffff, v11  }
0x2f7: {  	[tilespmem:v4+s9+$0x0] =	vst.idx.add.f32.msk $0xffff, v12  }
0x2f8: {  	[tilespmem:v5+s9+$0x0] =	vst.idx.add.f32.msk $0xffff, v13  }
0x2f9: {  	[tilespmem:v6+s9+$0x0] =	vst.idx.add.f32.msk $0xffff, v14  }
0x2fa: {  	v7 =	vld [tilespmem:s22+$0xFFFFFFC0]  }
0x2fb: {  	v8 =	vld [tilespmem:s22+$0xFFFFFFD0]  }
0x2fc: {  	v10 =	vld [tilespmem:s22+$0xFFFFFFE0]  }
0x2fd: {  	v11 =	vld [tilespmem:s22+$0xFFFFFFF0]  }
0x2fe: {  	v12 =	vld [tilespmem:s22+$0x0]  }
0x2ff: {  	v13 =	vld [tilespmem:s22+$0x10]  }
0x300: {  	v14 =	vld [tilespmem:s22+$0x20]  }
0x301: {  	[tilespmem:v9+s10+$0x0] =	vst.idx.add.f32.msk $0xffff, v7  }
0x302: {  	[tilespmem:v1+s10+$0x0] =	vst.idx.add.f32.msk $0xffff, v8  }
.Ltmp5:
0x303: {  	[tilespmem:v2+s10+$0x0] =	vst.idx.add.f32.msk $0xffff, v10;
	(pc) =	sbr.rel @p0 .LBB2_13-.Ltmp5, $4  }
0x304: {  	[tilespmem:v3+s10+$0x0] =	vst.idx.add.f32.msk $0xffff, v11  }
0x305: {  	[tilespmem:v4+s10+$0x0] =	vst.idx.add.f32.msk $0xffff, v12  }
0x306: {  	[tilespmem:v5+s10+$0x0] =	vst.idx.add.f32.msk $0xffff, v13  }
0x307: {  	s25 =	sadd.s32 $0x80, s25;
	[tilespmem:v6+s10+$0x0] =	vst.idx.add.f32.msk $0xffff, v14  }
0x308: {  	s11 =	smul.u32 $0xA400, s12;
	_ =	sdelay $0x1  }
0x309: {  	s12 =	sadd.s32 s8, s11  }
0x30a: {  	s20 =	sor.u32 s15, s12  }
0x30b: {  	s13 =	sadd.s32 $0x1, s13;
	s12 =	sor.u32 s18, s12;
	s20 =	sshrl.u32 s20, $0x3  }
0x30c: {  	s11 =	sadd.s32 s14, s11;
	s12 =	sshrl.u32 s12, $0x3;
	s20 =	sadd.s32 s6, s20  }
0x30d: {  	[hbm4b:s20+s16] =	stream.strided.scatter [tilespmem:s17], [sflag:$0x2], $0x1480, s19, s16, $0x38;
	[tilespmem:$0x1E400] =	vst v63  }
0x30e: {  	p0 =	sne.s32 s13, $0x8;
	s28 =	sor.u32 s15, s11;
	s12 =	sadd.s32 s6, s12  }
0x30f: {  	[hbm4b:s12+s16] =	stream.strided.scatter [tilespmem:s2], [sflag:$0x2], $0x1480, s19, s16, $0x38;
	[tilespmem:$0x1E400] =	vst v63  }
.Ltmp6:
0x310: {  	s11 =	sor.u32 s18, s11;
	s12 =	sshrl.u32 s28, $0x3;
	(pc) =	sbr.rel @p0 .LBB2_2-.Ltmp6, $4  }
0x311: {  	s11 =	sshrl.u32 s11, $0x3;
	s12 =	sadd.s32 s6, s12  }
0x312: {  	[hbm4b:s12+s16] =	stream.strided.scatter [tilespmem:s9], [sflag:$0x2], $0x1480, s19, s16, $0x38;
	[tilespmem:$0x1E400] =	vst v63  }
0x313: {  	s11 =	sadd.s32 s6, s11  }
0x314: {  	[hbm4b:s11+s16] =	stream.strided.scatter [tilespmem:s10], [sflag:$0x2], $0x1480, s19, s16, $0x38;
	[tilespmem:$0x1E400] =	vst v63  }
0x315: {  	s12 =	simm.s32 $0x2  }
0x316: {  	_ =	swait.ge [sflag:s12], $0x1480  }
0x317: {  	[sflag:s12] =	ssyncset.done $0x0  }
0x318: {  	[sflag:s12] =	ssyncadd.s32 $0xFFFFEB80  }
0x319: {  	_ =	swait.ge [sflag:s12], $0x1480  }
0x31a: {  	[sflag:s12] =	ssyncset.done $0x0  }
0x31b: {  	[sflag:s12] =	ssyncadd.s32 $0xFFFFEB80  }
0x31c: {  	_ =	swait.ge [sflag:s12], $0x1480  }
0x31d: {  	[sflag:s12] =	ssyncset.done $0x0  }
0x31e: {  	[sflag:s12] =	ssyncadd.s32 $0xFFFFEB80  }
0x31f: {  	_ =	swait.ge [sflag:s12], $0x1480  }
0x320: {  	[sflag:s12] =	ssyncset.done $0x0  }
0x321: {  	[sflag:s12] =	ssyncadd.s32 $0xFFFFEB80  }
0x322: {  	_ =	swait.ge [sflag:s12], $0x1480  }
0x323: {  	[sflag:s12] =	ssyncset.done $0x0  }
0x324: {  	[sflag:s12] =	ssyncadd.s32 $0xFFFFEB80  }
0x325: {  	_ =	swait.ge [sflag:s12], $0x1480  }
0x326: {  	[sflag:s12] =	ssyncset.done $0x0  }
0x327: {  	[sflag:s12] =	ssyncadd.s32 $0xFFFFEB80  }
0x328: {  	_ =	swait.ge [sflag:s12], $0x1480  }
0x329: {  	[sflag:s12] =	ssyncset.done $0x0  }
0x32a: {  	[sflag:s12] =	ssyncadd.s32 $0xFFFFEB80  }
0x32b: {  	_ =	swait.ge [sflag:s12], $0x1480  }
0x32c: {  	s13 =	rddreg [dreg:$0x8]  }
0x32d: {  	s11 =	rddreg [dreg:$0x7];
	s13 =	sadd.s32 $0x1, s13  }
0x32e: {  	p0 =	sne.s32 s13, s11  }
.Ltmp7:
0x32f: {  	_ = 	snop;
	(pc) =	sbr.rel @p0 .LBB2_1-.Ltmp7, $3  }
0x330: {  	_ =	sdelay $0x1  }
0x331: {  	[sflag:s12] =	ssyncset.done $0x0  }
0x332: {  	[sflag:s12] =	ssyncadd.s32 $0xFFFFEB80  }
0x333: {  	_ =	sfence.sel $0x180000  }
0x334: {  	[bflag:$0x0] =	sbarrier.arrive $0xFFFF  }
0x335: {  	_ =	strace $0x90000047  }
0x336: {  	s0 =	stileid.u32;
	[bflag:$0x2] =	sbarrier.arrive $0xFFFF  }
0x337: {  	p0 =	sne.s32 s0, $0x0;
	s0 =	rddreg [dreg:$0x1]  }
0x338: {  	s0 =	sadd.s32 @!p0 $0x100000, s0  }
0x339: {  	[sflag:s0] =	ssyncadd.tile.s32 @!p0 $0x1;
	_ =	shalt  }
.Lfunc_end2:
_tile_overlayer_lowered:
.L_overlay_start_2:
0x33a: {  	(tag) =	ssettag $0x2  }
0x33b: {  	s0 =	rddreg [dreg:$0x0];
	s2 =	stileid.u32  }
0x33c: {  	s1 =	rddreg [dreg:$0x1];
	p0 =	sne.s32 s2, $0x0  }
0x33d: {  	s3 =	rddreg [dreg:$0x2];
	[bflag:$0x3] =	sbarrier.arrive $0xFFFF;
	s2 =	simm.s32 @!p0 $0x1C03  }
0x33e: {  	[timem:s3], [sflag:s2] =	dma.local @!p0 [hbm:s0], s1  }
0x33f: {  	s0 =	simm.s32 @!p0 $0x3  }
0x340: {  	_ =	swait.ge @!p0 [sflag:s0], s1  }
0x341: {  	s1 =	ssub.s32 @!p0 $0x0, s1;
	[sflag:s0] =	ssyncset.done @!p0 $0x0  }
0x342: {  	[sflag:s0] =	ssyncadd.s32 @!p0 s1  }
0x343: {  	[bflag:$0x3] =	sbarrier.arrive $0xFFFF  }
0x344: {  	_ =	shalt  }

</sc_bundles>
